<compile_context>
chip_gen: v7x
topology: tpu7x:2x2x1
jax: 0.10.2.dev20260603
libtpu: 0.0.44.dev20260713+nightly
codegen_flags: <defaults>
</compile_context>

<pallas_src>
import functools

import jax
import jax.numpy as jnp
from jax import lax
from jax.experimental import pallas as pl
from jax.experimental.pallas import tpu as pltpu
from jax.experimental.pallas import tpu_sc as plsc

B = 16
D = 128
TOTAL = 32768
SC_ROWS = TOTAL // 2
NW = 32
RPW = SC_ROWS // NW
CH = 128
NCH = RPW // CH
LANES = 16
G = D // LANES
RB = 2048


def _sc_partial_sums(x_flat, nv):
    mesh = plsc.VectorSubcoreMesh(core_axis_name="c", subcore_axis_name="s")

    @functools.partial(
        pl.kernel,
        mesh=mesh,
        out_type=jax.ShapeDtypeStruct((NW * B * D,), jnp.float32),
        scratch_types=[
            pltpu.VMEM((B,), jnp.int32),
            pltpu.VMEM((CH * D,), jnp.float32),
            pltpu.VMEM((CH * D,), jnp.float32),
            pltpu.VMEM((CH * D,), jnp.float32),
            pltpu.VMEM((B * D,), jnp.float32),
            pltpu.SMEM((B + 1,), jnp.int32),
            pltpu.SemaphoreType.DMA,
            pltpu.SemaphoreType.DMA,
            pltpu.SemaphoreType.DMA,
        ],
        compiler_params=pltpu.CompilerParams(needs_layout_passes=False),
    )
    def k(x_hbm, nv_hbm, part_hbm, nv_v, b0, b1, b2, acc_v, bnd_s,
          s0, s1, s2):
        wid = lax.axis_index("s") * 2 + lax.axis_index("c")

        pltpu.sync_copy(nv_hbm, nv_v)
        nv_vec = nv_v[...]
        lanes = lax.iota(jnp.int32, LANES)

        incl = nv_vec
        for sh in (1, 2, 4, 8):
            shifted = incl.at[jnp.maximum(lanes - sh, 0)].get(
                mode="promise_in_bounds")
            incl = incl + jnp.where(lanes >= sh, shifted, 0)
        starts_vec = incl - nv_vec
        for s in range(B):
            bnd_s[s] = jnp.sum(jnp.where(lanes == s, starts_vec, 0))
        bnd_s[B] = jnp.sum(jnp.where(lanes == B - 1, incl, 0))

        zero = jnp.zeros((LANES,), jnp.float32)
        for i in range(B * D // LANES):
            acc_v[pl.ds(i * LANES, LANES)] = zero

        row_lo = wid * RPW
        bufs = [b0, b1, b2]
        sems = [s0, s1, s2]

        def start_chunk(kk, which):
            base = row_lo + kk * CH
            return pltpu.async_copy(
                x_hbm.at[pl.ds(base * D, CH * D)], bufs[which], sems[which])

        def consume(kk, buf_v):
            base = row_lo + kk * CH

            def seg_body(s, carry):
                a = jnp.clip(bnd_s[s] - base, 0, CH)
                b = jnp.clip(bnd_s[s + 1] - base, 0, CH)

                @pl.when(b > a)
                def _():
                    zcarry = tuple(zero for _ in range(G))

                    @plsc.parallel_loop(a, b, unroll=2, carry=zcarry)
                    def row_body(rr, vs):
                        return tuple(
                            vs[g] + buf_v[pl.ds(rr * D + g * LANES, LANES)]
                            for g in range(G))

                    for g in range(G):
                        off = s * D + g * LANES
                        acc_v[pl.ds(off, LANES)] += row_body[g]

                return carry

            lax.fori_loop(0, B, seg_body, 0)

        NBUF = 3
        for kk in range(NBUF - 1):
            start_chunk(kk, kk)
        for kk in range(NCH):
            w = kk % NBUF
            pltpu.make_async_copy(
                x_hbm.at[pl.ds(0, CH * D)], bufs[w], sems[w]).wait()
            if kk + NBUF - 1 < NCH:
                start_chunk(kk + NBUF - 1, (kk + NBUF - 1) % NBUF)
            consume(kk, bufs[w])
        pltpu.sync_copy(acc_v, part_hbm.at[pl.ds(wid * B * D, B * D)])

    return k(x_flat, nv)


def _tc_segsum(x2d, starts, ends):
    nblk = (TOTAL - SC_ROWS) // RB

    def body(x_ref, s_ref, e_ref, o_ref):
        k = pl.program_id(0)
        rows = (SC_ROWS + k * RB
                + jax.lax.broadcasted_iota(jnp.int32, (B, RB), 1))
        mask = ((rows >= s_ref[...]) & (rows < e_ref[...])).astype(jnp.float32)
        part = jnp.dot(mask, x_ref[...], preferred_element_type=jnp.float32,
                       precision=jax.lax.Precision.HIGHEST)

        @pl.when(k == 0)
        def _():
            o_ref[...] = jnp.zeros_like(o_ref)

        o_ref[...] += part

    return pl.pallas_call(
        body,
        grid=(nblk,),
        in_specs=[
            pl.BlockSpec((RB, D), lambda k: (SC_ROWS // RB + k, 0)),
            pl.BlockSpec((B, 1), lambda k: (0, 0)),
            pl.BlockSpec((B, 1), lambda k: (0, 0)),
        ],
        out_specs=pl.BlockSpec((B, D), lambda k: (0, 0)),
        out_shape=jax.ShapeDtypeStruct((B, D), jnp.float32),
    )(x2d, starts, ends)


def _tc_combine(partials, tc_part, nv):
    def body(p_ref, t_ref, c_ref, o_ref):
        acc = t_ref[...]
        for i in range(NW):
            acc = acc + p_ref[i]
        counts = jnp.maximum(c_ref[...].astype(jnp.float32), 1.0)
        o_ref[...] = acc / counts

    return pl.pallas_call(
        body,
        out_shape=jax.ShapeDtypeStruct((B, D), jnp.float32),
    )(partials, tc_part, nv)


def kernel(inputs, nv_in):
    x_flat = inputs.reshape(-1)
    part = _sc_partial_sums(x_flat, nv_in)
    ends = jnp.cumsum(nv_in).astype(jnp.int32).reshape(B, 1)
    starts = ends - nv_in.reshape(B, 1)
    tc_part = _tc_segsum(inputs, starts, ends)
    partials = part.reshape(NW, B, D)
    return _tc_combine(partials, tc_part, nv_in.reshape(B, 1))

# --- scband reference (transcript-rebuilt; emitter-appended) ---
"""Pipeline reference for scband-global-pool3d-10763188043855 (READ-ONLY COPY).

The authoritative reference and input builder live on the scoring server;
editing this copy changes nothing except your own understanding.
"""

import jax, jax.numpy as jnp
import numpy as np


def setup_inputs(seed: int = 0) -> dict:
    key = jax.random.key(seed)
    batch = 16
    verts_per_sample = 2048
    total = batch * verts_per_sample  # 32768 ragged mesh vertices, all samples equal size here
    d = 128
    inputs = jax.random.normal(jax.random.fold_in(key, 0), (total, d), dtype=jnp.float32)
    # nv_in[b] = number of vertices belonging to sample b; sum(nv_in) == total
    nv_in = jnp.full((batch,), verts_per_sample, dtype=jnp.int32)
    return {"inputs": inputs, "nv_in": nv_in}


def reference(inputs, nv_in):
    # GlobalPool3d with method='avg': per-sample mean over a ragged set of mesh vertices.
    # sample_idx = torch.arange(batch).repeat_interleave(nv_in) -> segment ids
    batch = nv_in.shape[0]
    total = inputs.shape[0]
    sample_idx = jnp.repeat(jnp.arange(batch), nv_in, total_repeat_length=total)
    sums = jax.ops.segment_sum(inputs, sample_idx, num_segments=batch)
    counts = jax.ops.segment_sum(jnp.ones((total,), dtype=inputs.dtype), sample_idx, num_segments=batch)
    outputs = sums / jnp.maximum(counts, 1.0)[:, None]  # scatter_mean
    return outputs

if __name__ == "__main__":
    import jax
    _d = setup_inputs()
    print(jax.jit(kernel)(*tuple(_d.values())))

</pallas_src>

<mosaic_0001>
#map = affine_map<(d0, d1) -> (0)>
module attributes {stable_mosaic.version = 14 : i64} {
  func.func @k(%arg0: i32, %arg1: i32, %arg2: memref<4194304xf32, #tpu.memory_space<hbm>>, %arg3: memref<16xi32, #tpu.memory_space<hbm>>, %arg4: memref<65536xf32, #tpu.memory_space<hbm>>, %arg5: memref<16xi32, #tpu.memory_space<vmem>>, %arg6: memref<16384xf32, #tpu.memory_space<vmem>>, %arg7: memref<16384xf32, #tpu.memory_space<vmem>>, %arg8: memref<16384xf32, #tpu.memory_space<vmem>>, %arg9: memref<2048xf32, #tpu.memory_space<vmem>>, %arg10: memref<17xi32, #tpu.memory_space<smem>>, %arg11: memref<!tpu.dma_semaphore, #tpu.memory_space<semaphore_mem>>, %arg12: memref<!tpu.dma_semaphore, #tpu.memory_space<semaphore_mem>>, %arg13: memref<!tpu.dma_semaphore, #tpu.memory_space<semaphore_mem>>) attributes {dimension_semantics = [#tpu.dimension_semantics<core_parallel>, #tpu.dimension_semantics<subcore_parallel>], iteration_bounds = array<i64: 2, 16>, scalar_prefetch = 0 : i64, scratch_operands = 9 : i64, tpu.core_type = #tpu.core_type<sc_vector_subcore>, window_params = [{transform_indices = #map}, {transform_indices = #map}, {transform_indices = #map}]} {
    %mul3A = arith.constant 2 : i32
    %mul3A_0 = arith.muli %arg1, %mul3A : i32
    %add3A = arith.addi %mul3A_0, %arg0 : i32
    "tpu.region"() ({
      %run_scoped3A = tpu.sem_alloc : memref<!tpu.dma_semaphore, #tpu.memory_space<semaphore_mem>>
      tpu.enqueue_dma source(%arg3 : memref<16xi32, #tpu.memory_space<hbm>>) target(%arg5 : memref<16xi32, #tpu.memory_space<vmem>>) target_semaphore(%run_scoped3A : memref<!tpu.dma_semaphore, #tpu.memory_space<semaphore_mem>>)
      tpu.wait_dma2 semaphore(%run_scoped3A : memref<!tpu.dma_semaphore, #tpu.memory_space<semaphore_mem>>) src(%arg3 : memref<16xi32, #tpu.memory_space<hbm>>) dst(%arg5 : memref<16xi32, #tpu.memory_space<vmem>>)
      tpu.yield
    }) : () -> ()
    %get3A = arith.constant 0 : index
    %get3A_1 = tpu.vector_load %arg5[%get3A] {strides = array<i32>} : memref<16xi32, #tpu.memory_space<vmem>>, vector<16xi32>,
    %iota3A = tpu.iota {dimensions = array<i32: 0>} : vector<16xi32>
    %sub3A = arith.constant 1 : i32
    %sub3A_2 = vector.broadcast %sub3A : i32 to vector<16xi32>
    %sub3A_3 = arith.subi %iota3A, %sub3A_2 : vector<16xi32>
    %max3A = arith.constant 0 : i32
    %max3A_4 = vector.broadcast %max3A : i32 to vector<16xi32>
    %max3A_5 = arith.maxsi %sub3A_3, %max3A_4 : vector<16xi32>
    %lt3A = arith.constant 0 : i32
    %lt3A_6 = vector.broadcast %lt3A : i32 to vector<16xi32>
    %lt3A_7 = arith.cmpi slt, %max3A_5, %lt3A_6 : vector<16xi32>
    %add3A_8 = arith.constant 16 : i32
    %add3A_9 = vector.broadcast %add3A_8 : i32 to vector<16xi32>
    %add3A_10 = arith.addi %max3A_5, %add3A_9 : vector<16xi32>
    %select_n3A = arith.select %lt3A_7, %add3A_10, %max3A_5 : vector<16xi1>, vector<16xi32>
    %broadcast_in_dim3A = vector.shape_cast %select_n3A : vector<16xi32> to vector<16x1xi32>
    %gather3A = vector.shape_cast %broadcast_in_dim3A : vector<16x1xi32> to vector<16xi32>
    %gather3A_11 = tpu.dynamic_gather %get3A_1[%gather3A] in [0] : vector<16xi32>, vector<16xi32> -> vector<16xi32>
    %ge3A = arith.constant 1 : i32
    %ge3A_12 = vector.broadcast %ge3A : i32 to vector<16xi32>
    %ge3A_13 = arith.cmpi sge, %iota3A, %ge3A_12 : vector<16xi32>
    %jit3A = arith.constant 0 : i32
    %broadcast_in_dim3A_14 = vector.broadcast %jit3A : i32 to vector<16xi32>
    %select_n3A_15 = arith.select %ge3A_13, %gather3A_11, %broadcast_in_dim3A_14 : vector<16xi1>, vector<16xi32>
    %add3A_16 = arith.addi %get3A_1, %select_n3A_15 : vector<16xi32>
    %sub3A_17 = arith.constant 2 : i32
    %sub3A_18 = vector.broadcast %sub3A_17 : i32 to vector<16xi32>
    %sub3A_19 = arith.subi %iota3A, %sub3A_18 : vector<16xi32>
    %max3A_20 = arith.constant 0 : i32
    %max3A_21 = vector.broadcast %max3A_20 : i32 to vector<16xi32>
    %max3A_22 = arith.maxsi %sub3A_19, %max3A_21 : vector<16xi32>
    %lt3A_23 = arith.constant 0 : i32
    %lt3A_24 = vector.broadcast %lt3A_23 : i32 to vector<16xi32>
    %lt3A_25 = arith.cmpi slt, %max3A_22, %lt3A_24 : vector<16xi32>
    %add3A_26 = arith.constant 16 : i32
    %add3A_27 = vector.broadcast %add3A_26 : i32 to vector<16xi32>
    %add3A_28 = arith.addi %max3A_22, %add3A_27 : vector<16xi32>
    %select_n3A_29 = arith.select %lt3A_25, %add3A_28, %max3A_22 : vector<16xi1>, vector<16xi32>
    %broadcast_in_dim3A_30 = vector.shape_cast %select_n3A_29 : vector<16xi32> to vector<16x1xi32>
    %gather3A_31 = vector.shape_cast %broadcast_in_dim3A_30 : vector<16x1xi32> to vector<16xi32>
    %gather3A_32 = tpu.dynamic_gather %add3A_16[%gather3A_31] in [0] : vector<16xi32>, vector<16xi32> -> vector<16xi32>
    %ge3A_33 = arith.constant 2 : i32
    %ge3A_34 = vector.broadcast %ge3A_33 : i32 to vector<16xi32>
    %ge3A_35 = arith.cmpi sge, %iota3A, %ge3A_34 : vector<16xi32>
    %jit3A_36 = arith.constant 0 : i32
    %broadcast_in_dim3A_37 = vector.broadcast %jit3A_36 : i32 to vector<16xi32>
    %select_n3A_38 = arith.select %ge3A_35, %gather3A_32, %broadcast_in_dim3A_37 : vector<16xi1>, vector<16xi32>
    %add3A_39 = arith.addi %add3A_16, %select_n3A_38 : vector<16xi32>
    %sub3A_40 = arith.constant 4 : i32
    %sub3A_41 = vector.broadcast %sub3A_40 : i32 to vector<16xi32>
    %sub3A_42 = arith.subi %iota3A, %sub3A_41 : vector<16xi32>
    %max3A_43 = arith.constant 0 : i32
    %max3A_44 = vector.broadcast %max3A_43 : i32 to vector<16xi32>
    %max3A_45 = arith.maxsi %sub3A_42, %max3A_44 : vector<16xi32>
    %lt3A_46 = arith.constant 0 : i32
    %lt3A_47 = vector.broadcast %lt3A_46 : i32 to vector<16xi32>
    %lt3A_48 = arith.cmpi slt, %max3A_45, %lt3A_47 : vector<16xi32>
    %add3A_49 = arith.constant 16 : i32
    %add3A_50 = vector.broadcast %add3A_49 : i32 to vector<16xi32>
    %add3A_51 = arith.addi %max3A_45, %add3A_50 : vector<16xi32>
    %select_n3A_52 = arith.select %lt3A_48, %add3A_51, %max3A_45 : vector<16xi1>, vector<16xi32>
    %broadcast_in_dim3A_53 = vector.shape_cast %select_n3A_52 : vector<16xi32> to vector<16x1xi32>
    %gather3A_54 = vector.shape_cast %broadcast_in_dim3A_53 : vector<16x1xi32> to vector<16xi32>
    %gather3A_55 = tpu.dynamic_gather %add3A_39[%gather3A_54] in [0] : vector<16xi32>, vector<16xi32> -> vector<16xi32>
    %ge3A_56 = arith.constant 4 : i32
    %ge3A_57 = vector.broadcast %ge3A_56 : i32 to vector<16xi32>
    %ge3A_58 = arith.cmpi sge, %iota3A, %ge3A_57 : vector<16xi32>
    %jit3A_59 = arith.constant 0 : i32
    %broadcast_in_dim3A_60 = vector.broadcast %jit3A_59 : i32 to vector<16xi32>
    %select_n3A_61 = arith.select %ge3A_58, %gather3A_55, %broadcast_in_dim3A_60 : vector<16xi1>, vector<16xi32>
    %add3A_62 = arith.addi %add3A_39, %select_n3A_61 : vector<16xi32>
    %sub3A_63 = arith.constant 8 : i32
    %sub3A_64 = vector.broadcast %sub3A_63 : i32 to vector<16xi32>
    %sub3A_65 = arith.subi %iota3A, %sub3A_64 : vector<16xi32>
    %max3A_66 = arith.constant 0 : i32
    %max3A_67 = vector.broadcast %max3A_66 : i32 to vector<16xi32>
    %max3A_68 = arith.maxsi %sub3A_65, %max3A_67 : vector<16xi32>
    %lt3A_69 = arith.constant 0 : i32
    %lt3A_70 = vector.broadcast %lt3A_69 : i32 to vector<16xi32>
    %lt3A_71 = arith.cmpi slt, %max3A_68, %lt3A_70 : vector<16xi32>
    %add3A_72 = arith.constant 16 : i32
    %add3A_73 = vector.broadcast %add3A_72 : i32 to vector<16xi32>
    %add3A_74 = arith.addi %max3A_68, %add3A_73 : vector<16xi32>
    %select_n3A_75 = arith.select %lt3A_71, %add3A_74, %max3A_68 : vector<16xi1>, vector<16xi32>
    %broadcast_in_dim3A_76 = vector.shape_cast %select_n3A_75 : vector<16xi32> to vector<16x1xi32>
    %gather3A_77 = vector.shape_cast %broadcast_in_dim3A_76 : vector<16x1xi32> to vector<16xi32>
    %gather3A_78 = tpu.dynamic_gather %add3A_62[%gather3A_77] in [0] : vector<16xi32>, vector<16xi32> -> vector<16xi32>
    %ge3A_79 = arith.constant 8 : i32
    %ge3A_80 = vector.broadcast %ge3A_79 : i32 to vector<16xi32>
    %ge3A_81 = arith.cmpi sge, %iota3A, %ge3A_80 : vector<16xi32>
    %jit3A_82 = arith.constant 0 : i32
    %broadcast_in_dim3A_83 = vector.broadcast %jit3A_82 : i32 to vector<16xi32>
    %select_n3A_84 = arith.select %ge3A_81, %gather3A_78, %broadcast_in_dim3A_83 : vector<16xi1>, vector<16xi32>
    %add3A_85 = arith.addi %add3A_62, %select_n3A_84 : vector<16xi32>
    %sub3A_86 = arith.subi %add3A_85, %get3A_1 : vector<16xi32>
    %eq3A = arith.constant 0 : i32
    %eq3A_87 = vector.broadcast %eq3A : i32 to vector<16xi32>
    %eq3A_88 = arith.cmpi eq, %iota3A, %eq3A_87 : vector<16xi32>
    %jit3A_89 = arith.constant 0 : i32
    %broadcast_in_dim3A_90 = vector.broadcast %jit3A_89 : i32 to vector<16xi32>
    %select_n3A_91 = arith.select %eq3A_88, %sub3A_86, %broadcast_in_dim3A_90 : vector<16xi1>, vector<16xi32>
    %reduce_sum3A = arith.constant true
    %reduce_sum3A_92 = vector.broadcast %reduce_sum3A : i1 to vector<16xi1>
    %reduce_sum3A_93 = tpu.scan <sum>, %select_n3A_91 masked %reduce_sum3A_92 : vector<16xi32>, vector<16xi1> -> vector<16xi32>
    %reduce_sum3A_94 = vector.extract %reduce_sum3A_93[15] : i32 from vector<16xi32>
    %swap3A = arith.constant 0 : i32
    %swap3A_95 = arith.index_cast %swap3A : i32 to index
    %swap3A_96 = memref.load %arg10[%swap3A_95] : memref<17xi32, #tpu.memory_space<smem>>
    memref.store %reduce_sum3A_94, %arg10[%swap3A_95] : memref<17xi32, #tpu.memory_space<smem>>
    %eq3A_97 = arith.constant 1 : i32
    %eq3A_98 = vector.broadcast %eq3A_97 : i32 to vector<16xi32>
    %eq3A_99 = arith.cmpi eq, %iota3A, %eq3A_98 : vector<16xi32>
    %jit3A_100 = arith.constant 0 : i32
    %broadcast_in_dim3A_101 = vector.broadcast %jit3A_100 : i32 to vector<16xi32>
    %select_n3A_102 = arith.select %eq3A_99, %sub3A_86, %broadcast_in_dim3A_101 : vector<16xi1>, vector<16xi32>
    %reduce_sum3A_103 = arith.constant true
    %reduce_sum3A_104 = vector.broadcast %reduce_sum3A_103 : i1 to vector<16xi1>
    %reduce_sum3A_105 = tpu.scan <sum>, %select_n3A_102 masked %reduce_sum3A_104 : vector<16xi32>, vector<16xi1> -> vector<16xi32>
    %reduce_sum3A_106 = vector.extract %reduce_sum3A_105[15] : i32 from vector<16xi32>
    %swap3A_107 = arith.constant 1 : i32
    %swap3A_108 = arith.index_cast %swap3A_107 : i32 to index
    %swap3A_109 = memref.load %arg10[%swap3A_108] : memref<17xi32, #tpu.memory_space<smem>>
    memref.store %reduce_sum3A_106, %arg10[%swap3A_108] : memref<17xi32, #tpu.memory_space<smem>>
    %eq3A_110 = arith.constant 2 : i32
    %eq3A_111 = vector.broadcast %eq3A_110 : i32 to vector<16xi32>
    %eq3A_112 = arith.cmpi eq, %iota3A, %eq3A_111 : vector<16xi32>
    %jit3A_113 = arith.constant 0 : i32
    %broadcast_in_dim3A_114 = vector.broadcast %jit3A_113 : i32 to vector<16xi32>
    %select_n3A_115 = arith.select %eq3A_112, %sub3A_86, %broadcast_in_dim3A_114 : vector<16xi1>, vector<16xi32>
    %reduce_sum3A_116 = arith.constant true
    %reduce_sum3A_117 = vector.broadcast %reduce_sum3A_116 : i1 to vector<16xi1>
    %reduce_sum3A_118 = tpu.scan <sum>, %select_n3A_115 masked %reduce_sum3A_117 : vector<16xi32>, vector<16xi1> -> vector<16xi32>
    %reduce_sum3A_119 = vector.extract %reduce_sum3A_118[15] : i32 from vector<16xi32>
    %swap3A_120 = arith.constant 2 : i32
    %swap3A_121 = arith.index_cast %swap3A_120 : i32 to index
    %swap3A_122 = memref.load %arg10[%swap3A_121] : memref<17xi32, #tpu.memory_space<smem>>
    memref.store %reduce_sum3A_119, %arg10[%swap3A_121] : memref<17xi32, #tpu.memory_space<smem>>
    %eq3A_123 = arith.constant 3 : i32
    %eq3A_124 = vector.broadcast %eq3A_123 : i32 to vector<16xi32>
    %eq3A_125 = arith.cmpi eq, %iota3A, %eq3A_124 : vector<16xi32>
    %jit3A_126 = arith.constant 0 : i32
    %broadcast_in_dim3A_127 = vector.broadcast %jit3A_126 : i32 to vector<16xi32>
    %select_n3A_128 = arith.select %eq3A_125, %sub3A_86, %broadcast_in_dim3A_127 : vector<16xi1>, vector<16xi32>
    %reduce_sum3A_129 = arith.constant true
    %reduce_sum3A_130 = vector.broadcast %reduce_sum3A_129 : i1 to vector<16xi1>
    %reduce_sum3A_131 = tpu.scan <sum>, %select_n3A_128 masked %reduce_sum3A_130 : vector<16xi32>, vector<16xi1> -> vector<16xi32>
    %reduce_sum3A_132 = vector.extract %reduce_sum3A_131[15] : i32 from vector<16xi32>
    %swap3A_133 = arith.constant 3 : i32
    %swap3A_134 = arith.index_cast %swap3A_133 : i32 to index
    %swap3A_135 = memref.load %arg10[%swap3A_134] : memref<17xi32, #tpu.memory_space<smem>>
    memref.store %reduce_sum3A_132, %arg10[%swap3A_134] : memref<17xi32, #tpu.memory_space<smem>>
    %eq3A_136 = arith.constant 4 : i32
    %eq3A_137 = vector.broadcast %eq3A_136 : i32 to vector<16xi32>
    %eq3A_138 = arith.cmpi eq, %iota3A, %eq3A_137 : vector<16xi32>
    %jit3A_139 = arith.constant 0 : i32
    %broadcast_in_dim3A_140 = vector.broadcast %jit3A_139 : i32 to vector<16xi32>
    %select_n3A_141 = arith.select %eq3A_138, %sub3A_86, %broadcast_in_dim3A_140 : vector<16xi1>, vector<16xi32>
    %reduce_sum3A_142 = arith.constant true
    %reduce_sum3A_143 = vector.broadcast %reduce_sum3A_142 : i1 to vector<16xi1>
    %reduce_sum3A_144 = tpu.scan <sum>, %select_n3A_141 masked %reduce_sum3A_143 : vector<16xi32>, vector<16xi1> -> vector<16xi32>
    %reduce_sum3A_145 = vector.extract %reduce_sum3A_144[15] : i32 from vector<16xi32>
    %swap3A_146 = arith.constant 4 : i32
    %swap3A_147 = arith.index_cast %swap3A_146 : i32 to index
    %swap3A_148 = memref.load %arg10[%swap3A_147] : memref<17xi32, #tpu.memory_space<smem>>
    memref.store %reduce_sum3A_145, %arg10[%swap3A_147] : memref<17xi32, #tpu.memory_space<smem>>
    %eq3A_149 = arith.constant 5 : i32
    %eq3A_150 = vector.broadcast %eq3A_149 : i32 to vector<16xi32>
    %eq3A_151 = arith.cmpi eq, %iota3A, %eq3A_150 : vector<16xi32>
    %jit3A_152 = arith.constant 0 : i32
    %broadcast_in_dim3A_153 = vector.broadcast %jit3A_152 : i32 to vector<16xi32>
    %select_n3A_154 = arith.select %eq3A_151, %sub3A_86, %broadcast_in_dim3A_153 : vector<16xi1>, vector<16xi32>
    %reduce_sum3A_155 = arith.constant true
    %reduce_sum3A_156 = vector.broadcast %reduce_sum3A_155 : i1 to vector<16xi1>
    %reduce_sum3A_157 = tpu.scan <sum>, %select_n3A_154 masked %reduce_sum3A_156 : vector<16xi32>, vector<16xi1> -> vector<16xi32>
    %reduce_sum3A_158 = vector.extract %reduce_sum3A_157[15] : i32 from vector<16xi32>
    %swap3A_159 = arith.constant 5 : i32
    %swap3A_160 = arith.index_cast %swap3A_159 : i32 to index
    %swap3A_161 = memref.load %arg10[%swap3A_160] : memref<17xi32, #tpu.memory_space<smem>>
    memref.store %reduce_sum3A_158, %arg10[%swap3A_160] : memref<17xi32, #tpu.memory_space<smem>>
    %eq3A_162 = arith.constant 6 : i32
    %eq3A_163 = vector.broadcast %eq3A_162 : i32 to vector<16xi32>
    %eq3A_164 = arith.cmpi eq, %iota3A, %eq3A_163 : vector<16xi32>
    %jit3A_165 = arith.constant 0 : i32
    %broadcast_in_dim3A_166 = vector.broadcast %jit3A_165 : i32 to vector<16xi32>
    %select_n3A_167 = arith.select %eq3A_164, %sub3A_86, %broadcast_in_dim3A_166 : vector<16xi1>, vector<16xi32>
    %reduce_sum3A_168 = arith.constant true
    %reduce_sum3A_169 = vector.broadcast %reduce_sum3A_168 : i1 to vector<16xi1>
    %reduce_sum3A_170 = tpu.scan <sum>, %select_n3A_167 masked %reduce_sum3A_169 : vector<16xi32>, vector<16xi1> -> vector<16xi32>
    %reduce_sum3A_171 = vector.extract %reduce_sum3A_170[15] : i32 from vector<16xi32>
    %swap3A_172 = arith.constant 6 : i32
    %swap3A_173 = arith.index_cast %swap3A_172 : i32 to index
    %swap3A_174 = memref.load %arg10[%swap3A_173] : memref<17xi32, #tpu.memory_space<smem>>
    memref.store %reduce_sum3A_171, %arg10[%swap3A_173] : memref<17xi32, #tpu.memory_space<smem>>
    %eq3A_175 = arith.constant 7 : i32
    %eq3A_176 = vector.broadcast %eq3A_175 : i32 to vector<16xi32>
    %eq3A_177 = arith.cmpi eq, %iota3A, %eq3A_176 : vector<16xi32>
    %jit3A_178 = arith.constant 0 : i32
    %broadcast_in_dim3A_179 = vector.broadcast %jit3A_178 : i32 to vector<16xi32>
    %select_n3A_180 = arith.select %eq3A_177, %sub3A_86, %broadcast_in_dim3A_179 : vector<16xi1>, vector<16xi32>
    %reduce_sum3A_181 = arith.constant true
    %reduce_sum3A_182 = vector.broadcast %reduce_sum3A_181 : i1 to vector<16xi1>
    %reduce_sum3A_183 = tpu.scan <sum>, %select_n3A_180 masked %reduce_sum3A_182 : vector<16xi32>, vector<16xi1> -> vector<16xi32>
    %reduce_sum3A_184 = vector.extract %reduce_sum3A_183[15] : i32 from vector<16xi32>
    %swap3A_185 = arith.constant 7 : i32
    %swap3A_186 = arith.index_cast %swap3A_185 : i32 to index
    %swap3A_187 = memref.load %arg10[%swap3A_186] : memref<17xi32, #tpu.memory_space<smem>>
    memref.store %reduce_sum3A_184, %arg10[%swap3A_186] : memref<17xi32, #tpu.memory_space<smem>>
    %eq3A_188 = arith.constant 8 : i32
    %eq3A_189 = vector.broadcast %eq3A_188 : i32 to vector<16xi32>
    %eq3A_190 = arith.cmpi eq, %iota3A, %eq3A_189 : vector<16xi32>
    %jit3A_191 = arith.constant 0 : i32
    %broadcast_in_dim3A_192 = vector.broadcast %jit3A_191 : i32 to vector<16xi32>
    %select_n3A_193 = arith.select %eq3A_190, %sub3A_86, %broadcast_in_dim3A_192 : vector<16xi1>, vector<16xi32>
    %reduce_sum3A_194 = arith.constant true
    %reduce_sum3A_195 = vector.broadcast %reduce_sum3A_194 : i1 to vector<16xi1>
    %reduce_sum3A_196 = tpu.scan <sum>, %select_n3A_193 masked %reduce_sum3A_195 : vector<16xi32>, vector<16xi1> -> vector<16xi32>
    %reduce_sum3A_197 = vector.extract %reduce_sum3A_196[15] : i32 from vector<16xi32>
    %swap3A_198 = arith.constant 8 : i32
    %swap3A_199 = arith.index_cast %swap3A_198 : i32 to index
    %swap3A_200 = memref.load %arg10[%swap3A_199] : memref<17xi32, #tpu.memory_space<smem>>
    memref.store %reduce_sum3A_197, %arg10[%swap3A_199] : memref<17xi32, #tpu.memory_space<smem>>
    %eq3A_201 = arith.constant 9 : i32
    %eq3A_202 = vector.broadcast %eq3A_201 : i32 to vector<16xi32>
    %eq3A_203 = arith.cmpi eq, %iota3A, %eq3A_202 : vector<16xi32>
    %jit3A_204 = arith.constant 0 : i32
    %broadcast_in_dim3A_205 = vector.broadcast %jit3A_204 : i32 to vector<16xi32>
    %select_n3A_206 = arith.select %eq3A_203, %sub3A_86, %broadcast_in_dim3A_205 : vector<16xi1>, vector<16xi32>
    %reduce_sum3A_207 = arith.constant true
    %reduce_sum3A_208 = vector.broadcast %reduce_sum3A_207 : i1 to vector<16xi1>
    %reduce_sum3A_209 = tpu.scan <sum>, %select_n3A_206 masked %reduce_sum3A_208 : vector<16xi32>, vector<16xi1> -> vector<16xi32>
    %reduce_sum3A_210 = vector.extract %reduce_sum3A_209[15] : i32 from vector<16xi32>
    %swap3A_211 = arith.constant 9 : i32
    %swap3A_212 = arith.index_cast %swap3A_211 : i32 to index
    %swap3A_213 = memref.load %arg10[%swap3A_212] : memref<17xi32, #tpu.memory_space<smem>>
    memref.store %reduce_sum3A_210, %arg10[%swap3A_212] : memref<17xi32, #tpu.memory_space<smem>>
    %eq3A_214 = arith.constant 10 : i32
    %eq3A_215 = vector.broadcast %eq3A_214 : i32 to vector<16xi32>
    %eq3A_216 = arith.cmpi eq, %iota3A, %eq3A_215 : vector<16xi32>
    %jit3A_217 = arith.constant 0 : i32
    %broadcast_in_dim3A_218 = vector.broadcast %jit3A_217 : i32 to vector<16xi32>
    %select_n3A_219 = arith.select %eq3A_216, %sub3A_86, %broadcast_in_dim3A_218 : vector<16xi1>, vector<16xi32>
    %reduce_sum3A_220 = arith.constant true
    %reduce_sum3A_221 = vector.broadcast %reduce_sum3A_220 : i1 to vector<16xi1>
    %reduce_sum3A_222 = tpu.scan <sum>, %select_n3A_219 masked %reduce_sum3A_221 : vector<16xi32>, vector<16xi1> -> vector<16xi32>
    %reduce_sum3A_223 = vector.extract %reduce_sum3A_222[15] : i32 from vector<16xi32>
    %swap3A_224 = arith.constant 10 : i32
    %swap3A_225 = arith.index_cast %swap3A_224 : i32 to index
    %swap3A_226 = memref.load %arg10[%swap3A_225] : memref<17xi32, #tpu.memory_space<smem>>
    memref.store %reduce_sum3A_223, %arg10[%swap3A_225] : memref<17xi32, #tpu.memory_space<smem>>
    %eq3A_227 = arith.constant 11 : i32
    %eq3A_228 = vector.broadcast %eq3A_227 : i32 to vector<16xi32>
    %eq3A_229 = arith.cmpi eq, %iota3A, %eq3A_228 : vector<16xi32>
    %jit3A_230 = arith.constant 0 : i32
    %broadcast_in_dim3A_231 = vector.broadcast %jit3A_230 : i32 to vector<16xi32>
    %select_n3A_232 = arith.select %eq3A_229, %sub3A_86, %broadcast_in_dim3A_231 : vector<16xi1>, vector<16xi32>
    %reduce_sum3A_233 = arith.constant true
    %reduce_sum3A_234 = vector.broadcast %reduce_sum3A_233 : i1 to vector<16xi1>
    %reduce_sum3A_235 = tpu.scan <sum>, %select_n3A_232 masked %reduce_sum3A_234 : vector<16xi32>, vector<16xi1> -> vector<16xi32>
    %reduce_sum3A_236 = vector.extract %reduce_sum3A_235[15] : i32 from vector<16xi32>
    %swap3A_237 = arith.constant 11 : i32
    %swap3A_238 = arith.index_cast %swap3A_237 : i32 to index
    %swap3A_239 = memref.load %arg10[%swap3A_238] : memref<17xi32, #tpu.memory_space<smem>>
    memref.store %reduce_sum3A_236, %arg10[%swap3A_238] : memref<17xi32, #tpu.memory_space<smem>>
    %eq3A_240 = arith.constant 12 : i32
    %eq3A_241 = vector.broadcast %eq3A_240 : i32 to vector<16xi32>
    %eq3A_242 = arith.cmpi eq, %iota3A, %eq3A_241 : vector<16xi32>
    %jit3A_243 = arith.constant 0 : i32
    %broadcast_in_dim3A_244 = vector.broadcast %jit3A_243 : i32 to vector<16xi32>
    %select_n3A_245 = arith.select %eq3A_242, %sub3A_86, %broadcast_in_dim3A_244 : vector<16xi1>, vector<16xi32>
    %reduce_sum3A_246 = arith.constant true
    %reduce_sum3A_247 = vector.broadcast %reduce_sum3A_246 : i1 to vector<16xi1>
    %reduce_sum3A_248 = tpu.scan <sum>, %select_n3A_245 masked %reduce_sum3A_247 : vector<16xi32>, vector<16xi1> -> vector<16xi32>
    %reduce_sum3A_249 = vector.extract %reduce_sum3A_248[15] : i32 from vector<16xi32>
    %swap3A_250 = arith.constant 12 : i32
    %swap3A_251 = arith.index_cast %swap3A_250 : i32 to index
    %swap3A_252 = memref.load %arg10[%swap3A_251] : memref<17xi32, #tpu.memory_space<smem>>
    memref.store %reduce_sum3A_249, %arg10[%swap3A_251] : memref<17xi32, #tpu.memory_space<smem>>
    %eq3A_253 = arith.constant 13 : i32
    %eq3A_254 = vector.broadcast %eq3A_253 : i32 to vector<16xi32>
    %eq3A_255 = arith.cmpi eq, %iota3A, %eq3A_254 : vector<16xi32>
    %jit3A_256 = arith.constant 0 : i32
    %broadcast_in_dim3A_257 = vector.broadcast %jit3A_256 : i32 to vector<16xi32>
    %select_n3A_258 = arith.select %eq3A_255, %sub3A_86, %broadcast_in_dim3A_257 : vector<16xi1>, vector<16xi32>
    %reduce_sum3A_259 = arith.constant true
    %reduce_sum3A_260 = vector.broadcast %reduce_sum3A_259 : i1 to vector<16xi1>
    %reduce_sum3A_261 = tpu.scan <sum>, %select_n3A_258 masked %reduce_sum3A_260 : vector<16xi32>, vector<16xi1> -> vector<16xi32>
    %reduce_sum3A_262 = vector.extract %reduce_sum3A_261[15] : i32 from vector<16xi32>
    %swap3A_263 = arith.constant 13 : i32
    %swap3A_264 = arith.index_cast %swap3A_263 : i32 to index
    %swap3A_265 = memref.load %arg10[%swap3A_264] : memref<17xi32, #tpu.memory_space<smem>>
    memref.store %reduce_sum3A_262, %arg10[%swap3A_264] : memref<17xi32, #tpu.memory_space<smem>>
    %eq3A_266 = arith.constant 14 : i32
    %eq3A_267 = vector.broadcast %eq3A_266 : i32 to vector<16xi32>
    %eq3A_268 = arith.cmpi eq, %iota3A, %eq3A_267 : vector<16xi32>
    %jit3A_269 = arith.constant 0 : i32
    %broadcast_in_dim3A_270 = vector.broadcast %jit3A_269 : i32 to vector<16xi32>
    %select_n3A_271 = arith.select %eq3A_268, %sub3A_86, %broadcast_in_dim3A_270 : vector<16xi1>, vector<16xi32>
    %reduce_sum3A_272 = arith.constant true
    %reduce_sum3A_273 = vector.broadcast %reduce_sum3A_272 : i1 to vector<16xi1>
    %reduce_sum3A_274 = tpu.scan <sum>, %select_n3A_271 masked %reduce_sum3A_273 : vector<16xi32>, vector<16xi1> -> vector<16xi32>
    %reduce_sum3A_275 = vector.extract %reduce_sum3A_274[15] : i32 from vector<16xi32>
    %swap3A_276 = arith.constant 14 : i32
    %swap3A_277 = arith.index_cast %swap3A_276 : i32 to index
    %swap3A_278 = memref.load %arg10[%swap3A_277] : memref<17xi32, #tpu.memory_space<smem>>
    memref.store %reduce_sum3A_275, %arg10[%swap3A_277] : memref<17xi32, #tpu.memory_space<smem>>
    %eq3A_279 = arith.constant 15 : i32
    %eq3A_280 = vector.broadcast %eq3A_279 : i32 to vector<16xi32>
    %eq3A_281 = arith.cmpi eq, %iota3A, %eq3A_280 : vector<16xi32>
    %jit3A_282 = arith.constant 0 : i32
    %broadcast_in_dim3A_283 = vector.broadcast %jit3A_282 : i32 to vector<16xi32>
    %select_n3A_284 = arith.select %eq3A_281, %sub3A_86, %broadcast_in_dim3A_283 : vector<16xi1>, vector<16xi32>
    %reduce_sum3A_285 = arith.constant true
    %reduce_sum3A_286 = vector.broadcast %reduce_sum3A_285 : i1 to vector<16xi1>
    %reduce_sum3A_287 = tpu.scan <sum>, %select_n3A_284 masked %reduce_sum3A_286 : vector<16xi32>, vector<16xi1> -> vector<16xi32>
    %reduce_sum3A_288 = vector.extract %reduce_sum3A_287[15] : i32 from vector<16xi32>
    %swap3A_289 = arith.constant 15 : i32
    %swap3A_290 = arith.index_cast %swap3A_289 : i32 to index
    %swap3A_291 = memref.load %arg10[%swap3A_290] : memref<17xi32, #tpu.memory_space<smem>>
    memref.store %reduce_sum3A_288, %arg10[%swap3A_290] : memref<17xi32, #tpu.memory_space<smem>>
    %eq3A_292 = arith.constant 15 : i32
    %eq3A_293 = vector.broadcast %eq3A_292 : i32 to vector<16xi32>
    %eq3A_294 = arith.cmpi eq, %iota3A, %eq3A_293 : vector<16xi32>
    %jit3A_295 = arith.constant 0 : i32
    %broadcast_in_dim3A_296 = vector.broadcast %jit3A_295 : i32 to vector<16xi32>
    %select_n3A_297 = arith.select %eq3A_294, %add3A_85, %broadcast_in_dim3A_296 : vector<16xi1>, vector<16xi32>
    %reduce_sum3A_298 = arith.constant true
    %reduce_sum3A_299 = vector.broadcast %reduce_sum3A_298 : i1 to vector<16xi1>
    %reduce_sum3A_300 = tpu.scan <sum>, %select_n3A_297 masked %reduce_sum3A_299 : vector<16xi32>, vector<16xi1> -> vector<16xi32>
    %reduce_sum3A_301 = vector.extract %reduce_sum3A_300[15] : i32 from vector<16xi32>
    %swap3A_302 = arith.constant 16 : i32
    %swap3A_303 = arith.index_cast %swap3A_302 : i32 to index
    %swap3A_304 = memref.load %arg10[%swap3A_303] : memref<17xi32, #tpu.memory_space<smem>>
    memref.store %reduce_sum3A_301, %arg10[%swap3A_303] : memref<17xi32, #tpu.memory_space<smem>>
    %broadcast_in_dim3A_305 = arith.constant 0.000000e+00 : f32
    %broadcast_in_dim3A_306 = vector.broadcast %broadcast_in_dim3A_305 : f32 to vector<16xf32>
    %swap3A_307 = arith.constant 0 : index
    %swap3A_308 = tpu.vector_load %arg9[%swap3A_307] {strides = array<i32>} : memref<2048xf32, #tpu.memory_space<vmem>>, vector<16xf32>,
    tpu.vector_store %arg9[%swap3A_307], %broadcast_in_dim3A_306 {strides = array<i32>} : memref<2048xf32, #tpu.memory_space<vmem>>, vector<16xf32>,
    %swap3A_309 = arith.constant 16 : index
    %swap3A_310 = tpu.vector_load %arg9[%swap3A_309] {strides = array<i32>} : memref<2048xf32, #tpu.memory_space<vmem>>, vector<16xf32>,
    tpu.vector_store %arg9[%swap3A_309], %broadcast_in_dim3A_306 {strides = array<i32>} : memref<2048xf32, #tpu.memory_space<vmem>>, vector<16xf32>,
    %swap3A_311 = arith.constant 32 : index
    %swap3A_312 = tpu.vector_load %arg9[%swap3A_311] {strides = array<i32>} : memref<2048xf32, #tpu.memory_space<vmem>>, vector<16xf32>,
    tpu.vector_store %arg9[%swap3A_311], %broadcast_in_dim3A_306 {strides = array<i32>} : memref<2048xf32, #tpu.memory_space<vmem>>, vector<16xf32>,
    %swap3A_313 = arith.constant 48 : index
    %swap3A_314 = tpu.vector_load %arg9[%swap3A_313] {strides = array<i32>} : memref<2048xf32, #tpu.memory_space<vmem>>, vector<16xf32>,
    tpu.vector_store %arg9[%swap3A_313], %broadcast_in_dim3A_306 {strides = array<i32>} : memref<2048xf32, #tpu.memory_space<vmem>>, vector<16xf32>,
    %swap3A_315 = arith.constant 64 : index
    %swap3A_316 = tpu.vector_load %arg9[%swap3A_315] {strides = array<i32>} : memref<2048xf32, #tpu.memory_space<vmem>>, vector<16xf32>,
    tpu.vector_store %arg9[%swap3A_315], %broadcast_in_dim3A_306 {strides = array<i32>} : memref<2048xf32, #tpu.memory_space<vmem>>, vector<16xf32>,
    %swap3A_317 = arith.constant 80 : index
    %swap3A_318 = tpu.vector_load %arg9[%swap3A_317] {strides = array<i32>} : memref<2048xf32, #tpu.memory_space<vmem>>, vector<16xf32>,
    tpu.vector_store %arg9[%swap3A_317], %broadcast_in_dim3A_306 {strides = array<i32>} : memref<2048xf32, #tpu.memory_space<vmem>>, vector<16xf32>,
    %swap3A_319 = arith.constant 96 : index
    %swap3A_320 = tpu.vector_load %arg9[%swap3A_319] {strides = array<i32>} : memref<2048xf32, #tpu.memory_space<vmem>>, vector<16xf32>,
    tpu.vector_store %arg9[%swap3A_319], %broadcast_in_dim3A_306 {strides = array<i32>} : memref<2048xf32, #tpu.memory_space<vmem>>, vector<16xf32>,
    %swap3A_321 = arith.constant 112 : index
    %swap3A_322 = tpu.vector_load %arg9[%swap3A_321] {strides = array<i32>} : memref<2048xf32, #tpu.memory_space<vmem>>, vector<16xf32>,
    tpu.vector_store %arg9[%swap3A_321], %broadcast_in_dim3A_306 {strides = array<i32>} : memref<2048xf32, #tpu.memory_space<vmem>>, vector<16xf32>,
    %swap3A_323 = arith.constant 128 : index
    %swap3A_324 = tpu.vector_load %arg9[%swap3A_323] {strides = array<i32>} : memref<2048xf32, #tpu.memory_space<vmem>>, vector<16xf32>,
    tpu.vector_store %arg9[%swap3A_323], %broadcast_in_dim3A_306 {strides = array<i32>} : memref<2048xf32, #tpu.memory_space<vmem>>, vector<16xf32>,
    %swap3A_325 = arith.constant 144 : index
    %swap3A_326 = tpu.vector_load %arg9[%swap3A_325] {strides = array<i32>} : memref<2048xf32, #tpu.memory_space<vmem>>, vector<16xf32>,
    tpu.vector_store %arg9[%swap3A_325], %broadcast_in_dim3A_306 {strides = array<i32>} : memref<2048xf32, #tpu.memory_space<vmem>>, vector<16xf32>,
    %swap3A_327 = arith.constant 160 : index
    %swap3A_328 = tpu.vector_load %arg9[%swap3A_327] {strides = array<i32>} : memref<2048xf32, #tpu.memory_space<vmem>>, vector<16xf32>,
    tpu.vector_store %arg9[%swap3A_327], %broadcast_in_dim3A_306 {strides = array<i32>} : memref<2048xf32, #tpu.memory_space<vmem>>, vector<16xf32>,
    %swap3A_329 = arith.constant 176 : index
    %swap3A_330 = tpu.vector_load %arg9[%swap3A_329] {strides = array<i32>} : memref<2048xf32, #tpu.memory_space<vmem>>, vector<16xf32>,
    tpu.vector_store %arg9[%swap3A_329], %broadcast_in_dim3A_306 {strides = array<i32>} : memref<2048xf32, #tpu.memory_space<vmem>>, vector<16xf32>,
    %swap3A_331 = arith.constant 192 : index
    %swap3A_332 = tpu.vector_load %arg9[%swap3A_331] {strides = array<i32>} : memref<2048xf32, #tpu.memory_space<vmem>>, vector<16xf32>,
    tpu.vector_store %arg9[%swap3A_331], %broadcast_in_dim3A_306 {strides = array<i32>} : memref<2048xf32, #tpu.memory_space<vmem>>, vector<16xf32>,
    %swap3A_333 = arith.constant 208 : index
    %swap3A_334 = tpu.vector_load %arg9[%swap3A_333] {strides = array<i32>} : memref<2048xf32, #tpu.memory_space<vmem>>, vector<16xf32>,
    tpu.vector_store %arg9[%swap3A_333], %broadcast_in_dim3A_306 {strides = array<i32>} : memref<2048xf32, #tpu.memory_space<vmem>>, vector<16xf32>,
    %swap3A_335 = arith.constant 224 : index
    %swap3A_336 = tpu.vector_load %arg9[%swap3A_335] {strides = array<i32>} : memref<2048xf32, #tpu.memory_space<vmem>>, vector<16xf32>,
    tpu.vector_store %arg9[%swap3A_335], %broadcast_in_dim3A_306 {strides = array<i32>} : memref<2048xf32, #tpu.memory_space<vmem>>, vector<16xf32>,
    %swap3A_337 = arith.constant 240 : index
    %swap3A_338 = tpu.vector_load %arg9[%swap3A_337] {strides = array<i32>} : memref<2048xf32, #tpu.memory_space<vmem>>, vector<16xf32>,
    tpu.vector_store %arg9[%swap3A_337], %broadcast_in_dim3A_306 {strides = array<i32>} : memref<2048xf32, #tpu.memory_space<vmem>>, vector<16xf32>,
    %swap3A_339 = arith.constant 256 : index
    %swap3A_340 = tpu.vector_load %arg9[%swap3A_339] {strides = array<i32>} : memref<2048xf32, #tpu.memory_space<vmem>>, vector<16xf32>,
    tpu.vector_store %arg9[%swap3A_339], %broadcast_in_dim3A_306 {strides = array<i32>} : memref<2048xf32, #tpu.memory_space<vmem>>, vector<16xf32>,
    %swap3A_341 = arith.constant 272 : index
    %swap3A_342 = tpu.vector_load %arg9[%swap3A_341] {strides = array<i32>} : memref<2048xf32, #tpu.memory_space<vmem>>, vector<16xf32>,
    tpu.vector_store %arg9[%swap3A_341], %broadcast_in_dim3A_306 {strides = array<i32>} : memref<2048xf32, #tpu.memory_space<vmem>>, vector<16xf32>,
    %swap3A_343 = arith.constant 288 : index
    %swap3A_344 = tpu.vector_load %arg9[%swap3A_343] {strides = array<i32>} : memref<2048xf32, #tpu.memory_space<vmem>>, vector<16xf32>,
    tpu.vector_store %arg9[%swap3A_343], %broadcast_in_dim3A_306 {strides = array<i32>} : memref<2048xf32, #tpu.memory_space<vmem>>, vector<16xf32>,
    %swap3A_345 = arith.constant 304 : index
    %swap3A_346 = tpu.vector_load %arg9[%swap3A_345] {strides = array<i32>} : memref<2048xf32, #tpu.memory_space<vmem>>, vector<16xf32>,
    tpu.vector_store %arg9[%swap3A_345], %broadcast_in_dim3A_306 {strides = array<i32>} : memref<2048xf32, #tpu.memory_space<vmem>>, vector<16xf32>,
    %swap3A_347 = arith.constant 320 : index
    %swap3A_348 = tpu.vector_load %arg9[%swap3A_347] {strides = array<i32>} : memref<2048xf32, #tpu.memory_space<vmem>>, vector<16xf32>,
    tpu.vector_store %arg9[%swap3A_347], %broadcast_in_dim3A_306 {strides = array<i32>} : memref<2048xf32, #tpu.memory_space<vmem>>, vector<16xf32>,
    %swap3A_349 = arith.constant 336 : index
    %swap3A_350 = tpu.vector_load %arg9[%swap3A_349] {strides = array<i32>} : memref<2048xf32, #tpu.memory_space<vmem>>, vector<16xf32>,
    tpu.vector_store %arg9[%swap3A_349], %broadcast_in_dim3A_306 {strides = array<i32>} : memref<2048xf32, #tpu.memory_space<vmem>>, vector<16xf32>,
    %swap3A_351 = arith.constant 352 : index
    %swap3A_352 = tpu.vector_load %arg9[%swap3A_351] {strides = array<i32>} : memref<2048xf32, #tpu.memory_space<vmem>>, vector<16xf32>,
    tpu.vector_store %arg9[%swap3A_351], %broadcast_in_dim3A_306 {strides = array<i32>} : memref<2048xf32, #tpu.memory_space<vmem>>, vector<16xf32>,
    %swap3A_353 = arith.constant 368 : index
    %swap3A_354 = tpu.vector_load %arg9[%swap3A_353] {strides = array<i32>} : memref<2048xf32, #tpu.memory_space<vmem>>, vector<16xf32>,
    tpu.vector_store %arg9[%swap3A_353], %broadcast_in_dim3A_306 {strides = array<i32>} : memref<2048xf32, #tpu.memory_space<vmem>>, vector<16xf32>,
    %swap3A_355 = arith.constant 384 : index
    %swap3A_356 = tpu.vector_load %arg9[%swap3A_355] {strides = array<i32>} : memref<2048xf32, #tpu.memory_space<vmem>>, vector<16xf32>,
    tpu.vector_store %arg9[%swap3A_355], %broadcast_in_dim3A_306 {strides = array<i32>} : memref<2048xf32, #tpu.memory_space<vmem>>, vector<16xf32>,
    %swap3A_357 = arith.constant 400 : index
    %swap3A_358 = tpu.vector_load %arg9[%swap3A_357] {strides = array<i32>} : memref<2048xf32, #tpu.memory_space<vmem>>, vector<16xf32>,
    tpu.vector_store %arg9[%swap3A_357], %broadcast_in_dim3A_306 {strides = array<i32>} : memref<2048xf32, #tpu.memory_space<vmem>>, vector<16xf32>,
    %swap3A_359 = arith.constant 416 : index
    %swap3A_360 = tpu.vector_load %arg9[%swap3A_359] {strides = array<i32>} : memref<2048xf32, #tpu.memory_space<vmem>>, vector<16xf32>,
    tpu.vector_store %arg9[%swap3A_359], %broadcast_in_dim3A_306 {strides = array<i32>} : memref<2048xf32, #tpu.memory_space<vmem>>, vector<16xf32>,
    %swap3A_361 = arith.constant 432 : index
    %swap3A_362 = tpu.vector_load %arg9[%swap3A_361] {strides = array<i32>} : memref<2048xf32, #tpu.memory_space<vmem>>, vector<16xf32>,
    tpu.vector_store %arg9[%swap3A_361], %broadcast_in_dim3A_306 {strides = array<i32>} : memref<2048xf32, #tpu.memory_space<vmem>>, vector<16xf32>,
    %swap3A_363 = arith.constant 448 : index
    %swap3A_364 = tpu.vector_load %arg9[%swap3A_363] {strides = array<i32>} : memref<2048xf32, #tpu.memory_space<vmem>>, vector<16xf32>,
    tpu.vector_store %arg9[%swap3A_363], %broadcast_in_dim3A_306 {strides = array<i32>} : memref<2048xf32, #tpu.memory_space<vmem>>, vector<16xf32>,
    %swap3A_365 = arith.constant 464 : index
    %swap3A_366 = tpu.vector_load %arg9[%swap3A_365] {strides = array<i32>} : memref<2048xf32, #tpu.memory_space<vmem>>, vector<16xf32>,
    tpu.vector_store %arg9[%swap3A_365], %broadcast_in_dim3A_306 {strides = array<i32>} : memref<2048xf32, #tpu.memory_space<vmem>>, vector<16xf32>,
    %swap3A_367 = arith.constant 480 : index
    %swap3A_368 = tpu.vector_load %arg9[%swap3A_367] {strides = array<i32>} : memref<2048xf32, #tpu.memory_space<vmem>>, vector<16xf32>,
    tpu.vector_store %arg9[%swap3A_367], %broadcast_in_dim3A_306 {strides = array<i32>} : memref<2048xf32, #tpu.memory_space<vmem>>, vector<16xf32>,
    %swap3A_369 = arith.constant 496 : index
    %swap3A_370 = tpu.vector_load %arg9[%swap3A_369] {strides = array<i32>} : memref<2048xf32, #tpu.memory_space<vmem>>, vector<16xf32>,
    tpu.vector_store %arg9[%swap3A_369], %broadcast_in_dim3A_306 {strides = array<i32>} : memref<2048xf32, #tpu.memory_space<vmem>>, vector<16xf32>,
    %swap3A_371 = arith.constant 512 : index
    %swap3A_372 = tpu.vector_load %arg9[%swap3A_371] {strides = array<i32>} : memref<2048xf32, #tpu.memory_space<vmem>>, vector<16xf32>,
    tpu.vector_store %arg9[%swap3A_371], %broadcast_in_dim3A_306 {strides = array<i32>} : memref<2048xf32, #tpu.memory_space<vmem>>, vector<16xf32>,
    %swap3A_373 = arith.constant 528 : index
    %swap3A_374 = tpu.vector_load %arg9[%swap3A_373] {strides = array<i32>} : memref<2048xf32, #tpu.memory_space<vmem>>, vector<16xf32>,
    tpu.vector_store %arg9[%swap3A_373], %broadcast_in_dim3A_306 {strides = array<i32>} : memref<2048xf32, #tpu.memory_space<vmem>>, vector<16xf32>,
    %swap3A_375 = arith.constant 544 : index
    %swap3A_376 = tpu.vector_load %arg9[%swap3A_375] {strides = array<i32>} : memref<2048xf32, #tpu.memory_space<vmem>>, vector<16xf32>,
    tpu.vector_store %arg9[%swap3A_375], %broadcast_in_dim3A_306 {strides = array<i32>} : memref<2048xf32, #tpu.memory_space<vmem>>, vector<16xf32>,
    %swap3A_377 = arith.constant 560 : index
    %swap3A_378 = tpu.vector_load %arg9[%swap3A_377] {strides = array<i32>} : memref<2048xf32, #tpu.memory_space<vmem>>, vector<16xf32>,
    tpu.vector_store %arg9[%swap3A_377], %broadcast_in_dim3A_306 {strides = array<i32>} : memref<2048xf32, #tpu.memory_space<vmem>>, vector<16xf32>,
    %swap3A_379 = arith.constant 576 : index
    %swap3A_380 = tpu.vector_load %arg9[%swap3A_379] {strides = array<i32>} : memref<2048xf32, #tpu.memory_space<vmem>>, vector<16xf32>,
    tpu.vector_store %arg9[%swap3A_379], %broadcast_in_dim3A_306 {strides = array<i32>} : memref<2048xf32, #tpu.memory_space<vmem>>, vector<16xf32>,
    %swap3A_381 = arith.constant 592 : index
    %swap3A_382 = tpu.vector_load %arg9[%swap3A_381] {strides = array<i32>} : memref<2048xf32, #tpu.memory_space<vmem>>, vector<16xf32>,
    tpu.vector_store %arg9[%swap3A_381], %broadcast_in_dim3A_306 {strides = array<i32>} : memref<2048xf32, #tpu.memory_space<vmem>>, vector<16xf32>,
    %swap3A_383 = arith.constant 608 : index
    %swap3A_384 = tpu.vector_load %arg9[%swap3A_383] {strides = array<i32>} : memref<2048xf32, #tpu.memory_space<vmem>>, vector<16xf32>,
    tpu.vector_store %arg9[%swap3A_383], %broadcast_in_dim3A_306 {strides = array<i32>} : memref<2048xf32, #tpu.memory_space<vmem>>, vector<16xf32>,
    %swap3A_385 = arith.constant 624 : index
    %swap3A_386 = tpu.vector_load %arg9[%swap3A_385] {strides = array<i32>} : memref<2048xf32, #tpu.memory_space<vmem>>, vector<16xf32>,
    tpu.vector_store %arg9[%swap3A_385], %broadcast_in_dim3A_306 {strides = array<i32>} : memref<2048xf32, #tpu.memory_space<vmem>>, vector<16xf32>,
    %swap3A_387 = arith.constant 640 : index
    %swap3A_388 = tpu.vector_load %arg9[%swap3A_387] {strides = array<i32>} : memref<2048xf32, #tpu.memory_space<vmem>>, vector<16xf32>,
    tpu.vector_store %arg9[%swap3A_387], %broadcast_in_dim3A_306 {strides = array<i32>} : memref<2048xf32, #tpu.memory_space<vmem>>, vector<16xf32>,
    %swap3A_389 = arith.constant 656 : index
    %swap3A_390 = tpu.vector_load %arg9[%swap3A_389] {strides = array<i32>} : memref<2048xf32, #tpu.memory_space<vmem>>, vector<16xf32>,
    tpu.vector_store %arg9[%swap3A_389], %broadcast_in_dim3A_306 {strides = array<i32>} : memref<2048xf32, #tpu.memory_space<vmem>>, vector<16xf32>,
    %swap3A_391 = arith.constant 672 : index
    %swap3A_392 = tpu.vector_load %arg9[%swap3A_391] {strides = array<i32>} : memref<2048xf32, #tpu.memory_space<vmem>>, vector<16xf32>,
    tpu.vector_store %arg9[%swap3A_391], %broadcast_in_dim3A_306 {strides = array<i32>} : memref<2048xf32, #tpu.memory_space<vmem>>, vector<16xf32>,
    %swap3A_393 = arith.constant 688 : index
    %swap3A_394 = tpu.vector_load %arg9[%swap3A_393] {strides = array<i32>} : memref<2048xf32, #tpu.memory_space<vmem>>, vector<16xf32>,
    tpu.vector_store %arg9[%swap3A_393], %broadcast_in_dim3A_306 {strides = array<i32>} : memref<2048xf32, #tpu.memory_space<vmem>>, vector<16xf32>,
    %swap3A_395 = arith.constant 704 : index
    %swap3A_396 = tpu.vector_load %arg9[%swap3A_395] {strides = array<i32>} : memref<2048xf32, #tpu.memory_space<vmem>>, vector<16xf32>,
    tpu.vector_store %arg9[%swap3A_395], %broadcast_in_dim3A_306 {strides = array<i32>} : memref<2048xf32, #tpu.memory_space<vmem>>, vector<16xf32>,
    %swap3A_397 = arith.constant 720 : index
    %swap3A_398 = tpu.vector_load %arg9[%swap3A_397] {strides = array<i32>} : memref<2048xf32, #tpu.memory_space<vmem>>, vector<16xf32>,
    tpu.vector_store %arg9[%swap3A_397], %broadcast_in_dim3A_306 {strides = array<i32>} : memref<2048xf32, #tpu.memory_space<vmem>>, vector<16xf32>,
    %swap3A_399 = arith.constant 736 : index
    %swap3A_400 = tpu.vector_load %arg9[%swap3A_399] {strides = array<i32>} : memref<2048xf32, #tpu.memory_space<vmem>>, vector<16xf32>,
    tpu.vector_store %arg9[%swap3A_399], %broadcast_in_dim3A_306 {strides = array<i32>} : memref<2048xf32, #tpu.memory_space<vmem>>, vector<16xf32>,
    %swap3A_401 = arith.constant 752 : index
    %swap3A_402 = tpu.vector_load %arg9[%swap3A_401] {strides = array<i32>} : memref<2048xf32, #tpu.memory_space<vmem>>, vector<16xf32>,
    tpu.vector_store %arg9[%swap3A_401], %broadcast_in_dim3A_306 {strides = array<i32>} : memref<2048xf32, #tpu.memory_space<vmem>>, vector<16xf32>,
    %swap3A_403 = arith.constant 768 : index
    %swap3A_404 = tpu.vector_load %arg9[%swap3A_403] {strides = array<i32>} : memref<2048xf32, #tpu.memory_space<vmem>>, vector<16xf32>,
    tpu.vector_store %arg9[%swap3A_403], %broadcast_in_dim3A_306 {strides = array<i32>} : memref<2048xf32, #tpu.memory_space<vmem>>, vector<16xf32>,
    %swap3A_405 = arith.constant 784 : index
    %swap3A_406 = tpu.vector_load %arg9[%swap3A_405] {strides = array<i32>} : memref<2048xf32, #tpu.memory_space<vmem>>, vector<16xf32>,
    tpu.vector_store %arg9[%swap3A_405], %broadcast_in_dim3A_306 {strides = array<i32>} : memref<2048xf32, #tpu.memory_space<vmem>>, vector<16xf32>,
    %swap3A_407 = arith.constant 800 : index
    %swap3A_408 = tpu.vector_load %arg9[%swap3A_407] {strides = array<i32>} : memref<2048xf32, #tpu.memory_space<vmem>>, vector<16xf32>,
    tpu.vector_store %arg9[%swap3A_407], %broadcast_in_dim3A_306 {strides = array<i32>} : memref<2048xf32, #tpu.memory_space<vmem>>, vector<16xf32>,
    %swap3A_409 = arith.constant 816 : index
    %swap3A_410 = tpu.vector_load %arg9[%swap3A_409] {strides = array<i32>} : memref<2048xf32, #tpu.memory_space<vmem>>, vector<16xf32>,
    tpu.vector_store %arg9[%swap3A_409], %broadcast_in_dim3A_306 {strides = array<i32>} : memref<2048xf32, #tpu.memory_space<vmem>>, vector<16xf32>,
    %swap3A_411 = arith.constant 832 : index
    %swap3A_412 = tpu.vector_load %arg9[%swap3A_411] {strides = array<i32>} : memref<2048xf32, #tpu.memory_space<vmem>>, vector<16xf32>,
    tpu.vector_store %arg9[%swap3A_411], %broadcast_in_dim3A_306 {strides = array<i32>} : memref<2048xf32, #tpu.memory_space<vmem>>, vector<16xf32>,
    %swap3A_413 = arith.constant 848 : index
    %swap3A_414 = tpu.vector_load %arg9[%swap3A_413] {strides = array<i32>} : memref<2048xf32, #tpu.memory_space<vmem>>, vector<16xf32>,
    tpu.vector_store %arg9[%swap3A_413], %broadcast_in_dim3A_306 {strides = array<i32>} : memref<2048xf32, #tpu.memory_space<vmem>>, vector<16xf32>,
    %swap3A_415 = arith.constant 864 : index
    %swap3A_416 = tpu.vector_load %arg9[%swap3A_415] {strides = array<i32>} : memref<2048xf32, #tpu.memory_space<vmem>>, vector<16xf32>,
    tpu.vector_store %arg9[%swap3A_415], %broadcast_in_dim3A_306 {strides = array<i32>} : memref<2048xf32, #tpu.memory_space<vmem>>, vector<16xf32>,
    %swap3A_417 = arith.constant 880 : index
    %swap3A_418 = tpu.vector_load %arg9[%swap3A_417] {strides = array<i32>} : memref<2048xf32, #tpu.memory_space<vmem>>, vector<16xf32>,
    tpu.vector_store %arg9[%swap3A_417], %broadcast_in_dim3A_306 {strides = array<i32>} : memref<2048xf32, #tpu.memory_space<vmem>>, vector<16xf32>,
    %swap3A_419 = arith.constant 896 : index
    %swap3A_420 = tpu.vector_load %arg9[%swap3A_419] {strides = array<i32>} : memref<2048xf32, #tpu.memory_space<vmem>>, vector<16xf32>,
    tpu.vector_store %arg9[%swap3A_419], %broadcast_in_dim3A_306 {strides = array<i32>} : memref<2048xf32, #tpu.memory_space<vmem>>, vector<16xf32>,
    %swap3A_421 = arith.constant 912 : index
    %swap3A_422 = tpu.vector_load %arg9[%swap3A_421] {strides = array<i32>} : memref<2048xf32, #tpu.memory_space<vmem>>, vector<16xf32>,
    tpu.vector_store %arg9[%swap3A_421], %broadcast_in_dim3A_306 {strides = array<i32>} : memref<2048xf32, #tpu.memory_space<vmem>>, vector<16xf32>,
    %swap3A_423 = arith.constant 928 : index
    %swap3A_424 = tpu.vector_load %arg9[%swap3A_423] {strides = array<i32>} : memref<2048xf32, #tpu.memory_space<vmem>>, vector<16xf32>,
    tpu.vector_store %arg9[%swap3A_423], %broadcast_in_dim3A_306 {strides = array<i32>} : memref<2048xf32, #tpu.memory_space<vmem>>, vector<16xf32>,
    %swap3A_425 = arith.constant 944 : index
    %swap3A_426 = tpu.vector_load %arg9[%swap3A_425] {strides = array<i32>} : memref<2048xf32, #tpu.memory_space<vmem>>, vector<16xf32>,
    tpu.vector_store %arg9[%swap3A_425], %broadcast_in_dim3A_306 {strides = array<i32>} : memref<2048xf32, #tpu.memory_space<vmem>>, vector<16xf32>,
    %swap3A_427 = arith.constant 960 : index
    %swap3A_428 = tpu.vector_load %arg9[%swap3A_427] {strides = array<i32>} : memref<2048xf32, #tpu.memory_space<vmem>>, vector<16xf32>,
    tpu.vector_store %arg9[%swap3A_427], %broadcast_in_dim3A_306 {strides = array<i32>} : memref<2048xf32, #tpu.memory_space<vmem>>, vector<16xf32>,
    %swap3A_429 = arith.constant 976 : index
    %swap3A_430 = tpu.vector_load %arg9[%swap3A_429] {strides = array<i32>} : memref<2048xf32, #tpu.memory_space<vmem>>, vector<16xf32>,
    tpu.vector_store %arg9[%swap3A_429], %broadcast_in_dim3A_306 {strides = array<i32>} : memref<2048xf32, #tpu.memory_space<vmem>>, vector<16xf32>,
    %swap3A_431 = arith.constant 992 : index
    %swap3A_432 = tpu.vector_load %arg9[%swap3A_431] {strides = array<i32>} : memref<2048xf32, #tpu.memory_space<vmem>>, vector<16xf32>,
    tpu.vector_store %arg9[%swap3A_431], %broadcast_in_dim3A_306 {strides = array<i32>} : memref<2048xf32, #tpu.memory_space<vmem>>, vector<16xf32>,
    %swap3A_433 = arith.constant 1008 : index
    %swap3A_434 = tpu.vector_load %arg9[%swap3A_433] {strides = array<i32>} : memref<2048xf32, #tpu.memory_space<vmem>>, vector<16xf32>,
    tpu.vector_store %arg9[%swap3A_433], %broadcast_in_dim3A_306 {strides = array<i32>} : memref<2048xf32, #tpu.memory_space<vmem>>, vector<16xf32>,
    %swap3A_435 = arith.constant 1024 : index
    %swap3A_436 = tpu.vector_load %arg9[%swap3A_435] {strides = array<i32>} : memref<2048xf32, #tpu.memory_space<vmem>>, vector<16xf32>,
    tpu.vector_store %arg9[%swap3A_435], %broadcast_in_dim3A_306 {strides = array<i32>} : memref<2048xf32, #tpu.memory_space<vmem>>, vector<16xf32>,
    %swap3A_437 = arith.constant 1040 : index
    %swap3A_438 = tpu.vector_load %arg9[%swap3A_437] {strides = array<i32>} : memref<2048xf32, #tpu.memory_space<vmem>>, vector<16xf32>,
    tpu.vector_store %arg9[%swap3A_437], %broadcast_in_dim3A_306 {strides = array<i32>} : memref<2048xf32, #tpu.memory_space<vmem>>, vector<16xf32>,
    %swap3A_439 = arith.constant 1056 : index
    %swap3A_440 = tpu.vector_load %arg9[%swap3A_439] {strides = array<i32>} : memref<2048xf32, #tpu.memory_space<vmem>>, vector<16xf32>,
    tpu.vector_store %arg9[%swap3A_439], %broadcast_in_dim3A_306 {strides = array<i32>} : memref<2048xf32, #tpu.memory_space<vmem>>, vector<16xf32>,
    %swap3A_441 = arith.constant 1072 : index
    %swap3A_442 = tpu.vector_load %arg9[%swap3A_441] {strides = array<i32>} : memref<2048xf32, #tpu.memory_space<vmem>>, vector<16xf32>,
    tpu.vector_store %arg9[%swap3A_441], %broadcast_in_dim3A_306 {strides = array<i32>} : memref<2048xf32, #tpu.memory_space<vmem>>, vector<16xf32>,
    %swap3A_443 = arith.constant 1088 : index
    %swap3A_444 = tpu.vector_load %arg9[%swap3A_443] {strides = array<i32>} : memref<2048xf32, #tpu.memory_space<vmem>>, vector<16xf32>,
    tpu.vector_store %arg9[%swap3A_443], %broadcast_in_dim3A_306 {strides = array<i32>} : memref<2048xf32, #tpu.memory_space<vmem>>, vector<16xf32>,
    %swap3A_445 = arith.constant 1104 : index
    %swap3A_446 = tpu.vector_load %arg9[%swap3A_445] {strides = array<i32>} : memref<2048xf32, #tpu.memory_space<vmem>>, vector<16xf32>,
    tpu.vector_store %arg9[%swap3A_445], %broadcast_in_dim3A_306 {strides = array<i32>} : memref<2048xf32, #tpu.memory_space<vmem>>, vector<16xf32>,
    %swap3A_447 = arith.constant 1120 : index
    %swap3A_448 = tpu.vector_load %arg9[%swap3A_447] {strides = array<i32>} : memref<2048xf32, #tpu.memory_space<vmem>>, vector<16xf32>,
    tpu.vector_store %arg9[%swap3A_447], %broadcast_in_dim3A_306 {strides = array<i32>} : memref<2048xf32, #tpu.memory_space<vmem>>, vector<16xf32>,
    %swap3A_449 = arith.constant 1136 : index
    %swap3A_450 = tpu.vector_load %arg9[%swap3A_449] {strides = array<i32>} : memref<2048xf32, #tpu.memory_space<vmem>>, vector<16xf32>,
    tpu.vector_store %arg9[%swap3A_449], %broadcast_in_dim3A_306 {strides = array<i32>} : memref<2048xf32, #tpu.memory_space<vmem>>, vector<16xf32>,
    %swap3A_451 = arith.constant 1152 : index
    %swap3A_452 = tpu.vector_load %arg9[%swap3A_451] {strides = array<i32>} : memref<2048xf32, #tpu.memory_space<vmem>>, vector<16xf32>,
    tpu.vector_store %arg9[%swap3A_451], %broadcast_in_dim3A_306 {strides = array<i32>} : memref<2048xf32, #tpu.memory_space<vmem>>, vector<16xf32>,
    %swap3A_453 = arith.constant 1168 : index
    %swap3A_454 = tpu.vector_load %arg9[%swap3A_453] {strides = array<i32>} : memref<2048xf32, #tpu.memory_space<vmem>>, vector<16xf32>,
    tpu.vector_store %arg9[%swap3A_453], %broadcast_in_dim3A_306 {strides = array<i32>} : memref<2048xf32, #tpu.memory_space<vmem>>, vector<16xf32>,
    %swap3A_455 = arith.constant 1184 : index
    %swap3A_456 = tpu.vector_load %arg9[%swap3A_455] {strides = array<i32>} : memref<2048xf32, #tpu.memory_space<vmem>>, vector<16xf32>,
    tpu.vector_store %arg9[%swap3A_455], %broadcast_in_dim3A_306 {strides = array<i32>} : memref<2048xf32, #tpu.memory_space<vmem>>, vector<16xf32>,
    %swap3A_457 = arith.constant 1200 : index
    %swap3A_458 = tpu.vector_load %arg9[%swap3A_457] {strides = array<i32>} : memref<2048xf32, #tpu.memory_space<vmem>>, vector<16xf32>,
    tpu.vector_store %arg9[%swap3A_457], %broadcast_in_dim3A_306 {strides = array<i32>} : memref<2048xf32, #tpu.memory_space<vmem>>, vector<16xf32>,
    %swap3A_459 = arith.constant 1216 : index
    %swap3A_460 = tpu.vector_load %arg9[%swap3A_459] {strides = array<i32>} : memref<2048xf32, #tpu.memory_space<vmem>>, vector<16xf32>,
    tpu.vector_store %arg9[%swap3A_459], %broadcast_in_dim3A_306 {strides = array<i32>} : memref<2048xf32, #tpu.memory_space<vmem>>, vector<16xf32>,
    %swap3A_461 = arith.constant 1232 : index
    %swap3A_462 = tpu.vector_load %arg9[%swap3A_461] {strides = array<i32>} : memref<2048xf32, #tpu.memory_space<vmem>>, vector<16xf32>,
    tpu.vector_store %arg9[%swap3A_461], %broadcast_in_dim3A_306 {strides = array<i32>} : memref<2048xf32, #tpu.memory_space<vmem>>, vector<16xf32>,
    %swap3A_463 = arith.constant 1248 : index
    %swap3A_464 = tpu.vector_load %arg9[%swap3A_463] {strides = array<i32>} : memref<2048xf32, #tpu.memory_space<vmem>>, vector<16xf32>,
    tpu.vector_store %arg9[%swap3A_463], %broadcast_in_dim3A_306 {strides = array<i32>} : memref<2048xf32, #tpu.memory_space<vmem>>, vector<16xf32>,
    %swap3A_465 = arith.constant 1264 : index
    %swap3A_466 = tpu.vector_load %arg9[%swap3A_465] {strides = array<i32>} : memref<2048xf32, #tpu.memory_space<vmem>>, vector<16xf32>,
    tpu.vector_store %arg9[%swap3A_465], %broadcast_in_dim3A_306 {strides = array<i32>} : memref<2048xf32, #tpu.memory_space<vmem>>, vector<16xf32>,
    %swap3A_467 = arith.constant 1280 : index
    %swap3A_468 = tpu.vector_load %arg9[%swap3A_467] {strides = array<i32>} : memref<2048xf32, #tpu.memory_space<vmem>>, vector<16xf32>,
    tpu.vector_store %arg9[%swap3A_467], %broadcast_in_dim3A_306 {strides = array<i32>} : memref<2048xf32, #tpu.memory_space<vmem>>, vector<16xf32>,
    %swap3A_469 = arith.constant 1296 : index
    %swap3A_470 = tpu.vector_load %arg9[%swap3A_469] {strides = array<i32>} : memref<2048xf32, #tpu.memory_space<vmem>>, vector<16xf32>,
    tpu.vector_store %arg9[%swap3A_469], %broadcast_in_dim3A_306 {strides = array<i32>} : memref<2048xf32, #tpu.memory_space<vmem>>, vector<16xf32>,
    %swap3A_471 = arith.constant 1312 : index
    %swap3A_472 = tpu.vector_load %arg9[%swap3A_471] {strides = array<i32>} : memref<2048xf32, #tpu.memory_space<vmem>>, vector<16xf32>,
    tpu.vector_store %arg9[%swap3A_471], %broadcast_in_dim3A_306 {strides = array<i32>} : memref<2048xf32, #tpu.memory_space<vmem>>, vector<16xf32>,
    %swap3A_473 = arith.constant 1328 : index
    %swap3A_474 = tpu.vector_load %arg9[%swap3A_473] {strides = array<i32>} : memref<2048xf32, #tpu.memory_space<vmem>>, vector<16xf32>,
    tpu.vector_store %arg9[%swap3A_473], %broadcast_in_dim3A_306 {strides = array<i32>} : memref<2048xf32, #tpu.memory_space<vmem>>, vector<16xf32>,
    %swap3A_475 = arith.constant 1344 : index
    %swap3A_476 = tpu.vector_load %arg9[%swap3A_475] {strides = array<i32>} : memref<2048xf32, #tpu.memory_space<vmem>>, vector<16xf32>,
    tpu.vector_store %arg9[%swap3A_475], %broadcast_in_dim3A_306 {strides = array<i32>} : memref<2048xf32, #tpu.memory_space<vmem>>, vector<16xf32>,
    %swap3A_477 = arith.constant 1360 : index
    %swap3A_478 = tpu.vector_load %arg9[%swap3A_477] {strides = array<i32>} : memref<2048xf32, #tpu.memory_space<vmem>>, vector<16xf32>,
    tpu.vector_store %arg9[%swap3A_477], %broadcast_in_dim3A_306 {strides = array<i32>} : memref<2048xf32, #tpu.memory_space<vmem>>, vector<16xf32>,
    %swap3A_479 = arith.constant 1376 : index
    %swap3A_480 = tpu.vector_load %arg9[%swap3A_479] {strides = array<i32>} : memref<2048xf32, #tpu.memory_space<vmem>>, vector<16xf32>,
    tpu.vector_store %arg9[%swap3A_479], %broadcast_in_dim3A_306 {strides = array<i32>} : memref<2048xf32, #tpu.memory_space<vmem>>, vector<16xf32>,
    %swap3A_481 = arith.constant 1392 : index
    %swap3A_482 = tpu.vector_load %arg9[%swap3A_481] {strides = array<i32>} : memref<2048xf32, #tpu.memory_space<vmem>>, vector<16xf32>,
    tpu.vector_store %arg9[%swap3A_481], %broadcast_in_dim3A_306 {strides = array<i32>} : memref<2048xf32, #tpu.memory_space<vmem>>, vector<16xf32>,
    %swap3A_483 = arith.constant 1408 : index
    %swap3A_484 = tpu.vector_load %arg9[%swap3A_483] {strides = array<i32>} : memref<2048xf32, #tpu.memory_space<vmem>>, vector<16xf32>,
    tpu.vector_store %arg9[%swap3A_483], %broadcast_in_dim3A_306 {strides = array<i32>} : memref<2048xf32, #tpu.memory_space<vmem>>, vector<16xf32>,
    %swap3A_485 = arith.constant 1424 : index
    %swap3A_486 = tpu.vector_load %arg9[%swap3A_485] {strides = array<i32>} : memref<2048xf32, #tpu.memory_space<vmem>>, vector<16xf32>,
    tpu.vector_store %arg9[%swap3A_485], %broadcast_in_dim3A_306 {strides = array<i32>} : memref<2048xf32, #tpu.memory_space<vmem>>, vector<16xf32>,
    %swap3A_487 = arith.constant 1440 : index
    %swap3A_488 = tpu.vector_load %arg9[%swap3A_487] {strides = array<i32>} : memref<2048xf32, #tpu.memory_space<vmem>>, vector<16xf32>,
    tpu.vector_store %arg9[%swap3A_487], %broadcast_in_dim3A_306 {strides = array<i32>} : memref<2048xf32, #tpu.memory_space<vmem>>, vector<16xf32>,
    %swap3A_489 = arith.constant 1456 : index
    %swap3A_490 = tpu.vector_load %arg9[%swap3A_489] {strides = array<i32>} : memref<2048xf32, #tpu.memory_space<vmem>>, vector<16xf32>,
    tpu.vector_store %arg9[%swap3A_489], %broadcast_in_dim3A_306 {strides = array<i32>} : memref<2048xf32, #tpu.memory_space<vmem>>, vector<16xf32>,
    %swap3A_491 = arith.constant 1472 : index
    %swap3A_492 = tpu.vector_load %arg9[%swap3A_491] {strides = array<i32>} : memref<2048xf32, #tpu.memory_space<vmem>>, vector<16xf32>,
    tpu.vector_store %arg9[%swap3A_491], %broadcast_in_dim3A_306 {strides = array<i32>} : memref<2048xf32, #tpu.memory_space<vmem>>, vector<16xf32>,
    %swap3A_493 = arith.constant 1488 : index
    %swap3A_494 = tpu.vector_load %arg9[%swap3A_493] {strides = array<i32>} : memref<2048xf32, #tpu.memory_space<vmem>>, vector<16xf32>,
    tpu.vector_store %arg9[%swap3A_493], %broadcast_in_dim3A_306 {strides = array<i32>} : memref<2048xf32, #tpu.memory_space<vmem>>, vector<16xf32>,
    %swap3A_495 = arith.constant 1504 : index
    %swap3A_496 = tpu.vector_load %arg9[%swap3A_495] {strides = array<i32>} : memref<2048xf32, #tpu.memory_space<vmem>>, vector<16xf32>,
    tpu.vector_store %arg9[%swap3A_495], %broadcast_in_dim3A_306 {strides = array<i32>} : memref<2048xf32, #tpu.memory_space<vmem>>, vector<16xf32>,
    %swap3A_497 = arith.constant 1520 : index
    %swap3A_498 = tpu.vector_load %arg9[%swap3A_497] {strides = array<i32>} : memref<2048xf32, #tpu.memory_space<vmem>>, vector<16xf32>,
    tpu.vector_store %arg9[%swap3A_497], %broadcast_in_dim3A_306 {strides = array<i32>} : memref<2048xf32, #tpu.memory_space<vmem>>, vector<16xf32>,
    %swap3A_499 = arith.constant 1536 : index
    %swap3A_500 = tpu.vector_load %arg9[%swap3A_499] {strides = array<i32>} : memref<2048xf32, #tpu.memory_space<vmem>>, vector<16xf32>,
    tpu.vector_store %arg9[%swap3A_499], %broadcast_in_dim3A_306 {strides = array<i32>} : memref<2048xf32, #tpu.memory_space<vmem>>, vector<16xf32>,
    %swap3A_501 = arith.constant 1552 : index
    %swap3A_502 = tpu.vector_load %arg9[%swap3A_501] {strides = array<i32>} : memref<2048xf32, #tpu.memory_space<vmem>>, vector<16xf32>,
    tpu.vector_store %arg9[%swap3A_501], %broadcast_in_dim3A_306 {strides = array<i32>} : memref<2048xf32, #tpu.memory_space<vmem>>, vector<16xf32>,
    %swap3A_503 = arith.constant 1568 : index
    %swap3A_504 = tpu.vector_load %arg9[%swap3A_503] {strides = array<i32>} : memref<2048xf32, #tpu.memory_space<vmem>>, vector<16xf32>,
    tpu.vector_store %arg9[%swap3A_503], %broadcast_in_dim3A_306 {strides = array<i32>} : memref<2048xf32, #tpu.memory_space<vmem>>, vector<16xf32>,
    %swap3A_505 = arith.constant 1584 : index
    %swap3A_506 = tpu.vector_load %arg9[%swap3A_505] {strides = array<i32>} : memref<2048xf32, #tpu.memory_space<vmem>>, vector<16xf32>,
    tpu.vector_store %arg9[%swap3A_505], %broadcast_in_dim3A_306 {strides = array<i32>} : memref<2048xf32, #tpu.memory_space<vmem>>, vector<16xf32>,
    %swap3A_507 = arith.constant 1600 : index
    %swap3A_508 = tpu.vector_load %arg9[%swap3A_507] {strides = array<i32>} : memref<2048xf32, #tpu.memory_space<vmem>>, vector<16xf32>,
    tpu.vector_store %arg9[%swap3A_507], %broadcast_in_dim3A_306 {strides = array<i32>} : memref<2048xf32, #tpu.memory_space<vmem>>, vector<16xf32>,
    %swap3A_509 = arith.constant 1616 : index
    %swap3A_510 = tpu.vector_load %arg9[%swap3A_509] {strides = array<i32>} : memref<2048xf32, #tpu.memory_space<vmem>>, vector<16xf32>,
    tpu.vector_store %arg9[%swap3A_509], %broadcast_in_dim3A_306 {strides = array<i32>} : memref<2048xf32, #tpu.memory_space<vmem>>, vector<16xf32>,
    %swap3A_511 = arith.constant 1632 : index
    %swap3A_512 = tpu.vector_load %arg9[%swap3A_511] {strides = array<i32>} : memref<2048xf32, #tpu.memory_space<vmem>>, vector<16xf32>,
    tpu.vector_store %arg9[%swap3A_511], %broadcast_in_dim3A_306 {strides = array<i32>} : memref<2048xf32, #tpu.memory_space<vmem>>, vector<16xf32>,
    %swap3A_513 = arith.constant 1648 : index
    %swap3A_514 = tpu.vector_load %arg9[%swap3A_513] {strides = array<i32>} : memref<2048xf32, #tpu.memory_space<vmem>>, vector<16xf32>,
    tpu.vector_store %arg9[%swap3A_513], %broadcast_in_dim3A_306 {strides = array<i32>} : memref<2048xf32, #tpu.memory_space<vmem>>, vector<16xf32>,
    %swap3A_515 = arith.constant 1664 : index
    %swap3A_516 = tpu.vector_load %arg9[%swap3A_515] {strides = array<i32>} : memref<2048xf32, #tpu.memory_space<vmem>>, vector<16xf32>,
    tpu.vector_store %arg9[%swap3A_515], %broadcast_in_dim3A_306 {strides = array<i32>} : memref<2048xf32, #tpu.memory_space<vmem>>, vector<16xf32>,
    %swap3A_517 = arith.constant 1680 : index
    %swap3A_518 = tpu.vector_load %arg9[%swap3A_517] {strides = array<i32>} : memref<2048xf32, #tpu.memory_space<vmem>>, vector<16xf32>,
    tpu.vector_store %arg9[%swap3A_517], %broadcast_in_dim3A_306 {strides = array<i32>} : memref<2048xf32, #tpu.memory_space<vmem>>, vector<16xf32>,
    %swap3A_519 = arith.constant 1696 : index
    %swap3A_520 = tpu.vector_load %arg9[%swap3A_519] {strides = array<i32>} : memref<2048xf32, #tpu.memory_space<vmem>>, vector<16xf32>,
    tpu.vector_store %arg9[%swap3A_519], %broadcast_in_dim3A_306 {strides = array<i32>} : memref<2048xf32, #tpu.memory_space<vmem>>, vector<16xf32>,
    %swap3A_521 = arith.constant 1712 : index
    %swap3A_522 = tpu.vector_load %arg9[%swap3A_521] {strides = array<i32>} : memref<2048xf32, #tpu.memory_space<vmem>>, vector<16xf32>,
    tpu.vector_store %arg9[%swap3A_521], %broadcast_in_dim3A_306 {strides = array<i32>} : memref<2048xf32, #tpu.memory_space<vmem>>, vector<16xf32>,
    %swap3A_523 = arith.constant 1728 : index
    %swap3A_524 = tpu.vector_load %arg9[%swap3A_523] {strides = array<i32>} : memref<2048xf32, #tpu.memory_space<vmem>>, vector<16xf32>,
    tpu.vector_store %arg9[%swap3A_523], %broadcast_in_dim3A_306 {strides = array<i32>} : memref<2048xf32, #tpu.memory_space<vmem>>, vector<16xf32>,
    %swap3A_525 = arith.constant 1744 : index
    %swap3A_526 = tpu.vector_load %arg9[%swap3A_525] {strides = array<i32>} : memref<2048xf32, #tpu.memory_space<vmem>>, vector<16xf32>,
    tpu.vector_store %arg9[%swap3A_525], %broadcast_in_dim3A_306 {strides = array<i32>} : memref<2048xf32, #tpu.memory_space<vmem>>, vector<16xf32>,
    %swap3A_527 = arith.constant 1760 : index
    %swap3A_528 = tpu.vector_load %arg9[%swap3A_527] {strides = array<i32>} : memref<2048xf32, #tpu.memory_space<vmem>>, vector<16xf32>,
    tpu.vector_store %arg9[%swap3A_527], %broadcast_in_dim3A_306 {strides = array<i32>} : memref<2048xf32, #tpu.memory_space<vmem>>, vector<16xf32>,
    %swap3A_529 = arith.constant 1776 : index
    %swap3A_530 = tpu.vector_load %arg9[%swap3A_529] {strides = array<i32>} : memref<2048xf32, #tpu.memory_space<vmem>>, vector<16xf32>,
    tpu.vector_store %arg9[%swap3A_529], %broadcast_in_dim3A_306 {strides = array<i32>} : memref<2048xf32, #tpu.memory_space<vmem>>, vector<16xf32>,
    %swap3A_531 = arith.constant 1792 : index
    %swap3A_532 = tpu.vector_load %arg9[%swap3A_531] {strides = array<i32>} : memref<2048xf32, #tpu.memory_space<vmem>>, vector<16xf32>,
    tpu.vector_store %arg9[%swap3A_531], %broadcast_in_dim3A_306 {strides = array<i32>} : memref<2048xf32, #tpu.memory_space<vmem>>, vector<16xf32>,
    %swap3A_533 = arith.constant 1808 : index
    %swap3A_534 = tpu.vector_load %arg9[%swap3A_533] {strides = array<i32>} : memref<2048xf32, #tpu.memory_space<vmem>>, vector<16xf32>,
    tpu.vector_store %arg9[%swap3A_533], %broadcast_in_dim3A_306 {strides = array<i32>} : memref<2048xf32, #tpu.memory_space<vmem>>, vector<16xf32>,
    %swap3A_535 = arith.constant 1824 : index
    %swap3A_536 = tpu.vector_load %arg9[%swap3A_535] {strides = array<i32>} : memref<2048xf32, #tpu.memory_space<vmem>>, vector<16xf32>,
    tpu.vector_store %arg9[%swap3A_535], %broadcast_in_dim3A_306 {strides = array<i32>} : memref<2048xf32, #tpu.memory_space<vmem>>, vector<16xf32>,
    %swap3A_537 = arith.constant 1840 : index
    %swap3A_538 = tpu.vector_load %arg9[%swap3A_537] {strides = array<i32>} : memref<2048xf32, #tpu.memory_space<vmem>>, vector<16xf32>,
    tpu.vector_store %arg9[%swap3A_537], %broadcast_in_dim3A_306 {strides = array<i32>} : memref<2048xf32, #tpu.memory_space<vmem>>, vector<16xf32>,
    %swap3A_539 = arith.constant 1856 : index
    %swap3A_540 = tpu.vector_load %arg9[%swap3A_539] {strides = array<i32>} : memref<2048xf32, #tpu.memory_space<vmem>>, vector<16xf32>,
    tpu.vector_store %arg9[%swap3A_539], %broadcast_in_dim3A_306 {strides = array<i32>} : memref<2048xf32, #tpu.memory_space<vmem>>, vector<16xf32>,
    %swap3A_541 = arith.constant 1872 : index
    %swap3A_542 = tpu.vector_load %arg9[%swap3A_541] {strides = array<i32>} : memref<2048xf32, #tpu.memory_space<vmem>>, vector<16xf32>,
    tpu.vector_store %arg9[%swap3A_541], %broadcast_in_dim3A_306 {strides = array<i32>} : memref<2048xf32, #tpu.memory_space<vmem>>, vector<16xf32>,
    %swap3A_543 = arith.constant 1888 : index
    %swap3A_544 = tpu.vector_load %arg9[%swap3A_543] {strides = array<i32>} : memref<2048xf32, #tpu.memory_space<vmem>>, vector<16xf32>,
    tpu.vector_store %arg9[%swap3A_543], %broadcast_in_dim3A_306 {strides = array<i32>} : memref<2048xf32, #tpu.memory_space<vmem>>, vector<16xf32>,
    %swap3A_545 = arith.constant 1904 : index
    %swap3A_546 = tpu.vector_load %arg9[%swap3A_545] {strides = array<i32>} : memref<2048xf32, #tpu.memory_space<vmem>>, vector<16xf32>,
    tpu.vector_store %arg9[%swap3A_545], %broadcast_in_dim3A_306 {strides = array<i32>} : memref<2048xf32, #tpu.memory_space<vmem>>, vector<16xf32>,
    %swap3A_547 = arith.constant 1920 : index
    %swap3A_548 = tpu.vector_load %arg9[%swap3A_547] {strides = array<i32>} : memref<2048xf32, #tpu.memory_space<vmem>>, vector<16xf32>,
    tpu.vector_store %arg9[%swap3A_547], %broadcast_in_dim3A_306 {strides = array<i32>} : memref<2048xf32, #tpu.memory_space<vmem>>, vector<16xf32>,
    %swap3A_549 = arith.constant 1936 : index
    %swap3A_550 = tpu.vector_load %arg9[%swap3A_549] {strides = array<i32>} : memref<2048xf32, #tpu.memory_space<vmem>>, vector<16xf32>,
    tpu.vector_store %arg9[%swap3A_549], %broadcast_in_dim3A_306 {strides = array<i32>} : memref<2048xf32, #tpu.memory_space<vmem>>, vector<16xf32>,
    %swap3A_551 = arith.constant 1952 : index
    %swap3A_552 = tpu.vector_load %arg9[%swap3A_551] {strides = array<i32>} : memref<2048xf32, #tpu.memory_space<vmem>>, vector<16xf32>,
    tpu.vector_store %arg9[%swap3A_551], %broadcast_in_dim3A_306 {strides = array<i32>} : memref<2048xf32, #tpu.memory_space<vmem>>, vector<16xf32>,
    %swap3A_553 = arith.constant 1968 : index
    %swap3A_554 = tpu.vector_load %arg9[%swap3A_553] {strides = array<i32>} : memref<2048xf32, #tpu.memory_space<vmem>>, vector<16xf32>,
    tpu.vector_store %arg9[%swap3A_553], %broadcast_in_dim3A_306 {strides = array<i32>} : memref<2048xf32, #tpu.memory_space<vmem>>, vector<16xf32>,
    %swap3A_555 = arith.constant 1984 : index
    %swap3A_556 = tpu.vector_load %arg9[%swap3A_555] {strides = array<i32>} : memref<2048xf32, #tpu.memory_space<vmem>>, vector<16xf32>,
    tpu.vector_store %arg9[%swap3A_555], %broadcast_in_dim3A_306 {strides = array<i32>} : memref<2048xf32, #tpu.memory_space<vmem>>, vector<16xf32>,
    %swap3A_557 = arith.constant 2000 : index
    %swap3A_558 = tpu.vector_load %arg9[%swap3A_557] {strides = array<i32>} : memref<2048xf32, #tpu.memory_space<vmem>>, vector<16xf32>,
    tpu.vector_store %arg9[%swap3A_557], %broadcast_in_dim3A_306 {strides = array<i32>} : memref<2048xf32, #tpu.memory_space<vmem>>, vector<16xf32>,
    %swap3A_559 = arith.constant 2016 : index
    %swap3A_560 = tpu.vector_load %arg9[%swap3A_559] {strides = array<i32>} : memref<2048xf32, #tpu.memory_space<vmem>>, vector<16xf32>,
    tpu.vector_store %arg9[%swap3A_559], %broadcast_in_dim3A_306 {strides = array<i32>} : memref<2048xf32, #tpu.memory_space<vmem>>, vector<16xf32>,
    %swap3A_561 = arith.constant 2032 : index
    %swap3A_562 = tpu.vector_load %arg9[%swap3A_561] {strides = array<i32>} : memref<2048xf32, #tpu.memory_space<vmem>>, vector<16xf32>,
    tpu.vector_store %arg9[%swap3A_561], %broadcast_in_dim3A_306 {strides = array<i32>} : memref<2048xf32, #tpu.memory_space<vmem>>, vector<16xf32>,
    %mul3A_563 = arith.constant 512 : i32
    %mul3A_564 = arith.muli %add3A, %mul3A_563 : i32
    %add3A_565 = arith.constant 0 : i32
    %add3A_566 = arith.addi %mul3A_564, %add3A_565 : i32
    %mul3A_567 = arith.constant 128 : i32
    %mul3A_568 = arith.muli %add3A_566, %mul3A_567 : i32
    %dma_start3A = tpu.memref_slice %arg2[%mul3A_568] : memref<4194304xf32, #tpu.memory_space<hbm>> -> memref<16384xf32, #tpu.memory_space<hbm>>
    %dma_start3A_569 = tpu.memref_slice %arg2[%mul3A_568] : memref<4194304xf32, #tpu.memory_space<hbm>> -> memref<16384xf32, #tpu.memory_space<hbm>>
    tpu.enqueue_dma source(%dma_start3A_569 : memref<16384xf32, #tpu.memory_space<hbm>>) target(%arg6 : memref<16384xf32, #tpu.memory_space<vmem>>) target_semaphore(%arg11 : memref<!tpu.dma_semaphore, #tpu.memory_space<semaphore_mem>>)
    %add3A_570 = arith.constant 128 : i32
    %add3A_571 = arith.addi %mul3A_564, %add3A_570 : i32
    %mul3A_572 = arith.constant 128 : i32
    %mul3A_573 = arith.muli %add3A_571, %mul3A_572 : i32
    %dma_start3A_574 = tpu.memref_slice %arg2[%mul3A_573] : memref<4194304xf32, #tpu.memory_space<hbm>> -> memref<16384xf32, #tpu.memory_space<hbm>>
    %dma_start3A_575 = tpu.memref_slice %arg2[%mul3A_573] : memref<4194304xf32, #tpu.memory_space<hbm>> -> memref<16384xf32, #tpu.memory_space<hbm>>
    tpu.enqueue_dma source(%dma_start3A_575 : memref<16384xf32, #tpu.memory_space<hbm>>) target(%arg7 : memref<16384xf32, #tpu.memory_space<vmem>>) target_semaphore(%arg12 : memref<!tpu.dma_semaphore, #tpu.memory_space<semaphore_mem>>)
    %dma_wait3A = arith.constant 0 : i32
    %dma_wait3A_576 = tpu.memref_slice %arg2[%dma_wait3A] : memref<4194304xf32, #tpu.memory_space<hbm>> -> memref<16384xf32, #tpu.memory_space<hbm>>
    %dma_wait3A_577 = arith.constant 0 : i32
    %dma_wait3A_578 = tpu.memref_slice %arg2[%dma_wait3A_577] : memref<4194304xf32, #tpu.memory_space<hbm>> -> memref<16384xf32, #tpu.memory_space<hbm>>
    tpu.wait_dma2 semaphore(%arg11 : memref<!tpu.dma_semaphore, #tpu.memory_space<semaphore_mem>>) src(%dma_wait3A_578 : memref<16384xf32, #tpu.memory_space<hbm>>) dst(%arg6 : memref<16384xf32, #tpu.memory_space<vmem>>)
    %add3A_579 = arith.constant 256 : i32
    %add3A_580 = arith.addi %mul3A_564, %add3A_579 : i32
    %mul3A_581 = arith.constant 128 : i32
    %mul3A_582 = arith.muli %add3A_580, %mul3A_581 : i32
    %dma_start3A_583 = tpu.memref_slice %arg2[%mul3A_582] : memref<4194304xf32, #tpu.memory_space<hbm>> -> memref<16384xf32, #tpu.memory_space<hbm>>
    %dma_start3A_584 = tpu.memref_slice %arg2[%mul3A_582] : memref<4194304xf32, #tpu.memory_space<hbm>> -> memref<16384xf32, #tpu.memory_space<hbm>>
    tpu.enqueue_dma source(%dma_start3A_584 : memref<16384xf32, #tpu.memory_space<hbm>>) target(%arg8 : memref<16384xf32, #tpu.memory_space<vmem>>) target_semaphore(%arg13 : memref<!tpu.dma_semaphore, #tpu.memory_space<semaphore_mem>>)
    %add3A_585 = arith.constant 0 : i32
    %add3A_586 = arith.addi %mul3A_564, %add3A_585 : i32
    %scan3A = arith.constant 0 : i32
    %scan3A_587 = arith.constant 0 : i32
    %scan3A_588 = arith.constant 16 : i32
    %scan3A_589 = arith.addi %scan3A_587, %scan3A_588 : i32
    %scan3A_590 = arith.constant 1 : i32
    scf.for %scan3A_638 = %scan3A_587 to %scan3A_589 step %scan3A_590  : i32 {
      %get3A_639 = arith.index_cast %scan3A_638 : i32 to index
      %get3A_640 = memref.load %arg10[%get3A_639] : memref<17xi32, #tpu.memory_space<smem>>
      %sub3A_641 = arith.subi %get3A_640, %add3A_586 : i32
      %jit3A_642 = arith.constant 0 : i32
      %jit3A_643 = arith.constant 128 : i32
      %max3A_644 = arith.maxsi %jit3A_642, %sub3A_641 : i32
      %min3A = arith.minsi %jit3A_643, %max3A_644 : i32
      %add3A_645 = arith.constant 1 : i32
      %add3A_646 = arith.addi %scan3A_638, %add3A_645 : i32
      %get3A_647 = arith.index_cast %add3A_646 : i32 to index
      %get3A_648 = memref.load %arg10[%get3A_647] : memref<17xi32, #tpu.memory_space<smem>>
      %sub3A_649 = arith.subi %get3A_648, %add3A_586 : i32
      %jit3A_650 = arith.constant 0 : i32
      %jit3A_651 = arith.constant 128 : i32
      %max3A_652 = arith.maxsi %jit3A_650, %sub3A_649 : i32
      %min3A_653 = arith.minsi %jit3A_651, %max3A_652 : i32
      %gt3A = arith.cmpi sgt, %min3A_653, %min3A : i32
      %convert_element_type3A = arith.extui %gt3A : i1 to i32
      %cond3A = arith.constant 0 : i32
      %cond3A_654 = arith.cmpi ne, %convert_element_type3A, %cond3A : i32
      scf.if %cond3A_654 {
        %parallel_loop3A = arith.constant 1 : i32
        %parallel_loop3A_655:8 = scf.for %parallel_loop3A_728 = %min3A to %min3A_653 step %parallel_loop3A iter_args(%parallel_loop3A_729 = %broadcast_in_dim3A_306, %parallel_loop3A_730 = %broadcast_in_dim3A_306, %parallel_loop3A_731 = %broadcast_in_dim3A_306, %parallel_loop3A_732 = %broadcast_in_dim3A_306, %parallel_loop3A_733 = %broadcast_in_dim3A_306, %parallel_loop3A_734 = %broadcast_in_dim3A_306, %parallel_loop3A_735 = %broadcast_in_dim3A_306, %parallel_loop3A_736 = %broadcast_in_dim3A_306) -> (vector<16xf32>, vector<16xf32>, vector<16xf32>, vector<16xf32>, vector<16xf32>, vector<16xf32>, vector<16xf32>, vector<16xf32>)  : i32 {
          %parallel_loop3A_737 = arith.constant 128 : i32
          %parallel_loop3A_738 = arith.muli %parallel_loop3A_728, %parallel_loop3A_737 : i32
          %parallel_loop3A_739 = arith.constant 0 : i32
          %parallel_loop3A_740 = arith.addi %parallel_loop3A_738, %parallel_loop3A_739 : i32
          %parallel_loop3A_741 = arith.index_cast %parallel_loop3A_740 : i32 to index
          %parallel_loop3A_742 = tpu.vector_load %arg6[%parallel_loop3A_741] {strides = array<i32>} : memref<16384xf32, #tpu.memory_space<vmem>>, vector<16xf32>,
          %parallel_loop3A_743 = arith.addf %parallel_loop3A_729, %parallel_loop3A_742 : vector<16xf32>
          %parallel_loop3A_744 = arith.constant 128 : i32
          %parallel_loop3A_745 = arith.muli %parallel_loop3A_728, %parallel_loop3A_744 : i32
          %parallel_loop3A_746 = arith.constant 16 : i32
          %parallel_loop3A_747 = arith.addi %parallel_loop3A_745, %parallel_loop3A_746 : i32
          %parallel_loop3A_748 = arith.index_cast %parallel_loop3A_747 : i32 to index
          %parallel_loop3A_749 = tpu.vector_load %arg6[%parallel_loop3A_748] {strides = array<i32>} : memref<16384xf32, #tpu.memory_space<vmem>>, vector<16xf32>,
          %parallel_loop3A_750 = arith.addf %parallel_loop3A_730, %parallel_loop3A_749 : vector<16xf32>
          %parallel_loop3A_751 = arith.constant 128 : i32
          %parallel_loop3A_752 = arith.muli %parallel_loop3A_728, %parallel_loop3A_751 : i32
          %parallel_loop3A_753 = arith.constant 32 : i32
          %parallel_loop3A_754 = arith.addi %parallel_loop3A_752, %parallel_loop3A_753 : i32
          %parallel_loop3A_755 = arith.index_cast %parallel_loop3A_754 : i32 to index
          %parallel_loop3A_756 = tpu.vector_load %arg6[%parallel_loop3A_755] {strides = array<i32>} : memref<16384xf32, #tpu.memory_space<vmem>>, vector<16xf32>,
          %parallel_loop3A_757 = arith.addf %parallel_loop3A_731, %parallel_loop3A_756 : vector<16xf32>
          %parallel_loop3A_758 = arith.constant 128 : i32
          %parallel_loop3A_759 = arith.muli %parallel_loop3A_728, %parallel_loop3A_758 : i32
          %parallel_loop3A_760 = arith.constant 48 : i32
          %parallel_loop3A_761 = arith.addi %parallel_loop3A_759, %parallel_loop3A_760 : i32
          %parallel_loop3A_762 = arith.index_cast %parallel_loop3A_761 : i32 to index
          %parallel_loop3A_763 = tpu.vector_load %arg6[%parallel_loop3A_762] {strides = array<i32>} : memref<16384xf32, #tpu.memory_space<vmem>>, vector<16xf32>,
          %parallel_loop3A_764 = arith.addf %parallel_loop3A_732, %parallel_loop3A_763 : vector<16xf32>
          %parallel_loop3A_765 = arith.constant 128 : i32
          %parallel_loop3A_766 = arith.muli %parallel_loop3A_728, %parallel_loop3A_765 : i32
          %parallel_loop3A_767 = arith.constant 64 : i32
          %parallel_loop3A_768 = arith.addi %parallel_loop3A_766, %parallel_loop3A_767 : i32
          %parallel_loop3A_769 = arith.index_cast %parallel_loop3A_768 : i32 to index
          %parallel_loop3A_770 = tpu.vector_load %arg6[%parallel_loop3A_769] {strides = array<i32>} : memref<16384xf32, #tpu.memory_space<vmem>>, vector<16xf32>,
          %parallel_loop3A_771 = arith.addf %parallel_loop3A_733, %parallel_loop3A_770 : vector<16xf32>
          %parallel_loop3A_772 = arith.constant 128 : i32
          %parallel_loop3A_773 = arith.muli %parallel_loop3A_728, %parallel_loop3A_772 : i32
          %parallel_loop3A_774 = arith.constant 80 : i32
          %parallel_loop3A_775 = arith.addi %parallel_loop3A_773, %parallel_loop3A_774 : i32
          %parallel_loop3A_776 = arith.index_cast %parallel_loop3A_775 : i32 to index
          %parallel_loop3A_777 = tpu.vector_load %arg6[%parallel_loop3A_776] {strides = array<i32>} : memref<16384xf32, #tpu.memory_space<vmem>>, vector<16xf32>,
          %parallel_loop3A_778 = arith.addf %parallel_loop3A_734, %parallel_loop3A_777 : vector<16xf32>
          %parallel_loop3A_779 = arith.constant 128 : i32
          %parallel_loop3A_780 = arith.muli %parallel_loop3A_728, %parallel_loop3A_779 : i32
          %parallel_loop3A_781 = arith.constant 96 : i32
          %parallel_loop3A_782 = arith.addi %parallel_loop3A_780, %parallel_loop3A_781 : i32
          %parallel_loop3A_783 = arith.index_cast %parallel_loop3A_782 : i32 to index
          %parallel_loop3A_784 = tpu.vector_load %arg6[%parallel_loop3A_783] {strides = array<i32>} : memref<16384xf32, #tpu.memory_space<vmem>>, vector<16xf32>,
          %parallel_loop3A_785 = arith.addf %parallel_loop3A_735, %parallel_loop3A_784 : vector<16xf32>
          %parallel_loop3A_786 = arith.constant 128 : i32
          %parallel_loop3A_787 = arith.muli %parallel_loop3A_728, %parallel_loop3A_786 : i32
          %parallel_loop3A_788 = arith.constant 112 : i32
          %parallel_loop3A_789 = arith.addi %parallel_loop3A_787, %parallel_loop3A_788 : i32
          %parallel_loop3A_790 = arith.index_cast %parallel_loop3A_789 : i32 to index
          %parallel_loop3A_791 = tpu.vector_load %arg6[%parallel_loop3A_790] {strides = array<i32>} : memref<16384xf32, #tpu.memory_space<vmem>>, vector<16xf32>,
          %parallel_loop3A_792 = arith.addf %parallel_loop3A_736, %parallel_loop3A_791 : vector<16xf32>
          scf.yield %parallel_loop3A_743, %parallel_loop3A_750, %parallel_loop3A_757, %parallel_loop3A_764, %parallel_loop3A_771, %parallel_loop3A_778, %parallel_loop3A_785, %parallel_loop3A_792 : vector<16xf32>, vector<16xf32>, vector<16xf32>, vector<16xf32>, vector<16xf32>, vector<16xf32>, vector<16xf32>, vector<16xf32>
        } {sc.loop_unroll_factor = 2 : i64, sc.parallel_access}
        %mul3A_656 = arith.constant 128 : i32
        %mul3A_657 = arith.muli %scan3A_638, %mul3A_656 : i32
        %add3A_658 = arith.constant 0 : i32
        %add3A_659 = arith.addi %mul3A_657, %add3A_658 : i32
        %get3A_660 = arith.index_cast %add3A_659 : i32 to index
        %get3A_661 = tpu.vector_load %arg9[%get3A_660] {strides = array<i32>} : memref<2048xf32, #tpu.memory_space<vmem>>, vector<16xf32>,
        %add3A_662 = arith.addf %get3A_661, %parallel_loop3A_655#0 : vector<16xf32>
        %swap3A_663 = arith.index_cast %add3A_659 : i32 to index
        %swap3A_664 = tpu.vector_load %arg9[%swap3A_663] {strides = array<i32>} : memref<2048xf32, #tpu.memory_space<vmem>>, vector<16xf32>,
        tpu.vector_store %arg9[%swap3A_663], %add3A_662 {strides = array<i32>} : memref<2048xf32, #tpu.memory_space<vmem>>, vector<16xf32>,
        %mul3A_665 = arith.constant 128 : i32
        %mul3A_666 = arith.muli %scan3A_638, %mul3A_665 : i32
        %add3A_667 = arith.constant 16 : i32
        %add3A_668 = arith.addi %mul3A_666, %add3A_667 : i32
        %get3A_669 = arith.index_cast %add3A_668 : i32 to index
        %get3A_670 = tpu.vector_load %arg9[%get3A_669] {strides = array<i32>} : memref<2048xf32, #tpu.memory_space<vmem>>, vector<16xf32>,
        %add3A_671 = arith.addf %get3A_670, %parallel_loop3A_655#1 : vector<16xf32>
        %swap3A_672 = arith.index_cast %add3A_668 : i32 to index
        %swap3A_673 = tpu.vector_load %arg9[%swap3A_672] {strides = array<i32>} : memref<2048xf32, #tpu.memory_space<vmem>>, vector<16xf32>,
        tpu.vector_store %arg9[%swap3A_672], %add3A_671 {strides = array<i32>} : memref<2048xf32, #tpu.memory_space<vmem>>, vector<16xf32>,
        %mul3A_674 = arith.constant 128 : i32
        %mul3A_675 = arith.muli %scan3A_638, %mul3A_674 : i32
        %add3A_676 = arith.constant 32 : i32
        %add3A_677 = arith.addi %mul3A_675, %add3A_676 : i32
        %get3A_678 = arith.index_cast %add3A_677 : i32 to index
        %get3A_679 = tpu.vector_load %arg9[%get3A_678] {strides = array<i32>} : memref<2048xf32, #tpu.memory_space<vmem>>, vector<16xf32>,
        %add3A_680 = arith.addf %get3A_679, %parallel_loop3A_655#2 : vector<16xf32>
        %swap3A_681 = arith.index_cast %add3A_677 : i32 to index
        %swap3A_682 = tpu.vector_load %arg9[%swap3A_681] {strides = array<i32>} : memref<2048xf32, #tpu.memory_space<vmem>>, vector<16xf32>,
        tpu.vector_store %arg9[%swap3A_681], %add3A_680 {strides = array<i32>} : memref<2048xf32, #tpu.memory_space<vmem>>, vector<16xf32>,
        %mul3A_683 = arith.constant 128 : i32
        %mul3A_684 = arith.muli %scan3A_638, %mul3A_683 : i32
        %add3A_685 = arith.constant 48 : i32
        %add3A_686 = arith.addi %mul3A_684, %add3A_685 : i32
        %get3A_687 = arith.index_cast %add3A_686 : i32 to index
        %get3A_688 = tpu.vector_load %arg9[%get3A_687] {strides = array<i32>} : memref<2048xf32, #tpu.memory_space<vmem>>, vector<16xf32>,
        %add3A_689 = arith.addf %get3A_688, %parallel_loop3A_655#3 : vector<16xf32>
        %swap3A_690 = arith.index_cast %add3A_686 : i32 to index
        %swap3A_691 = tpu.vector_load %arg9[%swap3A_690] {strides = array<i32>} : memref<2048xf32, #tpu.memory_space<vmem>>, vector<16xf32>,
        tpu.vector_store %arg9[%swap3A_690], %add3A_689 {strides = array<i32>} : memref<2048xf32, #tpu.memory_space<vmem>>, vector<16xf32>,
        %mul3A_692 = arith.constant 128 : i32
        %mul3A_693 = arith.muli %scan3A_638, %mul3A_692 : i32
        %add3A_694 = arith.constant 64 : i32
        %add3A_695 = arith.addi %mul3A_693, %add3A_694 : i32
        %get3A_696 = arith.index_cast %add3A_695 : i32 to index
        %get3A_697 = tpu.vector_load %arg9[%get3A_696] {strides = array<i32>} : memref<2048xf32, #tpu.memory_space<vmem>>, vector<16xf32>,
        %add3A_698 = arith.addf %get3A_697, %parallel_loop3A_655#4 : vector<16xf32>
        %swap3A_699 = arith.index_cast %add3A_695 : i32 to index
        %swap3A_700 = tpu.vector_load %arg9[%swap3A_699] {strides = array<i32>} : memref<2048xf32, #tpu.memory_space<vmem>>, vector<16xf32>,
        tpu.vector_store %arg9[%swap3A_699], %add3A_698 {strides = array<i32>} : memref<2048xf32, #tpu.memory_space<vmem>>, vector<16xf32>,
        %mul3A_701 = arith.constant 128 : i32
        %mul3A_702 = arith.muli %scan3A_638, %mul3A_701 : i32
        %add3A_703 = arith.constant 80 : i32
        %add3A_704 = arith.addi %mul3A_702, %add3A_703 : i32
        %get3A_705 = arith.index_cast %add3A_704 : i32 to index
        %get3A_706 = tpu.vector_load %arg9[%get3A_705] {strides = array<i32>} : memref<2048xf32, #tpu.memory_space<vmem>>, vector<16xf32>,
        %add3A_707 = arith.addf %get3A_706, %parallel_loop3A_655#5 : vector<16xf32>
        %swap3A_708 = arith.index_cast %add3A_704 : i32 to index
        %swap3A_709 = tpu.vector_load %arg9[%swap3A_708] {strides = array<i32>} : memref<2048xf32, #tpu.memory_space<vmem>>, vector<16xf32>,
        tpu.vector_store %arg9[%swap3A_708], %add3A_707 {strides = array<i32>} : memref<2048xf32, #tpu.memory_space<vmem>>, vector<16xf32>,
        %mul3A_710 = arith.constant 128 : i32
        %mul3A_711 = arith.muli %scan3A_638, %mul3A_710 : i32
        %add3A_712 = arith.constant 96 : i32
        %add3A_713 = arith.addi %mul3A_711, %add3A_712 : i32
        %get3A_714 = arith.index_cast %add3A_713 : i32 to index
        %get3A_715 = tpu.vector_load %arg9[%get3A_714] {strides = array<i32>} : memref<2048xf32, #tpu.memory_space<vmem>>, vector<16xf32>,
        %add3A_716 = arith.addf %get3A_715, %parallel_loop3A_655#6 : vector<16xf32>
        %swap3A_717 = arith.index_cast %add3A_713 : i32 to index
        %swap3A_718 = tpu.vector_load %arg9[%swap3A_717] {strides = array<i32>} : memref<2048xf32, #tpu.memory_space<vmem>>, vector<16xf32>,
        tpu.vector_store %arg9[%swap3A_717], %add3A_716 {strides = array<i32>} : memref<2048xf32, #tpu.memory_space<vmem>>, vector<16xf32>,
        %mul3A_719 = arith.constant 128 : i32
        %mul3A_720 = arith.muli %scan3A_638, %mul3A_719 : i32
        %add3A_721 = arith.constant 112 : i32
        %add3A_722 = arith.addi %mul3A_720, %add3A_721 : i32
        %get3A_723 = arith.index_cast %add3A_722 : i32 to index
        %get3A_724 = tpu.vector_load %arg9[%get3A_723] {strides = array<i32>} : memref<2048xf32, #tpu.memory_space<vmem>>, vector<16xf32>,
        %add3A_725 = arith.addf %get3A_724, %parallel_loop3A_655#7 : vector<16xf32>
        %swap3A_726 = arith.index_cast %add3A_722 : i32 to index
        %swap3A_727 = tpu.vector_load %arg9[%swap3A_726] {strides = array<i32>} : memref<2048xf32, #tpu.memory_space<vmem>>, vector<16xf32>,
        tpu.vector_store %arg9[%swap3A_726], %add3A_725 {strides = array<i32>} : memref<2048xf32, #tpu.memory_space<vmem>>, vector<16xf32>,
      } else {
      }
    }
    %scan3A_591 = arith.constant 16 : i32
    %dma_wait3A_592 = arith.constant 0 : i32
    %dma_wait3A_593 = tpu.memref_slice %arg2[%dma_wait3A_592] : memref<4194304xf32, #tpu.memory_space<hbm>> -> memref<16384xf32, #tpu.memory_space<hbm>>
    %dma_wait3A_594 = arith.constant 0 : i32
    %dma_wait3A_595 = tpu.memref_slice %arg2[%dma_wait3A_594] : memref<4194304xf32, #tpu.memory_space<hbm>> -> memref<16384xf32, #tpu.memory_space<hbm>>
    tpu.wait_dma2 semaphore(%arg12 : memref<!tpu.dma_semaphore, #tpu.memory_space<semaphore_mem>>) src(%dma_wait3A_595 : memref<16384xf32, #tpu.memory_space<hbm>>) dst(%arg7 : memref<16384xf32, #tpu.memory_space<vmem>>)
    %add3A_596 = arith.constant 384 : i32
    %add3A_597 = arith.addi %mul3A_564, %add3A_596 : i32
    %mul3A_598 = arith.constant 128 : i32
    %mul3A_599 = arith.muli %add3A_597, %mul3A_598 : i32
    %dma_start3A_600 = tpu.memref_slice %arg2[%mul3A_599] : memref<4194304xf32, #tpu.memory_space<hbm>> -> memref<16384xf32, #tpu.memory_space<hbm>>
    %dma_start3A_601 = tpu.memref_slice %arg2[%mul3A_599] : memref<4194304xf32, #tpu.memory_space<hbm>> -> memref<16384xf32, #tpu.memory_space<hbm>>
    tpu.enqueue_dma source(%dma_start3A_601 : memref<16384xf32, #tpu.memory_space<hbm>>) target(%arg6 : memref<16384xf32, #tpu.memory_space<vmem>>) target_semaphore(%arg11 : memref<!tpu.dma_semaphore, #tpu.memory_space<semaphore_mem>>)
    %add3A_602 = arith.constant 128 : i32
    %add3A_603 = arith.addi %mul3A_564, %add3A_602 : i32
    %scan3A_604 = arith.constant 0 : i32
    %scan3A_605 = arith.constant 0 : i32
    %scan3A_606 = arith.constant 16 : i32
    %scan3A_607 = arith.addi %scan3A_605, %scan3A_606 : i32
    %scan3A_608 = arith.constant 1 : i32
    scf.for %scan3A_638 = %scan3A_605 to %scan3A_607 step %scan3A_608  : i32 {
      %get3A_639 = arith.index_cast %scan3A_638 : i32 to index
      %get3A_640 = memref.load %arg10[%get3A_639] : memref<17xi32, #tpu.memory_space<smem>>
      %sub3A_641 = arith.subi %get3A_640, %add3A_603 : i32
      %jit3A_642 = arith.constant 0 : i32
      %jit3A_643 = arith.constant 128 : i32
      %max3A_644 = arith.maxsi %jit3A_642, %sub3A_641 : i32
      %min3A = arith.minsi %jit3A_643, %max3A_644 : i32
      %add3A_645 = arith.constant 1 : i32
      %add3A_646 = arith.addi %scan3A_638, %add3A_645 : i32
      %get3A_647 = arith.index_cast %add3A_646 : i32 to index
      %get3A_648 = memref.load %arg10[%get3A_647] : memref<17xi32, #tpu.memory_space<smem>>
      %sub3A_649 = arith.subi %get3A_648, %add3A_603 : i32
      %jit3A_650 = arith.constant 0 : i32
      %jit3A_651 = arith.constant 128 : i32
      %max3A_652 = arith.maxsi %jit3A_650, %sub3A_649 : i32
      %min3A_653 = arith.minsi %jit3A_651, %max3A_652 : i32
      %gt3A = arith.cmpi sgt, %min3A_653, %min3A : i32
      %convert_element_type3A = arith.extui %gt3A : i1 to i32
      %cond3A = arith.constant 0 : i32
      %cond3A_654 = arith.cmpi ne, %convert_element_type3A, %cond3A : i32
      scf.if %cond3A_654 {
        %parallel_loop3A = arith.constant 1 : i32
        %parallel_loop3A_655:8 = scf.for %parallel_loop3A_728 = %min3A to %min3A_653 step %parallel_loop3A iter_args(%parallel_loop3A_729 = %broadcast_in_dim3A_306, %parallel_loop3A_730 = %broadcast_in_dim3A_306, %parallel_loop3A_731 = %broadcast_in_dim3A_306, %parallel_loop3A_732 = %broadcast_in_dim3A_306, %parallel_loop3A_733 = %broadcast_in_dim3A_306, %parallel_loop3A_734 = %broadcast_in_dim3A_306, %parallel_loop3A_735 = %broadcast_in_dim3A_306, %parallel_loop3A_736 = %broadcast_in_dim3A_306) -> (vector<16xf32>, vector<16xf32>, vector<16xf32>, vector<16xf32>, vector<16xf32>, vector<16xf32>, vector<16xf32>, vector<16xf32>)  : i32 {
          %parallel_loop3A_737 = arith.constant 128 : i32
          %parallel_loop3A_738 = arith.muli %parallel_loop3A_728, %parallel_loop3A_737 : i32
          %parallel_loop3A_739 = arith.constant 0 : i32
          %parallel_loop3A_740 = arith.addi %parallel_loop3A_738, %parallel_loop3A_739 : i32
          %parallel_loop3A_741 = arith.index_cast %parallel_loop3A_740 : i32 to index
          %parallel_loop3A_742 = tpu.vector_load %arg7[%parallel_loop3A_741] {strides = array<i32>} : memref<16384xf32, #tpu.memory_space<vmem>>, vector<16xf32>,
          %parallel_loop3A_743 = arith.addf %parallel_loop3A_729, %parallel_loop3A_742 : vector<16xf32>
          %parallel_loop3A_744 = arith.constant 128 : i32
          %parallel_loop3A_745 = arith.muli %parallel_loop3A_728, %parallel_loop3A_744 : i32
          %parallel_loop3A_746 = arith.constant 16 : i32
          %parallel_loop3A_747 = arith.addi %parallel_loop3A_745, %parallel_loop3A_746 : i32
          %parallel_loop3A_748 = arith.index_cast %parallel_loop3A_747 : i32 to index
          %parallel_loop3A_749 = tpu.vector_load %arg7[%parallel_loop3A_748] {strides = array<i32>} : memref<16384xf32, #tpu.memory_space<vmem>>, vector<16xf32>,
          %parallel_loop3A_750 = arith.addf %parallel_loop3A_730, %parallel_loop3A_749 : vector<16xf32>
          %parallel_loop3A_751 = arith.constant 128 : i32
          %parallel_loop3A_752 = arith.muli %parallel_loop3A_728, %parallel_loop3A_751 : i32
          %parallel_loop3A_753 = arith.constant 32 : i32
          %parallel_loop3A_754 = arith.addi %parallel_loop3A_752, %parallel_loop3A_753 : i32
          %parallel_loop3A_755 = arith.index_cast %parallel_loop3A_754 : i32 to index
          %parallel_loop3A_756 = tpu.vector_load %arg7[%parallel_loop3A_755] {strides = array<i32>} : memref<16384xf32, #tpu.memory_space<vmem>>, vector<16xf32>,
          %parallel_loop3A_757 = arith.addf %parallel_loop3A_731, %parallel_loop3A_756 : vector<16xf32>
          %parallel_loop3A_758 = arith.constant 128 : i32
          %parallel_loop3A_759 = arith.muli %parallel_loop3A_728, %parallel_loop3A_758 : i32
          %parallel_loop3A_760 = arith.constant 48 : i32
          %parallel_loop3A_761 = arith.addi %parallel_loop3A_759, %parallel_loop3A_760 : i32
          %parallel_loop3A_762 = arith.index_cast %parallel_loop3A_761 : i32 to index
          %parallel_loop3A_763 = tpu.vector_load %arg7[%parallel_loop3A_762] {strides = array<i32>} : memref<16384xf32, #tpu.memory_space<vmem>>, vector<16xf32>,
          %parallel_loop3A_764 = arith.addf %parallel_loop3A_732, %parallel_loop3A_763 : vector<16xf32>
          %parallel_loop3A_765 = arith.constant 128 : i32
          %parallel_loop3A_766 = arith.muli %parallel_loop3A_728, %parallel_loop3A_765 : i32
          %parallel_loop3A_767 = arith.constant 64 : i32
          %parallel_loop3A_768 = arith.addi %parallel_loop3A_766, %parallel_loop3A_767 : i32
          %parallel_loop3A_769 = arith.index_cast %parallel_loop3A_768 : i32 to index
          %parallel_loop3A_770 = tpu.vector_load %arg7[%parallel_loop3A_769] {strides = array<i32>} : memref<16384xf32, #tpu.memory_space<vmem>>, vector<16xf32>,
          %parallel_loop3A_771 = arith.addf %parallel_loop3A_733, %parallel_loop3A_770 : vector<16xf32>
          %parallel_loop3A_772 = arith.constant 128 : i32
          %parallel_loop3A_773 = arith.muli %parallel_loop3A_728, %parallel_loop3A_772 : i32
          %parallel_loop3A_774 = arith.constant 80 : i32
          %parallel_loop3A_775 = arith.addi %parallel_loop3A_773, %parallel_loop3A_774 : i32
          %parallel_loop3A_776 = arith.index_cast %parallel_loop3A_775 : i32 to index
          %parallel_loop3A_777 = tpu.vector_load %arg7[%parallel_loop3A_776] {strides = array<i32>} : memref<16384xf32, #tpu.memory_space<vmem>>, vector<16xf32>,
          %parallel_loop3A_778 = arith.addf %parallel_loop3A_734, %parallel_loop3A_777 : vector<16xf32>
          %parallel_loop3A_779 = arith.constant 128 : i32
          %parallel_loop3A_780 = arith.muli %parallel_loop3A_728, %parallel_loop3A_779 : i32
          %parallel_loop3A_781 = arith.constant 96 : i32
          %parallel_loop3A_782 = arith.addi %parallel_loop3A_780, %parallel_loop3A_781 : i32
          %parallel_loop3A_783 = arith.index_cast %parallel_loop3A_782 : i32 to index
          %parallel_loop3A_784 = tpu.vector_load %arg7[%parallel_loop3A_783] {strides = array<i32>} : memref<16384xf32, #tpu.memory_space<vmem>>, vector<16xf32>,
          %parallel_loop3A_785 = arith.addf %parallel_loop3A_735, %parallel_loop3A_784 : vector<16xf32>
          %parallel_loop3A_786 = arith.constant 128 : i32
          %parallel_loop3A_787 = arith.muli %parallel_loop3A_728, %parallel_loop3A_786 : i32
          %parallel_loop3A_788 = arith.constant 112 : i32
          %parallel_loop3A_789 = arith.addi %parallel_loop3A_787, %parallel_loop3A_788 : i32
          %parallel_loop3A_790 = arith.index_cast %parallel_loop3A_789 : i32 to index
          %parallel_loop3A_791 = tpu.vector_load %arg7[%parallel_loop3A_790] {strides = array<i32>} : memref<16384xf32, #tpu.memory_space<vmem>>, vector<16xf32>,
          %parallel_loop3A_792 = arith.addf %parallel_loop3A_736, %parallel_loop3A_791 : vector<16xf32>
          scf.yield %parallel_loop3A_743, %parallel_loop3A_750, %parallel_loop3A_757, %parallel_loop3A_764, %parallel_loop3A_771, %parallel_loop3A_778, %parallel_loop3A_785, %parallel_loop3A_792 : vector<16xf32>, vector<16xf32>, vector<16xf32>, vector<16xf32>, vector<16xf32>, vector<16xf32>, vector<16xf32>, vector<16xf32>
        } {sc.loop_unroll_factor = 2 : i64, sc.parallel_access}
        %mul3A_656 = arith.constant 128 : i32
        %mul3A_657 = arith.muli %scan3A_638, %mul3A_656 : i32
        %add3A_658 = arith.constant 0 : i32
        %add3A_659 = arith.addi %mul3A_657, %add3A_658 : i32
        %get3A_660 = arith.index_cast %add3A_659 : i32 to index
        %get3A_661 = tpu.vector_load %arg9[%get3A_660] {strides = array<i32>} : memref<2048xf32, #tpu.memory_space<vmem>>, vector<16xf32>,
        %add3A_662 = arith.addf %get3A_661, %parallel_loop3A_655#0 : vector<16xf32>
        %swap3A_663 = arith.index_cast %add3A_659 : i32 to index
        %swap3A_664 = tpu.vector_load %arg9[%swap3A_663] {strides = array<i32>} : memref<2048xf32, #tpu.memory_space<vmem>>, vector<16xf32>,
        tpu.vector_store %arg9[%swap3A_663], %add3A_662 {strides = array<i32>} : memref<2048xf32, #tpu.memory_space<vmem>>, vector<16xf32>,
        %mul3A_665 = arith.constant 128 : i32
        %mul3A_666 = arith.muli %scan3A_638, %mul3A_665 : i32
        %add3A_667 = arith.constant 16 : i32
        %add3A_668 = arith.addi %mul3A_666, %add3A_667 : i32
        %get3A_669 = arith.index_cast %add3A_668 : i32 to index
        %get3A_670 = tpu.vector_load %arg9[%get3A_669] {strides = array<i32>} : memref<2048xf32, #tpu.memory_space<vmem>>, vector<16xf32>,
        %add3A_671 = arith.addf %get3A_670, %parallel_loop3A_655#1 : vector<16xf32>
        %swap3A_672 = arith.index_cast %add3A_668 : i32 to index
        %swap3A_673 = tpu.vector_load %arg9[%swap3A_672] {strides = array<i32>} : memref<2048xf32, #tpu.memory_space<vmem>>, vector<16xf32>,
        tpu.vector_store %arg9[%swap3A_672], %add3A_671 {strides = array<i32>} : memref<2048xf32, #tpu.memory_space<vmem>>, vector<16xf32>,
        %mul3A_674 = arith.constant 128 : i32
        %mul3A_675 = arith.muli %scan3A_638, %mul3A_674 : i32
        %add3A_676 = arith.constant 32 : i32
        %add3A_677 = arith.addi %mul3A_675, %add3A_676 : i32
        %get3A_678 = arith.index_cast %add3A_677 : i32 to index
        %get3A_679 = tpu.vector_load %arg9[%get3A_678] {strides = array<i32>} : memref<2048xf32, #tpu.memory_space<vmem>>, vector<16xf32>,
        %add3A_680 = arith.addf %get3A_679, %parallel_loop3A_655#2 : vector<16xf32>
        %swap3A_681 = arith.index_cast %add3A_677 : i32 to index
        %swap3A_682 = tpu.vector_load %arg9[%swap3A_681] {strides = array<i32>} : memref<2048xf32, #tpu.memory_space<vmem>>, vector<16xf32>,
        tpu.vector_store %arg9[%swap3A_681], %add3A_680 {strides = array<i32>} : memref<2048xf32, #tpu.memory_space<vmem>>, vector<16xf32>,
        %mul3A_683 = arith.constant 128 : i32
        %mul3A_684 = arith.muli %scan3A_638, %mul3A_683 : i32
        %add3A_685 = arith.constant 48 : i32
        %add3A_686 = arith.addi %mul3A_684, %add3A_685 : i32
        %get3A_687 = arith.index_cast %add3A_686 : i32 to index
        %get3A_688 = tpu.vector_load %arg9[%get3A_687] {strides = array<i32>} : memref<2048xf32, #tpu.memory_space<vmem>>, vector<16xf32>,
        %add3A_689 = arith.addf %get3A_688, %parallel_loop3A_655#3 : vector<16xf32>
        %swap3A_690 = arith.index_cast %add3A_686 : i32 to index
        %swap3A_691 = tpu.vector_load %arg9[%swap3A_690] {strides = array<i32>} : memref<2048xf32, #tpu.memory_space<vmem>>, vector<16xf32>,
        tpu.vector_store %arg9[%swap3A_690], %add3A_689 {strides = array<i32>} : memref<2048xf32, #tpu.memory_space<vmem>>, vector<16xf32>,
        %mul3A_692 = arith.constant 128 : i32
        %mul3A_693 = arith.muli %scan3A_638, %mul3A_692 : i32
        %add3A_694 = arith.constant 64 : i32
        %add3A_695 = arith.addi %mul3A_693, %add3A_694 : i32
        %get3A_696 = arith.index_cast %add3A_695 : i32 to index
        %get3A_697 = tpu.vector_load %arg9[%get3A_696] {strides = array<i32>} : memref<2048xf32, #tpu.memory_space<vmem>>, vector<16xf32>,
        %add3A_698 = arith.addf %get3A_697, %parallel_loop3A_655#4 : vector<16xf32>
        %swap3A_699 = arith.index_cast %add3A_695 : i32 to index
        %swap3A_700 = tpu.vector_load %arg9[%swap3A_699] {strides = array<i32>} : memref<2048xf32, #tpu.memory_space<vmem>>, vector<16xf32>,
        tpu.vector_store %arg9[%swap3A_699], %add3A_698 {strides = array<i32>} : memref<2048xf32, #tpu.memory_space<vmem>>, vector<16xf32>,
        %mul3A_701 = arith.constant 128 : i32
        %mul3A_702 = arith.muli %scan3A_638, %mul3A_701 : i32
        %add3A_703 = arith.constant 80 : i32
        %add3A_704 = arith.addi %mul3A_702, %add3A_703 : i32
        %get3A_705 = arith.index_cast %add3A_704 : i32 to index
        %get3A_706 = tpu.vector_load %arg9[%get3A_705] {strides = array<i32>} : memref<2048xf32, #tpu.memory_space<vmem>>, vector<16xf32>,
        %add3A_707 = arith.addf %get3A_706, %parallel_loop3A_655#5 : vector<16xf32>
        %swap3A_708 = arith.index_cast %add3A_704 : i32 to index
        %swap3A_709 = tpu.vector_load %arg9[%swap3A_708] {strides = array<i32>} : memref<2048xf32, #tpu.memory_space<vmem>>, vector<16xf32>,
        tpu.vector_store %arg9[%swap3A_708], %add3A_707 {strides = array<i32>} : memref<2048xf32, #tpu.memory_space<vmem>>, vector<16xf32>,
        %mul3A_710 = arith.constant 128 : i32
        %mul3A_711 = arith.muli %scan3A_638, %mul3A_710 : i32
        %add3A_712 = arith.constant 96 : i32
        %add3A_713 = arith.addi %mul3A_711, %add3A_712 : i32
        %get3A_714 = arith.index_cast %add3A_713 : i32 to index
        %get3A_715 = tpu.vector_load %arg9[%get3A_714] {strides = array<i32>} : memref<2048xf32, #tpu.memory_space<vmem>>, vector<16xf32>,
        %add3A_716 = arith.addf %get3A_715, %parallel_loop3A_655#6 : vector<16xf32>
        %swap3A_717 = arith.index_cast %add3A_713 : i32 to index
        %swap3A_718 = tpu.vector_load %arg9[%swap3A_717] {strides = array<i32>} : memref<2048xf32, #tpu.memory_space<vmem>>, vector<16xf32>,
        tpu.vector_store %arg9[%swap3A_717], %add3A_716 {strides = array<i32>} : memref<2048xf32, #tpu.memory_space<vmem>>, vector<16xf32>,
        %mul3A_719 = arith.constant 128 : i32
        %mul3A_720 = arith.muli %scan3A_638, %mul3A_719 : i32
        %add3A_721 = arith.constant 112 : i32
        %add3A_722 = arith.addi %mul3A_720, %add3A_721 : i32
        %get3A_723 = arith.index_cast %add3A_722 : i32 to index
        %get3A_724 = tpu.vector_load %arg9[%get3A_723] {strides = array<i32>} : memref<2048xf32, #tpu.memory_space<vmem>>, vector<16xf32>,
        %add3A_725 = arith.addf %get3A_724, %parallel_loop3A_655#7 : vector<16xf32>
        %swap3A_726 = arith.index_cast %add3A_722 : i32 to index
        %swap3A_727 = tpu.vector_load %arg9[%swap3A_726] {strides = array<i32>} : memref<2048xf32, #tpu.memory_space<vmem>>, vector<16xf32>,
        tpu.vector_store %arg9[%swap3A_726], %add3A_725 {strides = array<i32>} : memref<2048xf32, #tpu.memory_space<vmem>>, vector<16xf32>,
      } else {
      }
    }
    %scan3A_609 = arith.constant 16 : i32
    %dma_wait3A_610 = arith.constant 0 : i32
    %dma_wait3A_611 = tpu.memref_slice %arg2[%dma_wait3A_610] : memref<4194304xf32, #tpu.memory_space<hbm>> -> memref<16384xf32, #tpu.memory_space<hbm>>
    %dma_wait3A_612 = arith.constant 0 : i32
    %dma_wait3A_613 = tpu.memref_slice %arg2[%dma_wait3A_612] : memref<4194304xf32, #tpu.memory_space<hbm>> -> memref<16384xf32, #tpu.memory_space<hbm>>
    tpu.wait_dma2 semaphore(%arg13 : memref<!tpu.dma_semaphore, #tpu.memory_space<semaphore_mem>>) src(%dma_wait3A_613 : memref<16384xf32, #tpu.memory_space<hbm>>) dst(%arg8 : memref<16384xf32, #tpu.memory_space<vmem>>)
    %add3A_614 = arith.constant 256 : i32
    %add3A_615 = arith.addi %mul3A_564, %add3A_614 : i32
    %scan3A_616 = arith.constant 0 : i32
    %scan3A_617 = arith.constant 0 : i32
    %scan3A_618 = arith.constant 16 : i32
    %scan3A_619 = arith.addi %scan3A_617, %scan3A_618 : i32
    %scan3A_620 = arith.constant 1 : i32
    scf.for %scan3A_638 = %scan3A_617 to %scan3A_619 step %scan3A_620  : i32 {
      %get3A_639 = arith.index_cast %scan3A_638 : i32 to index
      %get3A_640 = memref.load %arg10[%get3A_639] : memref<17xi32, #tpu.memory_space<smem>>
      %sub3A_641 = arith.subi %get3A_640, %add3A_615 : i32
      %jit3A_642 = arith.constant 0 : i32
      %jit3A_643 = arith.constant 128 : i32
      %max3A_644 = arith.maxsi %jit3A_642, %sub3A_641 : i32
      %min3A = arith.minsi %jit3A_643, %max3A_644 : i32
      %add3A_645 = arith.constant 1 : i32
      %add3A_646 = arith.addi %scan3A_638, %add3A_645 : i32
      %get3A_647 = arith.index_cast %add3A_646 : i32 to index
      %get3A_648 = memref.load %arg10[%get3A_647] : memref<17xi32, #tpu.memory_space<smem>>
      %sub3A_649 = arith.subi %get3A_648, %add3A_615 : i32
      %jit3A_650 = arith.constant 0 : i32
      %jit3A_651 = arith.constant 128 : i32
      %max3A_652 = arith.maxsi %jit3A_650, %sub3A_649 : i32
      %min3A_653 = arith.minsi %jit3A_651, %max3A_652 : i32
      %gt3A = arith.cmpi sgt, %min3A_653, %min3A : i32
      %convert_element_type3A = arith.extui %gt3A : i1 to i32
      %cond3A = arith.constant 0 : i32
      %cond3A_654 = arith.cmpi ne, %convert_element_type3A, %cond3A : i32
      scf.if %cond3A_654 {
        %parallel_loop3A = arith.constant 1 : i32
        %parallel_loop3A_655:8 = scf.for %parallel_loop3A_728 = %min3A to %min3A_653 step %parallel_loop3A iter_args(%parallel_loop3A_729 = %broadcast_in_dim3A_306, %parallel_loop3A_730 = %broadcast_in_dim3A_306, %parallel_loop3A_731 = %broadcast_in_dim3A_306, %parallel_loop3A_732 = %broadcast_in_dim3A_306, %parallel_loop3A_733 = %broadcast_in_dim3A_306, %parallel_loop3A_734 = %broadcast_in_dim3A_306, %parallel_loop3A_735 = %broadcast_in_dim3A_306, %parallel_loop3A_736 = %broadcast_in_dim3A_306) -> (vector<16xf32>, vector<16xf32>, vector<16xf32>, vector<16xf32>, vector<16xf32>, vector<16xf32>, vector<16xf32>, vector<16xf32>)  : i32 {
          %parallel_loop3A_737 = arith.constant 128 : i32
          %parallel_loop3A_738 = arith.muli %parallel_loop3A_728, %parallel_loop3A_737 : i32
          %parallel_loop3A_739 = arith.constant 0 : i32
          %parallel_loop3A_740 = arith.addi %parallel_loop3A_738, %parallel_loop3A_739 : i32
          %parallel_loop3A_741 = arith.index_cast %parallel_loop3A_740 : i32 to index
          %parallel_loop3A_742 = tpu.vector_load %arg8[%parallel_loop3A_741] {strides = array<i32>} : memref<16384xf32, #tpu.memory_space<vmem>>, vector<16xf32>,
          %parallel_loop3A_743 = arith.addf %parallel_loop3A_729, %parallel_loop3A_742 : vector<16xf32>
          %parallel_loop3A_744 = arith.constant 128 : i32
          %parallel_loop3A_745 = arith.muli %parallel_loop3A_728, %parallel_loop3A_744 : i32
          %parallel_loop3A_746 = arith.constant 16 : i32
          %parallel_loop3A_747 = arith.addi %parallel_loop3A_745, %parallel_loop3A_746 : i32
          %parallel_loop3A_748 = arith.index_cast %parallel_loop3A_747 : i32 to index
          %parallel_loop3A_749 = tpu.vector_load %arg8[%parallel_loop3A_748] {strides = array<i32>} : memref<16384xf32, #tpu.memory_space<vmem>>, vector<16xf32>,
          %parallel_loop3A_750 = arith.addf %parallel_loop3A_730, %parallel_loop3A_749 : vector<16xf32>
          %parallel_loop3A_751 = arith.constant 128 : i32
          %parallel_loop3A_752 = arith.muli %parallel_loop3A_728, %parallel_loop3A_751 : i32
          %parallel_loop3A_753 = arith.constant 32 : i32
          %parallel_loop3A_754 = arith.addi %parallel_loop3A_752, %parallel_loop3A_753 : i32
          %parallel_loop3A_755 = arith.index_cast %parallel_loop3A_754 : i32 to index
          %parallel_loop3A_756 = tpu.vector_load %arg8[%parallel_loop3A_755] {strides = array<i32>} : memref<16384xf32, #tpu.memory_space<vmem>>, vector<16xf32>,
          %parallel_loop3A_757 = arith.addf %parallel_loop3A_731, %parallel_loop3A_756 : vector<16xf32>
          %parallel_loop3A_758 = arith.constant 128 : i32
          %parallel_loop3A_759 = arith.muli %parallel_loop3A_728, %parallel_loop3A_758 : i32
          %parallel_loop3A_760 = arith.constant 48 : i32
          %parallel_loop3A_761 = arith.addi %parallel_loop3A_759, %parallel_loop3A_760 : i32
          %parallel_loop3A_762 = arith.index_cast %parallel_loop3A_761 : i32 to index
          %parallel_loop3A_763 = tpu.vector_load %arg8[%parallel_loop3A_762] {strides = array<i32>} : memref<16384xf32, #tpu.memory_space<vmem>>, vector<16xf32>,
          %parallel_loop3A_764 = arith.addf %parallel_loop3A_732, %parallel_loop3A_763 : vector<16xf32>
          %parallel_loop3A_765 = arith.constant 128 : i32
          %parallel_loop3A_766 = arith.muli %parallel_loop3A_728, %parallel_loop3A_765 : i32
          %parallel_loop3A_767 = arith.constant 64 : i32
          %parallel_loop3A_768 = arith.addi %parallel_loop3A_766, %parallel_loop3A_767 : i32
          %parallel_loop3A_769 = arith.index_cast %parallel_loop3A_768 : i32 to index
          %parallel_loop3A_770 = tpu.vector_load %arg8[%parallel_loop3A_769] {strides = array<i32>} : memref<16384xf32, #tpu.memory_space<vmem>>, vector<16xf32>,
          %parallel_loop3A_771 = arith.addf %parallel_loop3A_733, %parallel_loop3A_770 : vector<16xf32>
          %parallel_loop3A_772 = arith.constant 128 : i32
          %parallel_loop3A_773 = arith.muli %parallel_loop3A_728, %parallel_loop3A_772 : i32
          %parallel_loop3A_774 = arith.constant 80 : i32
          %parallel_loop3A_775 = arith.addi %parallel_loop3A_773, %parallel_loop3A_774 : i32
          %parallel_loop3A_776 = arith.index_cast %parallel_loop3A_775 : i32 to index
          %parallel_loop3A_777 = tpu.vector_load %arg8[%parallel_loop3A_776] {strides = array<i32>} : memref<16384xf32, #tpu.memory_space<vmem>>, vector<16xf32>,
          %parallel_loop3A_778 = arith.addf %parallel_loop3A_734, %parallel_loop3A_777 : vector<16xf32>
          %parallel_loop3A_779 = arith.constant 128 : i32
          %parallel_loop3A_780 = arith.muli %parallel_loop3A_728, %parallel_loop3A_779 : i32
          %parallel_loop3A_781 = arith.constant 96 : i32
          %parallel_loop3A_782 = arith.addi %parallel_loop3A_780, %parallel_loop3A_781 : i32
          %parallel_loop3A_783 = arith.index_cast %parallel_loop3A_782 : i32 to index
          %parallel_loop3A_784 = tpu.vector_load %arg8[%parallel_loop3A_783] {strides = array<i32>} : memref<16384xf32, #tpu.memory_space<vmem>>, vector<16xf32>,
          %parallel_loop3A_785 = arith.addf %parallel_loop3A_735, %parallel_loop3A_784 : vector<16xf32>
          %parallel_loop3A_786 = arith.constant 128 : i32
          %parallel_loop3A_787 = arith.muli %parallel_loop3A_728, %parallel_loop3A_786 : i32
          %parallel_loop3A_788 = arith.constant 112 : i32
          %parallel_loop3A_789 = arith.addi %parallel_loop3A_787, %parallel_loop3A_788 : i32
          %parallel_loop3A_790 = arith.index_cast %parallel_loop3A_789 : i32 to index
          %parallel_loop3A_791 = tpu.vector_load %arg8[%parallel_loop3A_790] {strides = array<i32>} : memref<16384xf32, #tpu.memory_space<vmem>>, vector<16xf32>,
          %parallel_loop3A_792 = arith.addf %parallel_loop3A_736, %parallel_loop3A_791 : vector<16xf32>
          scf.yield %parallel_loop3A_743, %parallel_loop3A_750, %parallel_loop3A_757, %parallel_loop3A_764, %parallel_loop3A_771, %parallel_loop3A_778, %parallel_loop3A_785, %parallel_loop3A_792 : vector<16xf32>, vector<16xf32>, vector<16xf32>, vector<16xf32>, vector<16xf32>, vector<16xf32>, vector<16xf32>, vector<16xf32>
        } {sc.loop_unroll_factor = 2 : i64, sc.parallel_access}
        %mul3A_656 = arith.constant 128 : i32
        %mul3A_657 = arith.muli %scan3A_638, %mul3A_656 : i32
        %add3A_658 = arith.constant 0 : i32
        %add3A_659 = arith.addi %mul3A_657, %add3A_658 : i32
        %get3A_660 = arith.index_cast %add3A_659 : i32 to index
        %get3A_661 = tpu.vector_load %arg9[%get3A_660] {strides = array<i32>} : memref<2048xf32, #tpu.memory_space<vmem>>, vector<16xf32>,
        %add3A_662 = arith.addf %get3A_661, %parallel_loop3A_655#0 : vector<16xf32>
        %swap3A_663 = arith.index_cast %add3A_659 : i32 to index
        %swap3A_664 = tpu.vector_load %arg9[%swap3A_663] {strides = array<i32>} : memref<2048xf32, #tpu.memory_space<vmem>>, vector<16xf32>,
        tpu.vector_store %arg9[%swap3A_663], %add3A_662 {strides = array<i32>} : memref<2048xf32, #tpu.memory_space<vmem>>, vector<16xf32>,
        %mul3A_665 = arith.constant 128 : i32
        %mul3A_666 = arith.muli %scan3A_638, %mul3A_665 : i32
        %add3A_667 = arith.constant 16 : i32
        %add3A_668 = arith.addi %mul3A_666, %add3A_667 : i32
        %get3A_669 = arith.index_cast %add3A_668 : i32 to index
        %get3A_670 = tpu.vector_load %arg9[%get3A_669] {strides = array<i32>} : memref<2048xf32, #tpu.memory_space<vmem>>, vector<16xf32>,
        %add3A_671 = arith.addf %get3A_670, %parallel_loop3A_655#1 : vector<16xf32>
        %swap3A_672 = arith.index_cast %add3A_668 : i32 to index
        %swap3A_673 = tpu.vector_load %arg9[%swap3A_672] {strides = array<i32>} : memref<2048xf32, #tpu.memory_space<vmem>>, vector<16xf32>,
        tpu.vector_store %arg9[%swap3A_672], %add3A_671 {strides = array<i32>} : memref<2048xf32, #tpu.memory_space<vmem>>, vector<16xf32>,
        %mul3A_674 = arith.constant 128 : i32
        %mul3A_675 = arith.muli %scan3A_638, %mul3A_674 : i32
        %add3A_676 = arith.constant 32 : i32
        %add3A_677 = arith.addi %mul3A_675, %add3A_676 : i32
        %get3A_678 = arith.index_cast %add3A_677 : i32 to index
        %get3A_679 = tpu.vector_load %arg9[%get3A_678] {strides = array<i32>} : memref<2048xf32, #tpu.memory_space<vmem>>, vector<16xf32>,
        %add3A_680 = arith.addf %get3A_679, %parallel_loop3A_655#2 : vector<16xf32>
        %swap3A_681 = arith.index_cast %add3A_677 : i32 to index
        %swap3A_682 = tpu.vector_load %arg9[%swap3A_681] {strides = array<i32>} : memref<2048xf32, #tpu.memory_space<vmem>>, vector<16xf32>,
        tpu.vector_store %arg9[%swap3A_681], %add3A_680 {strides = array<i32>} : memref<2048xf32, #tpu.memory_space<vmem>>, vector<16xf32>,
        %mul3A_683 = arith.constant 128 : i32
        %mul3A_684 = arith.muli %scan3A_638, %mul3A_683 : i32
        %add3A_685 = arith.constant 48 : i32
        %add3A_686 = arith.addi %mul3A_684, %add3A_685 : i32
        %get3A_687 = arith.index_cast %add3A_686 : i32 to index
        %get3A_688 = tpu.vector_load %arg9[%get3A_687] {strides = array<i32>} : memref<2048xf32, #tpu.memory_space<vmem>>, vector<16xf32>,
        %add3A_689 = arith.addf %get3A_688, %parallel_loop3A_655#3 : vector<16xf32>
        %swap3A_690 = arith.index_cast %add3A_686 : i32 to index
        %swap3A_691 = tpu.vector_load %arg9[%swap3A_690] {strides = array<i32>} : memref<2048xf32, #tpu.memory_space<vmem>>, vector<16xf32>,
        tpu.vector_store %arg9[%swap3A_690], %add3A_689 {strides = array<i32>} : memref<2048xf32, #tpu.memory_space<vmem>>, vector<16xf32>,
        %mul3A_692 = arith.constant 128 : i32
        %mul3A_693 = arith.muli %scan3A_638, %mul3A_692 : i32
        %add3A_694 = arith.constant 64 : i32
        %add3A_695 = arith.addi %mul3A_693, %add3A_694 : i32
        %get3A_696 = arith.index_cast %add3A_695 : i32 to index
        %get3A_697 = tpu.vector_load %arg9[%get3A_696] {strides = array<i32>} : memref<2048xf32, #tpu.memory_space<vmem>>, vector<16xf32>,
        %add3A_698 = arith.addf %get3A_697, %parallel_loop3A_655#4 : vector<16xf32>
        %swap3A_699 = arith.index_cast %add3A_695 : i32 to index
        %swap3A_700 = tpu.vector_load %arg9[%swap3A_699] {strides = array<i32>} : memref<2048xf32, #tpu.memory_space<vmem>>, vector<16xf32>,
        tpu.vector_store %arg9[%swap3A_699], %add3A_698 {strides = array<i32>} : memref<2048xf32, #tpu.memory_space<vmem>>, vector<16xf32>,
        %mul3A_701 = arith.constant 128 : i32
        %mul3A_702 = arith.muli %scan3A_638, %mul3A_701 : i32
        %add3A_703 = arith.constant 80 : i32
        %add3A_704 = arith.addi %mul3A_702, %add3A_703 : i32
        %get3A_705 = arith.index_cast %add3A_704 : i32 to index
        %get3A_706 = tpu.vector_load %arg9[%get3A_705] {strides = array<i32>} : memref<2048xf32, #tpu.memory_space<vmem>>, vector<16xf32>,
        %add3A_707 = arith.addf %get3A_706, %parallel_loop3A_655#5 : vector<16xf32>
        %swap3A_708 = arith.index_cast %add3A_704 : i32 to index
        %swap3A_709 = tpu.vector_load %arg9[%swap3A_708] {strides = array<i32>} : memref<2048xf32, #tpu.memory_space<vmem>>, vector<16xf32>,
        tpu.vector_store %arg9[%swap3A_708], %add3A_707 {strides = array<i32>} : memref<2048xf32, #tpu.memory_space<vmem>>, vector<16xf32>,
        %mul3A_710 = arith.constant 128 : i32
        %mul3A_711 = arith.muli %scan3A_638, %mul3A_710 : i32
        %add3A_712 = arith.constant 96 : i32
        %add3A_713 = arith.addi %mul3A_711, %add3A_712 : i32
        %get3A_714 = arith.index_cast %add3A_713 : i32 to index
        %get3A_715 = tpu.vector_load %arg9[%get3A_714] {strides = array<i32>} : memref<2048xf32, #tpu.memory_space<vmem>>, vector<16xf32>,
        %add3A_716 = arith.addf %get3A_715, %parallel_loop3A_655#6 : vector<16xf32>
        %swap3A_717 = arith.index_cast %add3A_713 : i32 to index
        %swap3A_718 = tpu.vector_load %arg9[%swap3A_717] {strides = array<i32>} : memref<2048xf32, #tpu.memory_space<vmem>>, vector<16xf32>,
        tpu.vector_store %arg9[%swap3A_717], %add3A_716 {strides = array<i32>} : memref<2048xf32, #tpu.memory_space<vmem>>, vector<16xf32>,
        %mul3A_719 = arith.constant 128 : i32
        %mul3A_720 = arith.muli %scan3A_638, %mul3A_719 : i32
        %add3A_721 = arith.constant 112 : i32
        %add3A_722 = arith.addi %mul3A_720, %add3A_721 : i32
        %get3A_723 = arith.index_cast %add3A_722 : i32 to index
        %get3A_724 = tpu.vector_load %arg9[%get3A_723] {strides = array<i32>} : memref<2048xf32, #tpu.memory_space<vmem>>, vector<16xf32>,
        %add3A_725 = arith.addf %get3A_724, %parallel_loop3A_655#7 : vector<16xf32>
        %swap3A_726 = arith.index_cast %add3A_722 : i32 to index
        %swap3A_727 = tpu.vector_load %arg9[%swap3A_726] {strides = array<i32>} : memref<2048xf32, #tpu.memory_space<vmem>>, vector<16xf32>,
        tpu.vector_store %arg9[%swap3A_726], %add3A_725 {strides = array<i32>} : memref<2048xf32, #tpu.memory_space<vmem>>, vector<16xf32>,
      } else {
      }
    }
    %scan3A_621 = arith.constant 16 : i32
    %dma_wait3A_622 = arith.constant 0 : i32
    %dma_wait3A_623 = tpu.memref_slice %arg2[%dma_wait3A_622] : memref<4194304xf32, #tpu.memory_space<hbm>> -> memref<16384xf32, #tpu.memory_space<hbm>>
    %dma_wait3A_624 = arith.constant 0 : i32
    %dma_wait3A_625 = tpu.memref_slice %arg2[%dma_wait3A_624] : memref<4194304xf32, #tpu.memory_space<hbm>> -> memref<16384xf32, #tpu.memory_space<hbm>>
    tpu.wait_dma2 semaphore(%arg11 : memref<!tpu.dma_semaphore, #tpu.memory_space<semaphore_mem>>) src(%dma_wait3A_625 : memref<16384xf32, #tpu.memory_space<hbm>>) dst(%arg6 : memref<16384xf32, #tpu.memory_space<vmem>>)
    %add3A_626 = arith.constant 384 : i32
    %add3A_627 = arith.addi %mul3A_564, %add3A_626 : i32
    %scan3A_628 = arith.constant 0 : i32
    %scan3A_629 = arith.constant 0 : i32
    %scan3A_630 = arith.constant 16 : i32
    %scan3A_631 = arith.addi %scan3A_629, %scan3A_630 : i32
    %scan3A_632 = arith.constant 1 : i32
    scf.for %scan3A_638 = %scan3A_629 to %scan3A_631 step %scan3A_632  : i32 {
      %get3A_639 = arith.index_cast %scan3A_638 : i32 to index
      %get3A_640 = memref.load %arg10[%get3A_639] : memref<17xi32, #tpu.memory_space<smem>>
      %sub3A_641 = arith.subi %get3A_640, %add3A_627 : i32
      %jit3A_642 = arith.constant 0 : i32
      %jit3A_643 = arith.constant 128 : i32
      %max3A_644 = arith.maxsi %jit3A_642, %sub3A_641 : i32
      %min3A = arith.minsi %jit3A_643, %max3A_644 : i32
      %add3A_645 = arith.constant 1 : i32
      %add3A_646 = arith.addi %scan3A_638, %add3A_645 : i32
      %get3A_647 = arith.index_cast %add3A_646 : i32 to index
      %get3A_648 = memref.load %arg10[%get3A_647] : memref<17xi32, #tpu.memory_space<smem>>
      %sub3A_649 = arith.subi %get3A_648, %add3A_627 : i32
      %jit3A_650 = arith.constant 0 : i32
      %jit3A_651 = arith.constant 128 : i32
      %max3A_652 = arith.maxsi %jit3A_650, %sub3A_649 : i32
      %min3A_653 = arith.minsi %jit3A_651, %max3A_652 : i32
      %gt3A = arith.cmpi sgt, %min3A_653, %min3A : i32
      %convert_element_type3A = arith.extui %gt3A : i1 to i32
      %cond3A = arith.constant 0 : i32
      %cond3A_654 = arith.cmpi ne, %convert_element_type3A, %cond3A : i32
      scf.if %cond3A_654 {
        %parallel_loop3A = arith.constant 1 : i32
        %parallel_loop3A_655:8 = scf.for %parallel_loop3A_728 = %min3A to %min3A_653 step %parallel_loop3A iter_args(%parallel_loop3A_729 = %broadcast_in_dim3A_306, %parallel_loop3A_730 = %broadcast_in_dim3A_306, %parallel_loop3A_731 = %broadcast_in_dim3A_306, %parallel_loop3A_732 = %broadcast_in_dim3A_306, %parallel_loop3A_733 = %broadcast_in_dim3A_306, %parallel_loop3A_734 = %broadcast_in_dim3A_306, %parallel_loop3A_735 = %broadcast_in_dim3A_306, %parallel_loop3A_736 = %broadcast_in_dim3A_306) -> (vector<16xf32>, vector<16xf32>, vector<16xf32>, vector<16xf32>, vector<16xf32>, vector<16xf32>, vector<16xf32>, vector<16xf32>)  : i32 {
          %parallel_loop3A_737 = arith.constant 128 : i32
          %parallel_loop3A_738 = arith.muli %parallel_loop3A_728, %parallel_loop3A_737 : i32
          %parallel_loop3A_739 = arith.constant 0 : i32
          %parallel_loop3A_740 = arith.addi %parallel_loop3A_738, %parallel_loop3A_739 : i32
          %parallel_loop3A_741 = arith.index_cast %parallel_loop3A_740 : i32 to index
          %parallel_loop3A_742 = tpu.vector_load %arg6[%parallel_loop3A_741] {strides = array<i32>} : memref<16384xf32, #tpu.memory_space<vmem>>, vector<16xf32>,
          %parallel_loop3A_743 = arith.addf %parallel_loop3A_729, %parallel_loop3A_742 : vector<16xf32>
          %parallel_loop3A_744 = arith.constant 128 : i32
          %parallel_loop3A_745 = arith.muli %parallel_loop3A_728, %parallel_loop3A_744 : i32
          %parallel_loop3A_746 = arith.constant 16 : i32
          %parallel_loop3A_747 = arith.addi %parallel_loop3A_745, %parallel_loop3A_746 : i32
          %parallel_loop3A_748 = arith.index_cast %parallel_loop3A_747 : i32 to index
          %parallel_loop3A_749 = tpu.vector_load %arg6[%parallel_loop3A_748] {strides = array<i32>} : memref<16384xf32, #tpu.memory_space<vmem>>, vector<16xf32>,
          %parallel_loop3A_750 = arith.addf %parallel_loop3A_730, %parallel_loop3A_749 : vector<16xf32>
          %parallel_loop3A_751 = arith.constant 128 : i32
          %parallel_loop3A_752 = arith.muli %parallel_loop3A_728, %parallel_loop3A_751 : i32
          %parallel_loop3A_753 = arith.constant 32 : i32
          %parallel_loop3A_754 = arith.addi %parallel_loop3A_752, %parallel_loop3A_753 : i32
          %parallel_loop3A_755 = arith.index_cast %parallel_loop3A_754 : i32 to index
          %parallel_loop3A_756 = tpu.vector_load %arg6[%parallel_loop3A_755] {strides = array<i32>} : memref<16384xf32, #tpu.memory_space<vmem>>, vector<16xf32>,
          %parallel_loop3A_757 = arith.addf %parallel_loop3A_731, %parallel_loop3A_756 : vector<16xf32>
          %parallel_loop3A_758 = arith.constant 128 : i32
          %parallel_loop3A_759 = arith.muli %parallel_loop3A_728, %parallel_loop3A_758 : i32
          %parallel_loop3A_760 = arith.constant 48 : i32
          %parallel_loop3A_761 = arith.addi %parallel_loop3A_759, %parallel_loop3A_760 : i32
          %parallel_loop3A_762 = arith.index_cast %parallel_loop3A_761 : i32 to index
          %parallel_loop3A_763 = tpu.vector_load %arg6[%parallel_loop3A_762] {strides = array<i32>} : memref<16384xf32, #tpu.memory_space<vmem>>, vector<16xf32>,
          %parallel_loop3A_764 = arith.addf %parallel_loop3A_732, %parallel_loop3A_763 : vector<16xf32>
          %parallel_loop3A_765 = arith.constant 128 : i32
          %parallel_loop3A_766 = arith.muli %parallel_loop3A_728, %parallel_loop3A_765 : i32
          %parallel_loop3A_767 = arith.constant 64 : i32
          %parallel_loop3A_768 = arith.addi %parallel_loop3A_766, %parallel_loop3A_767 : i32
          %parallel_loop3A_769 = arith.index_cast %parallel_loop3A_768 : i32 to index
          %parallel_loop3A_770 = tpu.vector_load %arg6[%parallel_loop3A_769] {strides = array<i32>} : memref<16384xf32, #tpu.memory_space<vmem>>, vector<16xf32>,
          %parallel_loop3A_771 = arith.addf %parallel_loop3A_733, %parallel_loop3A_770 : vector<16xf32>
          %parallel_loop3A_772 = arith.constant 128 : i32
          %parallel_loop3A_773 = arith.muli %parallel_loop3A_728, %parallel_loop3A_772 : i32
          %parallel_loop3A_774 = arith.constant 80 : i32
          %parallel_loop3A_775 = arith.addi %parallel_loop3A_773, %parallel_loop3A_774 : i32
          %parallel_loop3A_776 = arith.index_cast %parallel_loop3A_775 : i32 to index
          %parallel_loop3A_777 = tpu.vector_load %arg6[%parallel_loop3A_776] {strides = array<i32>} : memref<16384xf32, #tpu.memory_space<vmem>>, vector<16xf32>,
          %parallel_loop3A_778 = arith.addf %parallel_loop3A_734, %parallel_loop3A_777 : vector<16xf32>
          %parallel_loop3A_779 = arith.constant 128 : i32
          %parallel_loop3A_780 = arith.muli %parallel_loop3A_728, %parallel_loop3A_779 : i32
          %parallel_loop3A_781 = arith.constant 96 : i32
          %parallel_loop3A_782 = arith.addi %parallel_loop3A_780, %parallel_loop3A_781 : i32
          %parallel_loop3A_783 = arith.index_cast %parallel_loop3A_782 : i32 to index
          %parallel_loop3A_784 = tpu.vector_load %arg6[%parallel_loop3A_783] {strides = array<i32>} : memref<16384xf32, #tpu.memory_space<vmem>>, vector<16xf32>,
          %parallel_loop3A_785 = arith.addf %parallel_loop3A_735, %parallel_loop3A_784 : vector<16xf32>
          %parallel_loop3A_786 = arith.constant 128 : i32
          %parallel_loop3A_787 = arith.muli %parallel_loop3A_728, %parallel_loop3A_786 : i32
          %parallel_loop3A_788 = arith.constant 112 : i32
          %parallel_loop3A_789 = arith.addi %parallel_loop3A_787, %parallel_loop3A_788 : i32
          %parallel_loop3A_790 = arith.index_cast %parallel_loop3A_789 : i32 to index
          %parallel_loop3A_791 = tpu.vector_load %arg6[%parallel_loop3A_790] {strides = array<i32>} : memref<16384xf32, #tpu.memory_space<vmem>>, vector<16xf32>,
          %parallel_loop3A_792 = arith.addf %parallel_loop3A_736, %parallel_loop3A_791 : vector<16xf32>
          scf.yield %parallel_loop3A_743, %parallel_loop3A_750, %parallel_loop3A_757, %parallel_loop3A_764, %parallel_loop3A_771, %parallel_loop3A_778, %parallel_loop3A_785, %parallel_loop3A_792 : vector<16xf32>, vector<16xf32>, vector<16xf32>, vector<16xf32>, vector<16xf32>, vector<16xf32>, vector<16xf32>, vector<16xf32>
        } {sc.loop_unroll_factor = 2 : i64, sc.parallel_access}
        %mul3A_656 = arith.constant 128 : i32
        %mul3A_657 = arith.muli %scan3A_638, %mul3A_656 : i32
        %add3A_658 = arith.constant 0 : i32
        %add3A_659 = arith.addi %mul3A_657, %add3A_658 : i32
        %get3A_660 = arith.index_cast %add3A_659 : i32 to index
        %get3A_661 = tpu.vector_load %arg9[%get3A_660] {strides = array<i32>} : memref<2048xf32, #tpu.memory_space<vmem>>, vector<16xf32>,
        %add3A_662 = arith.addf %get3A_661, %parallel_loop3A_655#0 : vector<16xf32>
        %swap3A_663 = arith.index_cast %add3A_659 : i32 to index
        %swap3A_664 = tpu.vector_load %arg9[%swap3A_663] {strides = array<i32>} : memref<2048xf32, #tpu.memory_space<vmem>>, vector<16xf32>,
        tpu.vector_store %arg9[%swap3A_663], %add3A_662 {strides = array<i32>} : memref<2048xf32, #tpu.memory_space<vmem>>, vector<16xf32>,
        %mul3A_665 = arith.constant 128 : i32
        %mul3A_666 = arith.muli %scan3A_638, %mul3A_665 : i32
        %add3A_667 = arith.constant 16 : i32
        %add3A_668 = arith.addi %mul3A_666, %add3A_667 : i32
        %get3A_669 = arith.index_cast %add3A_668 : i32 to index
        %get3A_670 = tpu.vector_load %arg9[%get3A_669] {strides = array<i32>} : memref<2048xf32, #tpu.memory_space<vmem>>, vector<16xf32>,
        %add3A_671 = arith.addf %get3A_670, %parallel_loop3A_655#1 : vector<16xf32>
        %swap3A_672 = arith.index_cast %add3A_668 : i32 to index
        %swap3A_673 = tpu.vector_load %arg9[%swap3A_672] {strides = array<i32>} : memref<2048xf32, #tpu.memory_space<vmem>>, vector<16xf32>,
        tpu.vector_store %arg9[%swap3A_672], %add3A_671 {strides = array<i32>} : memref<2048xf32, #tpu.memory_space<vmem>>, vector<16xf32>,
        %mul3A_674 = arith.constant 128 : i32
        %mul3A_675 = arith.muli %scan3A_638, %mul3A_674 : i32
        %add3A_676 = arith.constant 32 : i32
        %add3A_677 = arith.addi %mul3A_675, %add3A_676 : i32
        %get3A_678 = arith.index_cast %add3A_677 : i32 to index
        %get3A_679 = tpu.vector_load %arg9[%get3A_678] {strides = array<i32>} : memref<2048xf32, #tpu.memory_space<vmem>>, vector<16xf32>,
        %add3A_680 = arith.addf %get3A_679, %parallel_loop3A_655#2 : vector<16xf32>
        %swap3A_681 = arith.index_cast %add3A_677 : i32 to index
        %swap3A_682 = tpu.vector_load %arg9[%swap3A_681] {strides = array<i32>} : memref<2048xf32, #tpu.memory_space<vmem>>, vector<16xf32>,
        tpu.vector_store %arg9[%swap3A_681], %add3A_680 {strides = array<i32>} : memref<2048xf32, #tpu.memory_space<vmem>>, vector<16xf32>,
        %mul3A_683 = arith.constant 128 : i32
        %mul3A_684 = arith.muli %scan3A_638, %mul3A_683 : i32
        %add3A_685 = arith.constant 48 : i32
        %add3A_686 = arith.addi %mul3A_684, %add3A_685 : i32
        %get3A_687 = arith.index_cast %add3A_686 : i32 to index
        %get3A_688 = tpu.vector_load %arg9[%get3A_687] {strides = array<i32>} : memref<2048xf32, #tpu.memory_space<vmem>>, vector<16xf32>,
        %add3A_689 = arith.addf %get3A_688, %parallel_loop3A_655#3 : vector<16xf32>
        %swap3A_690 = arith.index_cast %add3A_686 : i32 to index
        %swap3A_691 = tpu.vector_load %arg9[%swap3A_690] {strides = array<i32>} : memref<2048xf32, #tpu.memory_space<vmem>>, vector<16xf32>,
        tpu.vector_store %arg9[%swap3A_690], %add3A_689 {strides = array<i32>} : memref<2048xf32, #tpu.memory_space<vmem>>, vector<16xf32>,
        %mul3A_692 = arith.constant 128 : i32
        %mul3A_693 = arith.muli %scan3A_638, %mul3A_692 : i32
        %add3A_694 = arith.constant 64 : i32
        %add3A_695 = arith.addi %mul3A_693, %add3A_694 : i32
        %get3A_696 = arith.index_cast %add3A_695 : i32 to index
        %get3A_697 = tpu.vector_load %arg9[%get3A_696] {strides = array<i32>} : memref<2048xf32, #tpu.memory_space<vmem>>, vector<16xf32>,
        %add3A_698 = arith.addf %get3A_697, %parallel_loop3A_655#4 : vector<16xf32>
        %swap3A_699 = arith.index_cast %add3A_695 : i32 to index
        %swap3A_700 = tpu.vector_load %arg9[%swap3A_699] {strides = array<i32>} : memref<2048xf32, #tpu.memory_space<vmem>>, vector<16xf32>,
        tpu.vector_store %arg9[%swap3A_699], %add3A_698 {strides = array<i32>} : memref<2048xf32, #tpu.memory_space<vmem>>, vector<16xf32>,
        %mul3A_701 = arith.constant 128 : i32
        %mul3A_702 = arith.muli %scan3A_638, %mul3A_701 : i32
        %add3A_703 = arith.constant 80 : i32
        %add3A_704 = arith.addi %mul3A_702, %add3A_703 : i32
        %get3A_705 = arith.index_cast %add3A_704 : i32 to index
        %get3A_706 = tpu.vector_load %arg9[%get3A_705] {strides = array<i32>} : memref<2048xf32, #tpu.memory_space<vmem>>, vector<16xf32>,
        %add3A_707 = arith.addf %get3A_706, %parallel_loop3A_655#5 : vector<16xf32>
        %swap3A_708 = arith.index_cast %add3A_704 : i32 to index
        %swap3A_709 = tpu.vector_load %arg9[%swap3A_708] {strides = array<i32>} : memref<2048xf32, #tpu.memory_space<vmem>>, vector<16xf32>,
        tpu.vector_store %arg9[%swap3A_708], %add3A_707 {strides = array<i32>} : memref<2048xf32, #tpu.memory_space<vmem>>, vector<16xf32>,
        %mul3A_710 = arith.constant 128 : i32
        %mul3A_711 = arith.muli %scan3A_638, %mul3A_710 : i32
        %add3A_712 = arith.constant 96 : i32
        %add3A_713 = arith.addi %mul3A_711, %add3A_712 : i32
        %get3A_714 = arith.index_cast %add3A_713 : i32 to index
        %get3A_715 = tpu.vector_load %arg9[%get3A_714] {strides = array<i32>} : memref<2048xf32, #tpu.memory_space<vmem>>, vector<16xf32>,
        %add3A_716 = arith.addf %get3A_715, %parallel_loop3A_655#6 : vector<16xf32>
        %swap3A_717 = arith.index_cast %add3A_713 : i32 to index
        %swap3A_718 = tpu.vector_load %arg9[%swap3A_717] {strides = array<i32>} : memref<2048xf32, #tpu.memory_space<vmem>>, vector<16xf32>,
        tpu.vector_store %arg9[%swap3A_717], %add3A_716 {strides = array<i32>} : memref<2048xf32, #tpu.memory_space<vmem>>, vector<16xf32>,
        %mul3A_719 = arith.constant 128 : i32
        %mul3A_720 = arith.muli %scan3A_638, %mul3A_719 : i32
        %add3A_721 = arith.constant 112 : i32
        %add3A_722 = arith.addi %mul3A_720, %add3A_721 : i32
        %get3A_723 = arith.index_cast %add3A_722 : i32 to index
        %get3A_724 = tpu.vector_load %arg9[%get3A_723] {strides = array<i32>} : memref<2048xf32, #tpu.memory_space<vmem>>, vector<16xf32>,
        %add3A_725 = arith.addf %get3A_724, %parallel_loop3A_655#7 : vector<16xf32>
        %swap3A_726 = arith.index_cast %add3A_722 : i32 to index
        %swap3A_727 = tpu.vector_load %arg9[%swap3A_726] {strides = array<i32>} : memref<2048xf32, #tpu.memory_space<vmem>>, vector<16xf32>,
        tpu.vector_store %arg9[%swap3A_726], %add3A_725 {strides = array<i32>} : memref<2048xf32, #tpu.memory_space<vmem>>, vector<16xf32>,
      } else {
      }
    }
    %scan3A_633 = arith.constant 16 : i32
    %mul3A_634 = arith.constant 16 : i32
    %mul3A_635 = arith.muli %add3A, %mul3A_634 : i32
    %mul3A_636 = arith.constant 128 : i32
    %mul3A_637 = arith.muli %mul3A_635, %mul3A_636 : i32
    "tpu.region"() ({
      %run_scoped3A = tpu.sem_alloc : memref<!tpu.dma_semaphore, #tpu.memory_space<semaphore_mem>>
      %dma_start3A_638 = tpu.memref_slice %arg4[%mul3A_637] : memref<65536xf32, #tpu.memory_space<hbm>> -> memref<2048xf32, #tpu.memory_space<hbm>>
      %dma_start3A_639 = tpu.memref_slice %arg4[%mul3A_637] : memref<65536xf32, #tpu.memory_space<hbm>> -> memref<2048xf32, #tpu.memory_space<hbm>>
      tpu.enqueue_dma source(%arg9 : memref<2048xf32, #tpu.memory_space<vmem>>) target(%dma_start3A_639 : memref<2048xf32, #tpu.memory_space<hbm>>) target_semaphore(%run_scoped3A : memref<!tpu.dma_semaphore, #tpu.memory_space<semaphore_mem>>)
      %dma_wait3A_640 = tpu.memref_slice %arg4[%mul3A_637] : memref<65536xf32, #tpu.memory_space<hbm>> -> memref<2048xf32, #tpu.memory_space<hbm>>
      %dma_wait3A_641 = tpu.memref_slice %arg4[%mul3A_637] : memref<65536xf32, #tpu.memory_space<hbm>> -> memref<2048xf32, #tpu.memory_space<hbm>>
      tpu.wait_dma2 semaphore(%run_scoped3A : memref<!tpu.dma_semaphore, #tpu.memory_space<semaphore_mem>>) src(%arg9 : memref<2048xf32, #tpu.memory_space<vmem>>) dst(%dma_wait3A_641 : memref<2048xf32, #tpu.memory_space<hbm>>)
      tpu.yield
    }) : () -> ()
    return
  }
}

module attributes {stable_mosaic.version = 14 : i64} {
  func.func @body(%arg0: i32, %arg1: memref<2048x128xf32, #tpu.memory_space<vmem>>, %arg2: memref<16x1xi32, #tpu.memory_space<vmem>>, %arg3: memref<16x1xi32, #tpu.memory_space<vmem>>, %arg4: memref<16x128xf32, #tpu.memory_space<vmem>>) attributes {dimension_semantics = [#tpu.dimension_semantics<arbitrary>], iteration_bounds = array<i64: 8>, scalar_prefetch = 0 : i64, scratch_operands = 0 : i64, tpu.core_type = #tpu.core_type<tc>, window_params = [{transform_indices = @transform_0, window_bounds = array<i64: 2048, 128>}, {pipeline_mode = #tpu.pipeline_mode<synchronous>, transform_indices = @transform_1, window_bounds = array<i64: 16, 1>}, {pipeline_mode = #tpu.pipeline_mode<synchronous>, transform_indices = @transform_2, window_bounds = array<i64: 16, 1>}, {pipeline_mode = #tpu.pipeline_mode<synchronous>, transform_indices = @transform_3, window_bounds = array<i64: 16, 128>}]} {
    %mul3A = arith.constant 2048 : i32
    %mul3A_0 = arith.muli %arg0, %mul3A : i32
    %add3A = arith.constant 16384 : i32
    %add3A_1 = arith.addi %add3A, %mul3A_0 : i32
    %iota3A = tpu.iota {dimensions = array<i32: 1>} : vector<16x2048xi32>
    %add3A_2 = vector.broadcast %add3A_1 : i32 to vector<16x2048xi32>
    %add3A_3 = arith.addi %add3A_2, %iota3A : vector<16x2048xi32>
    %get3A = arith.constant 0 : index
    %get3A_4 = arith.constant 0 : index
    %get3A_5 = vector.load %arg2[%get3A, %get3A_4] : memref<16x1xi32, #tpu.memory_space<vmem>>, vector<16x1xi32>
    %ge3A = vector.broadcast %get3A_5 : vector<16x1xi32> to vector<16x2048xi32>
    %ge3A_6 = arith.cmpi sge, %add3A_3, %ge3A : vector<16x2048xi32>
    %get3A_7 = arith.constant 0 : index
    %get3A_8 = arith.constant 0 : index
    %get3A_9 = vector.load %arg3[%get3A_7, %get3A_8] : memref<16x1xi32, #tpu.memory_space<vmem>>, vector<16x1xi32>
    %lt3A = vector.broadcast %get3A_9 : vector<16x1xi32> to vector<16x2048xi32>
    %lt3A_10 = arith.cmpi slt, %add3A_3, %lt3A : vector<16x2048xi32>
    %and3A = arith.andi %ge3A_6, %lt3A_10 : vector<16x2048xi1>
    %convert_element_type3A = arith.extui %and3A : vector<16x2048xi1> to vector<16x2048xi32>
    %convert_element_type3A_11 = arith.sitofp %convert_element_type3A : vector<16x2048xi32> to vector<16x2048xf32>
    %get3A_12 = arith.constant 0 : index
    %get3A_13 = arith.constant 0 : index
    %get3A_14 = vector.load %arg1[%get3A_12, %get3A_13] : memref<2048x128xf32, #tpu.memory_space<vmem>>, vector<2048x128xf32>
    %dot_general3A = arith.constant dense<0.000000e+00> : vector<16x128xf32>
    %dot_general3A_15 = tpu.matmul %convert_element_type3A_11, %get3A_14, %dot_general3A {dimension_numbers = #tpu.dot_dimension_numbers<[1], [0], [0], [1], [0, 0, 1, 1], [], []>, precision = #tpu.contract_precision<fp32>, transpose_lhs_hint = false} : vector<16x2048xf32>, vector<2048x128xf32>, vector<16x128xf32> -> vector<16x128xf32>
    %eq3A = arith.constant 0 : i32
    %eq3A_16 = arith.cmpi eq, %arg0, %eq3A : i32
    %convert_element_type3A_17 = arith.extui %eq3A_16 : i1 to i32
    %cond3A = arith.constant 0 : i32
    %cond3A_18 = arith.cmpi ne, %convert_element_type3A_17, %cond3A : i32
    scf.if %cond3A_18 {
      %broadcast_in_dim3A = arith.constant 0.000000e+00 : f32
      %broadcast_in_dim3A_25 = vector.broadcast %broadcast_in_dim3A : f32 to vector<16x128xf32>
      %swap3A_26 = arith.constant 0 : index
      %swap3A_27 = arith.constant 0 : index
      %swap3A_28 = vector.load %arg4[%swap3A_26, %swap3A_27] : memref<16x128xf32, #tpu.memory_space<vmem>>, vector<16x128xf32>
      tpu.vector_store %arg4[%swap3A_26, %swap3A_27], %broadcast_in_dim3A_25 {strides = array<i32>} : memref<16x128xf32, #tpu.memory_space<vmem>>, vector<16x128xf32>,
    } else {
    }
    %get3A_19 = arith.constant 0 : index
    %get3A_20 = arith.constant 0 : index
    %get3A_21 = vector.load %arg4[%get3A_19, %get3A_20] : memref<16x128xf32, #tpu.memory_space<vmem>>, vector<16x128xf32>
    %add3A_22 = arith.addf %get3A_21, %dot_general3A_15 : vector<16x128xf32>
    %swap3A = arith.constant 0 : index
    %swap3A_23 = arith.constant 0 : index
    %swap3A_24 = vector.load %arg4[%swap3A, %swap3A_23] : memref<16x128xf32, #tpu.memory_space<vmem>>, vector<16x128xf32>
    tpu.vector_store %arg4[%swap3A, %swap3A_23], %add3A_22 {strides = array<i32>} : memref<16x128xf32, #tpu.memory_space<vmem>>, vector<16x128xf32>,
    return
  }
  func.func @transform_0(%arg0: i32) -> (i32, i32) {
    %add3A = arith.constant 8 : i32
    %add3A_0 = arith.addi %add3A, %arg0 : i32
    %c0_i32 = arith.constant 0 : i32
    %c0_i32_1 = arith.constant 0 : i32
    return %add3A_0, %c0_i32 : i32, i32
  }
  func.func @transform_1(%arg0: i32) -> (i32, i32) {
    %c0_i32 = arith.constant 0 : i32
    %c0_i32_0 = arith.constant 0 : i32
    %c0_i32_1 = arith.constant 0 : i32
    return %c0_i32, %c0_i32_0 : i32, i32
  }
  func.func @transform_2(%arg0: i32) -> (i32, i32) {
    %c0_i32 = arith.constant 0 : i32
    %c0_i32_0 = arith.constant 0 : i32
    %c0_i32_1 = arith.constant 0 : i32
    return %c0_i32, %c0_i32_0 : i32, i32
  }
  func.func @transform_3(%arg0: i32) -> (i32, i32) {
    %c0_i32 = arith.constant 0 : i32
    %c0_i32_0 = arith.constant 0 : i32
    %c0_i32_1 = arith.constant 0 : i32
    return %c0_i32, %c0_i32_0 : i32, i32
  }
}

module attributes {stable_mosaic.version = 14 : i64} {
  func.func @body(%arg0: memref<32x16x128xf32, #tpu.memory_space<vmem>>, %arg1: memref<16x128xf32, #tpu.memory_space<vmem>>, %arg2: memref<16x1xi32, #tpu.memory_space<vmem>>, %arg3: memref<16x128xf32, #tpu.memory_space<vmem>>) attributes {dimension_semantics = [], scalar_prefetch = 0 : i64, scratch_operands = 0 : i64, tpu.core_type = #tpu.core_type<tc>} {
    %get3A = arith.constant 0 : index
    %get3A_0 = arith.constant 0 : index
    %get3A_1 = vector.load %arg1[%get3A, %get3A_0] : memref<16x128xf32, #tpu.memory_space<vmem>>, vector<16x128xf32>
    %get3A_2 = arith.constant 0 : index
    %get3A_3 = arith.constant 0 : index
    %get3A_4 = arith.constant 0 : index
    %get3A_5 = vector.load %arg0[%get3A_2, %get3A_3, %get3A_4] : memref<32x16x128xf32, #tpu.memory_space<vmem>>, vector<1x16x128xf32>
    %get3A_6 = vector.shape_cast %get3A_5 : vector<1x16x128xf32> to vector<16x128xf32>
    %add3A = arith.addf %get3A_1, %get3A_6 : vector<16x128xf32>
    %get3A_7 = arith.constant 1 : index
    %get3A_8 = arith.constant 0 : index
    %get3A_9 = arith.constant 0 : index
    %get3A_10 = vector.load %arg0[%get3A_7, %get3A_8, %get3A_9] : memref<32x16x128xf32, #tpu.memory_space<vmem>>, vector<1x16x128xf32>
    %get3A_11 = vector.shape_cast %get3A_10 : vector<1x16x128xf32> to vector<16x128xf32>
    %add3A_12 = arith.addf %add3A, %get3A_11 : vector<16x128xf32>
    %get3A_13 = arith.constant 2 : index
    %get3A_14 = arith.constant 0 : index
    %get3A_15 = arith.constant 0 : index
    %get3A_16 = vector.load %arg0[%get3A_13, %get3A_14, %get3A_15] : memref<32x16x128xf32, #tpu.memory_space<vmem>>, vector<1x16x128xf32>
    %get3A_17 = vector.shape_cast %get3A_16 : vector<1x16x128xf32> to vector<16x128xf32>
    %add3A_18 = arith.addf %add3A_12, %get3A_17 : vector<16x128xf32>
    %get3A_19 = arith.constant 3 : index
    %get3A_20 = arith.constant 0 : index
    %get3A_21 = arith.constant 0 : index
    %get3A_22 = vector.load %arg0[%get3A_19, %get3A_20, %get3A_21] : memref<32x16x128xf32, #tpu.memory_space<vmem>>, vector<1x16x128xf32>
    %get3A_23 = vector.shape_cast %get3A_22 : vector<1x16x128xf32> to vector<16x128xf32>
    %add3A_24 = arith.addf %add3A_18, %get3A_23 : vector<16x128xf32>
    %get3A_25 = arith.constant 4 : index
    %get3A_26 = arith.constant 0 : index
    %get3A_27 = arith.constant 0 : index
    %get3A_28 = vector.load %arg0[%get3A_25, %get3A_26, %get3A_27] : memref<32x16x128xf32, #tpu.memory_space<vmem>>, vector<1x16x128xf32>
    %get3A_29 = vector.shape_cast %get3A_28 : vector<1x16x128xf32> to vector<16x128xf32>
    %add3A_30 = arith.addf %add3A_24, %get3A_29 : vector<16x128xf32>
    %get3A_31 = arith.constant 5 : index
    %get3A_32 = arith.constant 0 : index
    %get3A_33 = arith.constant 0 : index
    %get3A_34 = vector.load %arg0[%get3A_31, %get3A_32, %get3A_33] : memref<32x16x128xf32, #tpu.memory_space<vmem>>, vector<1x16x128xf32>
    %get3A_35 = vector.shape_cast %get3A_34 : vector<1x16x128xf32> to vector<16x128xf32>
    %add3A_36 = arith.addf %add3A_30, %get3A_35 : vector<16x128xf32>
    %get3A_37 = arith.constant 6 : index
    %get3A_38 = arith.constant 0 : index
    %get3A_39 = arith.constant 0 : index
    %get3A_40 = vector.load %arg0[%get3A_37, %get3A_38, %get3A_39] : memref<32x16x128xf32, #tpu.memory_space<vmem>>, vector<1x16x128xf32>
    %get3A_41 = vector.shape_cast %get3A_40 : vector<1x16x128xf32> to vector<16x128xf32>
    %add3A_42 = arith.addf %add3A_36, %get3A_41 : vector<16x128xf32>
    %get3A_43 = arith.constant 7 : index
    %get3A_44 = arith.constant 0 : index
    %get3A_45 = arith.constant 0 : index
    %get3A_46 = vector.load %arg0[%get3A_43, %get3A_44, %get3A_45] : memref<32x16x128xf32, #tpu.memory_space<vmem>>, vector<1x16x128xf32>
    %get3A_47 = vector.shape_cast %get3A_46 : vector<1x16x128xf32> to vector<16x128xf32>
    %add3A_48 = arith.addf %add3A_42, %get3A_47 : vector<16x128xf32>
    %get3A_49 = arith.constant 8 : index
    %get3A_50 = arith.constant 0 : index
    %get3A_51 = arith.constant 0 : index
    %get3A_52 = vector.load %arg0[%get3A_49, %get3A_50, %get3A_51] : memref<32x16x128xf32, #tpu.memory_space<vmem>>, vector<1x16x128xf32>
    %get3A_53 = vector.shape_cast %get3A_52 : vector<1x16x128xf32> to vector<16x128xf32>
    %add3A_54 = arith.addf %add3A_48, %get3A_53 : vector<16x128xf32>
    %get3A_55 = arith.constant 9 : index
    %get3A_56 = arith.constant 0 : index
    %get3A_57 = arith.constant 0 : index
    %get3A_58 = vector.load %arg0[%get3A_55, %get3A_56, %get3A_57] : memref<32x16x128xf32, #tpu.memory_space<vmem>>, vector<1x16x128xf32>
    %get3A_59 = vector.shape_cast %get3A_58 : vector<1x16x128xf32> to vector<16x128xf32>
    %add3A_60 = arith.addf %add3A_54, %get3A_59 : vector<16x128xf32>
    %get3A_61 = arith.constant 10 : index
    %get3A_62 = arith.constant 0 : index
    %get3A_63 = arith.constant 0 : index
    %get3A_64 = vector.load %arg0[%get3A_61, %get3A_62, %get3A_63] : memref<32x16x128xf32, #tpu.memory_space<vmem>>, vector<1x16x128xf32>
    %get3A_65 = vector.shape_cast %get3A_64 : vector<1x16x128xf32> to vector<16x128xf32>
    %add3A_66 = arith.addf %add3A_60, %get3A_65 : vector<16x128xf32>
    %get3A_67 = arith.constant 11 : index
    %get3A_68 = arith.constant 0 : index
    %get3A_69 = arith.constant 0 : index
    %get3A_70 = vector.load %arg0[%get3A_67, %get3A_68, %get3A_69] : memref<32x16x128xf32, #tpu.memory_space<vmem>>, vector<1x16x128xf32>
    %get3A_71 = vector.shape_cast %get3A_70 : vector<1x16x128xf32> to vector<16x128xf32>
    %add3A_72 = arith.addf %add3A_66, %get3A_71 : vector<16x128xf32>
    %get3A_73 = arith.constant 12 : index
    %get3A_74 = arith.constant 0 : index
    %get3A_75 = arith.constant 0 : index
    %get3A_76 = vector.load %arg0[%get3A_73, %get3A_74, %get3A_75] : memref<32x16x128xf32, #tpu.memory_space<vmem>>, vector<1x16x128xf32>
    %get3A_77 = vector.shape_cast %get3A_76 : vector<1x16x128xf32> to vector<16x128xf32>
    %add3A_78 = arith.addf %add3A_72, %get3A_77 : vector<16x128xf32>
    %get3A_79 = arith.constant 13 : index
    %get3A_80 = arith.constant 0 : index
    %get3A_81 = arith.constant 0 : index
    %get3A_82 = vector.load %arg0[%get3A_79, %get3A_80, %get3A_81] : memref<32x16x128xf32, #tpu.memory_space<vmem>>, vector<1x16x128xf32>
    %get3A_83 = vector.shape_cast %get3A_82 : vector<1x16x128xf32> to vector<16x128xf32>
    %add3A_84 = arith.addf %add3A_78, %get3A_83 : vector<16x128xf32>
    %get3A_85 = arith.constant 14 : index
    %get3A_86 = arith.constant 0 : index
    %get3A_87 = arith.constant 0 : index
    %get3A_88 = vector.load %arg0[%get3A_85, %get3A_86, %get3A_87] : memref<32x16x128xf32, #tpu.memory_space<vmem>>, vector<1x16x128xf32>
    %get3A_89 = vector.shape_cast %get3A_88 : vector<1x16x128xf32> to vector<16x128xf32>
    %add3A_90 = arith.addf %add3A_84, %get3A_89 : vector<16x128xf32>
    %get3A_91 = arith.constant 15 : index
    %get3A_92 = arith.constant 0 : index
    %get3A_93 = arith.constant 0 : index
    %get3A_94 = vector.load %arg0[%get3A_91, %get3A_92, %get3A_93] : memref<32x16x128xf32, #tpu.memory_space<vmem>>, vector<1x16x128xf32>
    %get3A_95 = vector.shape_cast %get3A_94 : vector<1x16x128xf32> to vector<16x128xf32>
    %add3A_96 = arith.addf %add3A_90, %get3A_95 : vector<16x128xf32>
    %get3A_97 = arith.constant 16 : index
    %get3A_98 = arith.constant 0 : index
    %get3A_99 = arith.constant 0 : index
    %get3A_100 = vector.load %arg0[%get3A_97, %get3A_98, %get3A_99] : memref<32x16x128xf32, #tpu.memory_space<vmem>>, vector<1x16x128xf32>
    %get3A_101 = vector.shape_cast %get3A_100 : vector<1x16x128xf32> to vector<16x128xf32>
    %add3A_102 = arith.addf %add3A_96, %get3A_101 : vector<16x128xf32>
    %get3A_103 = arith.constant 17 : index
    %get3A_104 = arith.constant 0 : index
    %get3A_105 = arith.constant 0 : index
    %get3A_106 = vector.load %arg0[%get3A_103, %get3A_104, %get3A_105] : memref<32x16x128xf32, #tpu.memory_space<vmem>>, vector<1x16x128xf32>
    %get3A_107 = vector.shape_cast %get3A_106 : vector<1x16x128xf32> to vector<16x128xf32>
    %add3A_108 = arith.addf %add3A_102, %get3A_107 : vector<16x128xf32>
    %get3A_109 = arith.constant 18 : index
    %get3A_110 = arith.constant 0 : index
    %get3A_111 = arith.constant 0 : index
    %get3A_112 = vector.load %arg0[%get3A_109, %get3A_110, %get3A_111] : memref<32x16x128xf32, #tpu.memory_space<vmem>>, vector<1x16x128xf32>
    %get3A_113 = vector.shape_cast %get3A_112 : vector<1x16x128xf32> to vector<16x128xf32>
    %add3A_114 = arith.addf %add3A_108, %get3A_113 : vector<16x128xf32>
    %get3A_115 = arith.constant 19 : index
    %get3A_116 = arith.constant 0 : index
    %get3A_117 = arith.constant 0 : index
    %get3A_118 = vector.load %arg0[%get3A_115, %get3A_116, %get3A_117] : memref<32x16x128xf32, #tpu.memory_space<vmem>>, vector<1x16x128xf32>
    %get3A_119 = vector.shape_cast %get3A_118 : vector<1x16x128xf32> to vector<16x128xf32>
    %add3A_120 = arith.addf %add3A_114, %get3A_119 : vector<16x128xf32>
    %get3A_121 = arith.constant 20 : index
    %get3A_122 = arith.constant 0 : index
    %get3A_123 = arith.constant 0 : index
    %get3A_124 = vector.load %arg0[%get3A_121, %get3A_122, %get3A_123] : memref<32x16x128xf32, #tpu.memory_space<vmem>>, vector<1x16x128xf32>
    %get3A_125 = vector.shape_cast %get3A_124 : vector<1x16x128xf32> to vector<16x128xf32>
    %add3A_126 = arith.addf %add3A_120, %get3A_125 : vector<16x128xf32>
    %get3A_127 = arith.constant 21 : index
    %get3A_128 = arith.constant 0 : index
    %get3A_129 = arith.constant 0 : index
    %get3A_130 = vector.load %arg0[%get3A_127, %get3A_128, %get3A_129] : memref<32x16x128xf32, #tpu.memory_space<vmem>>, vector<1x16x128xf32>
    %get3A_131 = vector.shape_cast %get3A_130 : vector<1x16x128xf32> to vector<16x128xf32>
    %add3A_132 = arith.addf %add3A_126, %get3A_131 : vector<16x128xf32>
    %get3A_133 = arith.constant 22 : index
    %get3A_134 = arith.constant 0 : index
    %get3A_135 = arith.constant 0 : index
    %get3A_136 = vector.load %arg0[%get3A_133, %get3A_134, %get3A_135] : memref<32x16x128xf32, #tpu.memory_space<vmem>>, vector<1x16x128xf32>
    %get3A_137 = vector.shape_cast %get3A_136 : vector<1x16x128xf32> to vector<16x128xf32>
    %add3A_138 = arith.addf %add3A_132, %get3A_137 : vector<16x128xf32>
    %get3A_139 = arith.constant 23 : index
    %get3A_140 = arith.constant 0 : index
    %get3A_141 = arith.constant 0 : index
    %get3A_142 = vector.load %arg0[%get3A_139, %get3A_140, %get3A_141] : memref<32x16x128xf32, #tpu.memory_space<vmem>>, vector<1x16x128xf32>
    %get3A_143 = vector.shape_cast %get3A_142 : vector<1x16x128xf32> to vector<16x128xf32>
    %add3A_144 = arith.addf %add3A_138, %get3A_143 : vector<16x128xf32>
    %get3A_145 = arith.constant 24 : index
    %get3A_146 = arith.constant 0 : index
    %get3A_147 = arith.constant 0 : index
    %get3A_148 = vector.load %arg0[%get3A_145, %get3A_146, %get3A_147] : memref<32x16x128xf32, #tpu.memory_space<vmem>>, vector<1x16x128xf32>
    %get3A_149 = vector.shape_cast %get3A_148 : vector<1x16x128xf32> to vector<16x128xf32>
    %add3A_150 = arith.addf %add3A_144, %get3A_149 : vector<16x128xf32>
    %get3A_151 = arith.constant 25 : index
    %get3A_152 = arith.constant 0 : index
    %get3A_153 = arith.constant 0 : index
    %get3A_154 = vector.load %arg0[%get3A_151, %get3A_152, %get3A_153] : memref<32x16x128xf32, #tpu.memory_space<vmem>>, vector<1x16x128xf32>
    %get3A_155 = vector.shape_cast %get3A_154 : vector<1x16x128xf32> to vector<16x128xf32>
    %add3A_156 = arith.addf %add3A_150, %get3A_155 : vector<16x128xf32>
    %get3A_157 = arith.constant 26 : index
    %get3A_158 = arith.constant 0 : index
    %get3A_159 = arith.constant 0 : index
    %get3A_160 = vector.load %arg0[%get3A_157, %get3A_158, %get3A_159] : memref<32x16x128xf32, #tpu.memory_space<vmem>>, vector<1x16x128xf32>
    %get3A_161 = vector.shape_cast %get3A_160 : vector<1x16x128xf32> to vector<16x128xf32>
    %add3A_162 = arith.addf %add3A_156, %get3A_161 : vector<16x128xf32>
    %get3A_163 = arith.constant 27 : index
    %get3A_164 = arith.constant 0 : index
    %get3A_165 = arith.constant 0 : index
    %get3A_166 = vector.load %arg0[%get3A_163, %get3A_164, %get3A_165] : memref<32x16x128xf32, #tpu.memory_space<vmem>>, vector<1x16x128xf32>
    %get3A_167 = vector.shape_cast %get3A_166 : vector<1x16x128xf32> to vector<16x128xf32>
    %add3A_168 = arith.addf %add3A_162, %get3A_167 : vector<16x128xf32>
    %get3A_169 = arith.constant 28 : index
    %get3A_170 = arith.constant 0 : index
    %get3A_171 = arith.constant 0 : index
    %get3A_172 = vector.load %arg0[%get3A_169, %get3A_170, %get3A_171] : memref<32x16x128xf32, #tpu.memory_space<vmem>>, vector<1x16x128xf32>
    %get3A_173 = vector.shape_cast %get3A_172 : vector<1x16x128xf32> to vector<16x128xf32>
    %add3A_174 = arith.addf %add3A_168, %get3A_173 : vector<16x128xf32>
    %get3A_175 = arith.constant 29 : index
    %get3A_176 = arith.constant 0 : index
    %get3A_177 = arith.constant 0 : index
    %get3A_178 = vector.load %arg0[%get3A_175, %get3A_176, %get3A_177] : memref<32x16x128xf32, #tpu.memory_space<vmem>>, vector<1x16x128xf32>
    %get3A_179 = vector.shape_cast %get3A_178 : vector<1x16x128xf32> to vector<16x128xf32>
    %add3A_180 = arith.addf %add3A_174, %get3A_179 : vector<16x128xf32>
    %get3A_181 = arith.constant 30 : index
    %get3A_182 = arith.constant 0 : index
    %get3A_183 = arith.constant 0 : index
    %get3A_184 = vector.load %arg0[%get3A_181, %get3A_182, %get3A_183] : memref<32x16x128xf32, #tpu.memory_space<vmem>>, vector<1x16x128xf32>
    %get3A_185 = vector.shape_cast %get3A_184 : vector<1x16x128xf32> to vector<16x128xf32>
    %add3A_186 = arith.addf %add3A_180, %get3A_185 : vector<16x128xf32>
    %get3A_187 = arith.constant 31 : index
    %get3A_188 = arith.constant 0 : index
    %get3A_189 = arith.constant 0 : index
    %get3A_190 = vector.load %arg0[%get3A_187, %get3A_188, %get3A_189] : memref<32x16x128xf32, #tpu.memory_space<vmem>>, vector<1x16x128xf32>
    %get3A_191 = vector.shape_cast %get3A_190 : vector<1x16x128xf32> to vector<16x128xf32>
    %add3A_192 = arith.addf %add3A_186, %get3A_191 : vector<16x128xf32>
    %get3A_193 = arith.constant 0 : index
    %get3A_194 = arith.constant 0 : index
    %get3A_195 = vector.load %arg2[%get3A_193, %get3A_194] : memref<16x1xi32, #tpu.memory_space<vmem>>, vector<16x1xi32>
    %convert_element_type3A = arith.sitofp %get3A_195 : vector<16x1xi32> to vector<16x1xf32>
    %max3A = arith.constant 1.000000e+00 : f32
    %max3A_196 = vector.broadcast %max3A : f32 to vector<16x1xf32>
    %max3A_197 = arith.maximumf %convert_element_type3A, %max3A_196 : vector<16x1xf32>
    %div3A = vector.broadcast %max3A_197 : vector<16x1xf32> to vector<16x128xf32>
    %div3A_198 = arith.divf %add3A_192, %div3A : vector<16x128xf32>
    %swap3A = arith.constant 0 : index
    %swap3A_199 = arith.constant 0 : index
    %swap3A_200 = vector.load %arg3[%swap3A, %swap3A_199] : memref<16x128xf32, #tpu.memory_space<vmem>>, vector<16x128xf32>
    tpu.vector_store %arg3[%swap3A, %swap3A_199], %div3A_198 {strides = array<i32>} : memref<16x128xf32, #tpu.memory_space<vmem>>, vector<16x128xf32>,
    return
  }
}

</mosaic_0001>

<sc_bundles>
// kernel: kernel.5.cloned.1.call-start
scs
__scs_entry_jumppad:
0x0: {  	(pc) =	sbr.rel $0x88, $3  }
0x1: {  	(tag) =	ssettag $0x0;
	lr =	simm.s32 $0x1  }
0x2: {  	[smem:$0x3F9F] =	sst lr;
	_ =	strace $0xD0000000  }
0x3: {  	_ = 	snop  }
0x4: {  	_ = 	snop  }
0x5: {  	_ = 	snop  }
0x6: {  	_ = 	snop  }
0x7: {  	_ = 	snop  }
__scs_overlays_trampoline_lowered:
0x8: {  	[smem:$0x3FAE] =	sst s0  }
0x9: {  	[smem:$0x3FAF] =	sst s1  }
0xa: {  	[smem:$0x3FB0] =	sst s2  }
0xb: {  	[smem:$0x3FB1] =	sst s3  }
0xc: {  	[smem:$0x3FB2] =	sst s4  }
0xd: {  	[smem:$0x3FB3] =	sst s5  }
0xe: {  	[smem:$0x3FB4] =	sst s6  }
0xf: {  	[smem:$0x3FB5] =	sst s7  }
0x10: {  	[smem:$0x3FB6] =	sst s8  }
0x11: {  	[smem:$0x3FB7] =	sst s9;
	s0 =	simm.s32 @!p0 $0x0  }
0x12: {  	s1 =	sld [smem:$0x3F9D];
	s0 =	simm.s32 @p0 $0x1  }
0x13: {  	[smem:$0x3FB8] =	sst s0;
	s0 =	simm.s32 @!p1 $0x0  }
0x14: {  	s2 =	sld [smem:$0x3F9C];
	s0 =	simm.s32 @p1 $0x1  }
0x15: {  	[smem:$0x3FB9] =	sst s0;
	s0 =	simm.s32 @!p2 $0x0  }
0x16: {  	s3 =	sld [smem:$0x3FDB];
	s0 =	simm.s32 @p2 $0x1  }
0x17: {  	s4 =	simm.s32 $0x1BF5;
	[smem:$0x3FBB] =	sst s0  }
0x18: {  	s0 =	sld [smem:$0x3F9E];
	_ =	swait.ge [sflag:s4], $0x0  }
0x19: {  	s7 =	sld [smem:$0x3F9F]  }
0x1a: {  	s8 =	sadd.s32 $0xFFFFE003, lr  }
0x1b: {  	s9 =	sadd.s32 $0xFFFFFEF7, lr;
	s5 =	simm.s32 $0xFFFFFFFF;
	p2 =	slt.u32 s8, $0xFFFFF086  }
0x1c: {  	p1 =	slt.u32 s9, $0xF7A;
	s5 =	simm.s32 @!p2 $0x0  }
0x1d: {  	s5 =	simm.s32 @p1 $0x1;
	p0 =	seq.s32 s7, s2  }
0x1e: {  	s7 =	smul.u32 @!p0 $0xF7A, s2;
	p2 =	seq.s32 @!p0 s5, $0x0  }
0x1f: {  	s9 =	smul.u32 $0xF7A, s1;
	s8 =	simm.s32 @!p0 $0x1BF5;
	p2 =	por !p2, p0  }
0x20: {  	[sflag:s8] =	ssyncset.s32 @!p0 $0xFFFFF086;
	s6 =	sadd.s32 @!p0 s3, s7;
	s7 =	simm.s32 @!p0 $0x108  }
0x21: {  	s3 =	sadd.s32 s3, s9;
	s6 =	sadd.s32 @!p0 $0x88, s6;
	s7 =	simm.s32 @p2 $0x1082  }
0x22: {  	[simem:s7], [sflag:s8] =	dma.local @!p0 [hbm:s6], $0xF7A  }
0x23: {  	s9 =	sor.u32 $0xD0000000, s2;
	s6 =	simm.s32 $0x108;
	_ =	swait.ge @!p0 [sflag:s8], $0x0  }
0x24: {  	s3 =	sadd.s32 $0x88, s3;
	s6 =	simm.s32 @!p1 $0x1082;
	[sflag:s4] =	ssyncset.s32 $0xFFFFF086  }
0x25: {  	[simem:s6], [sflag:s4] =	dma.local [hbm:s3], $0xF7A  }
0x26: {  	[smem:$0x3F9F] =	sst s1;
	(tag) =	ssettag s2;
	_ =	strace s9  }
0x27: {  	s1 =	sld [smem:$0x3FAF]  }
0x28: {  	s2 =	sld [smem:$0x3FB0]  }
0x29: {  	s4 =	sld [smem:$0x3FB2]  }
0x2a: {  	p0 =	seq.s32 s5, $0x0;
	s5 =	sld [smem:$0x3FB3]  }
0x2b: {  	s6 =	sld [smem:$0x3FB4]  }
0x2c: {  	s7 =	sld [smem:$0x3FB5]  }
0x2d: {  	s3 =	simm.s32 $0x108;
	s8 =	sld [smem:$0x3FB6]  }
0x2e: {  	s3 =	simm.s32 @!p0 $0x1082;
	s9 =	sld [smem:$0x3FB7]  }
0x2f: {  	lr =	sadd.s32 s0, s3;
	s0 =	sld [smem:$0x3FAE]  }
0x30: {  	s3 =	sld [smem:$0x3FB1]  }
0x31: {  	[smem:$0x3FBA] =	sst s10  }
0x32: {  	s10 =	sld [smem:$0x3FB8];
	_ =	sdelay $0x3  }
0x33: {  	p0 =	seq.s32 s10, $0x1;
	s10 =	sld [smem:$0x3FBA];
	_ =	sdelay $0x3  }
0x34: {  	[smem:$0x3FBA] =	sst s10  }
0x35: {  	s10 =	sld [smem:$0x3FB9];
	_ =	sdelay $0x3  }
0x36: {  	p1 =	seq.s32 s10, $0x1;
	s10 =	sld [smem:$0x3FBA];
	_ =	sdelay $0x3  }
0x37: {  	[smem:$0x3FBA] =	sst s10  }
0x38: {  	s10 =	sld [smem:$0x3FBB]  }
0x39: {  	_ = 	snop;
	(pc) =	sbr.ind lr, $3  }
0x3a: {  	_ = 	snop  }
0x3b: {  	_ = 	snop  }
0x3c: {  	p2 =	seq.s32 s10, $0x1;
	s10 =	sld [smem:$0x3FBA]  }
0x3d: {  	_ =	shalt  }
0x3e: {  	_ =	shalt  }
0x3f: {  	_ =	shalt  }
0x40: {  	_ =	shalt  }
0x41: {  	_ =	shalt  }
0x42: {  	_ =	shalt  }
0x43: {  	_ =	shalt  }
0x44: {  	_ =	shalt  }
0x45: {  	_ =	shalt  }
0x46: {  	_ =	shalt  }
0x47: {  	_ =	shalt  }
0x48: {  	_ =	shalt  }
0x49: {  	_ =	shalt  }
0x4a: {  	_ =	shalt  }
0x4b: {  	_ =	shalt  }
0x4c: {  	_ =	shalt  }
0x4d: {  	_ =	shalt  }
0x4e: {  	_ =	shalt  }
0x4f: {  	_ =	shalt  }
0x50: {  	_ =	shalt  }
0x51: {  	_ =	shalt  }
0x52: {  	_ =	shalt  }
0x53: {  	_ =	shalt  }
0x54: {  	_ =	shalt  }
0x55: {  	_ =	shalt  }
0x56: {  	_ =	shalt  }
0x57: {  	_ =	shalt  }
0x58: {  	_ =	shalt  }
0x59: {  	_ =	shalt  }
0x5a: {  	_ =	shalt  }
0x5b: {  	_ =	shalt  }
0x5c: {  	_ =	shalt  }
0x5d: {  	_ =	shalt  }
0x5e: {  	_ =	shalt  }
0x5f: {  	_ =	shalt  }
0x60: {  	_ =	shalt  }
0x61: {  	_ =	shalt  }
0x62: {  	_ =	shalt  }
0x63: {  	_ =	shalt  }
0x64: {  	_ =	shalt  }
0x65: {  	_ =	shalt  }
0x66: {  	_ =	shalt  }
0x67: {  	_ =	shalt  }
0x68: {  	_ =	shalt  }
0x69: {  	_ =	shalt  }
0x6a: {  	_ =	shalt  }
0x6b: {  	_ =	shalt  }
0x6c: {  	_ =	shalt  }
0x6d: {  	_ =	shalt  }
0x6e: {  	_ =	shalt  }
0x6f: {  	_ =	shalt  }
0x70: {  	_ =	shalt  }
0x71: {  	_ =	shalt  }
0x72: {  	_ =	shalt  }
0x73: {  	_ =	shalt  }
0x74: {  	_ =	shalt  }
0x75: {  	_ =	shalt  }
0x76: {  	_ =	shalt  }
0x77: {  	_ =	shalt  }
0x78: {  	_ =	shalt  }
0x79: {  	_ =	shalt  }
0x7a: {  	_ =	shalt  }
0x7b: {  	_ =	shalt  }
0x7c: {  	_ =	shalt  }
0x7d: {  	_ =	shalt  }
0x7e: {  	_ =	shalt  }
0x7f: {  	_ =	shalt  }
0x80: {  	_ =	shalt  }
0x81: {  	_ =	shalt  }
0x82: {  	_ =	shalt  }
0x83: {  	_ =	shalt  }
0x84: {  	_ =	shalt  }
0x85: {  	_ =	shalt  }
0x86: {  	_ =	shalt  }
0x87: {  	_ =	shalt  }
.Lfunc_end0:
.L_simem_size_0:
called_computation_lowered:
.L_overlay_start_0:
0x88: {  	s2 =	sld [smem:$0x3FD9]  }
0x89: {  	s3 =	sld [smem:$0x3FFE];
	_ =	sdelay $0x1  }
0x8a: {  	s1 =	srdreg.scid  }
0x8b: {  	s0 =	sand.u32 $0x1, s1  }
0x8c: {  	s17 =	sshll.u32 s0, $0xA;
	s2 =	sadd.s32 s3, s2  }
0x8d: {  	s2 =	sadd.s32 s2, s17  }
0x8e: {  	[smem:$0x3FC6] =	sst s2  }
0x8f: {  	_ = 	snop  }
0x90: {  	s2 =	sld [smem:$0x3FC9]  }
0x91: {  	s18 =	sld [smem:$0x3FC8];
	(tm) =	ssettm $0x1  }
0x92: {  	s4 =	sld [smem:$0x3FFB];
	_ =	sdelay $0x3  }
0x93: {  	_ =	strace s4  }
0x94: {  	s4 =	sld [smem:$0x3FFC];
	_ =	sdelay $0x3  }
0x95: {  	_ =	strace s4  }
0x96: {  	s4 =	sld [smem:$0x3FFD];
	_ =	sdelay $0x3  }
0x97: {  	_ =	strace s4  }
0x98: {  	_ =	strace $0x8FFFFFFF  }
0x99: {  	s19 =	sld [smem:$0x3FDB];
	_ =	sdelay $0x1  }
0x9a: {  	s5 =	simm.s32 $_scs_section_size  }
0x9b: {  	s6 =	simm.s32 $_size__tile_overlayer_lowered;
	s7 =	simm.s32 $_tile_overlayer_lowered  }
0x9c: {  	s22 =	simm.s32 $0x1BFF;
	s21 =	sshll.u32 s7, $0x1;
	s4 =	sadd.s32 s5, s19  }
0x9d: {  	s8 =	simm.s32 $0x0;
	s20 =	sshll.u32 s6, $0x1;
	s6 =	sadd.s32 s21, s4  }
0x9e: {  	[timem:s8], [sflag:s22] =	dma.local [hbm:s6], s20  }
0x9f: {  	_ =	swait.ge [sflag:s22], s20  }
0xa0: {  	s5 =	ssub.s32 $0x0, s20;
	[sflag:s22] =	ssyncset.done $0x0  }
0xa1: {  	[sflag:s22] =	ssyncadd.s32 s5;
	_ =	sdelay $0x1  }
0xa2: {  	s23 =	simm.s32 $0x1B8B  }
0xa3: {  	_ =	swait.ge [sflag:s23], $0x1  }
0xa4: {  	[sflag:s23] =	ssyncset.done $0x0  }
0xa5: {  	s25 =	simm.s32 $0x1B8E;
	s24 =	sld [smem:$0x3FFE];
	[sflag:s23] =	ssyncadd.s32 $0xFFFFFFFF  }
0xa6: {  	s26 =	simm.s32 $execute0_lowered;
	[smem:$0x3FD2] =	sst s25  }
0xa7: {  	s6 =	sshll.u32 s26, $0x1;
	_ =	strace $0x80000046;
	[dreg:$0x1] =	wrdreg $0xFFFFFFFF  }
0xa8: {  	s28 =	simm.s32 $_size_execute0_lowered;
	s4 =	sadd.s32 s4, s6;
	[dreg:$0x0] =	wrdreg $0x0  }
0xa9: {  	s6 =	sshll.u32 s28, $0x1;
	[dreg:$0x2] =	wrdreg s4  }
0xaa: {  	[dreg:$0x3] =	wrdreg s6  }
0xab: {  	[dreg:$0x4] =	wrdreg $0xC0  }
0xac: {  	_ =	task [dreg:s8], $0x5FFFF  }
0xad: {  	[dreg:$0x1] =	wrdreg $0xFFFFFFFF  }
0xae: {  	[dreg:$0x0] =	wrdreg $0x60  }
0xaf: {  	[dreg:$0x2] =	wrdreg s2  }
0xb0: {  	[dreg:$0x3] =	wrdreg s18  }
0xb1: {  	[dreg:$0x4] =	wrdreg s24  }
0xb2: {  	[dreg:$0x5] =	wrdreg $0x9  }
0xb3: {  	_ =	task.clear_ibuf [dreg:s8], $0x6FFFF;
	_ =	strace $0x90000046  }
0xb4: {  	s29 =	simm.s32 $0x9;
	_ =	strace $0x80000048  }
0xb5: {  	_ =	swait.ge [sflag:s29], $0x1  }
0xb6: {  	[sflag:s29] =	ssyncadd.s32 $0xFFFFFFFF  }
0xb7: {  	_ =	strace $0x90000048  }
0xb8: {  	_ =	sfence  }
0xb9: {  	s30 =	sld [smem:$0x0];
	_ =	sdelay $0x2  }
0xba: {  	s31 =	sshll.u32 s1, $0xD;
	s1 =	sshrl.u32 s1, $0x2  }
0xbb: {  	s3 =	sand.u32 $0x4000, s31;
	s1 =	sadd.s32 s1, s30  }
0xbc: {  	s0 =	sor.u32 s3, s0;
	s1 =	sshll.u32 s1, $0x11  }
0xbd: {  	s0 =	sor.u32 s1, s0  }
0xbe: {  	s0 =	sadd.s32 $0x8F2B, s0  }
0xbf: {  	[sflag:s0] =	ssyncadd.remote.s32 $0x1  }
0xc0: {  	_ =	sfence.sel $0xFFFF  }
0xc1: {  	[dreg:$0x0] =	wrdreg $0xFFFFFFFF;
	(pc) =	sbr.abs _section_cstart, $3  }
0xc2: {  	[dreg:$0x1] =	wrdreg $0xFFFFFFFF  }
0xc3: {  	_ =	task.clear_ibuf [dreg:s8], $0x2FFFF;
	_ =	strace $0x9FFFFFFF  }
0xc4: {  	(tm) =	ssettm $0x7FFFFFFF  }
0xc5: {  	_ =	shalt  }
tec
execute0_lowered:
.L_overlay_start_1:
0x0: {  	(tag) =	ssettag $0x1  }
0x1: {  	v0 =	vimm.s32 $0xEDCBA987;
	v1 =	vimm.s32 $0x65432100  }
0x2: {  	s11 =	rddreg [dreg:$0x0];
	v2 =	vimm.s32 $0x54321000;
	v3 =	vimm.s32 $0xDCBA9876;
	v4 =	vimm.s32 $0xBA987654  }
0x3: {  	s0 =	rddreg [dreg:$0x1];
	v5 =	vimm.s32 $0xE40000;
	v6 =	vimm.s32 $0x32100000;
	v7 =	vimm.s32 $0x7060504  }
0x4: {  	s12 =	rddreg [dreg:$0x2];
	vm2 =	vcmask $0x3F30;
	vm0 =	vmmov $0x3;
	vm1 =	vmmov $0xf  }
0x5: {  	s1 =	rddreg [dreg:$0x3];
	vm3 =	vmmov $0x1;
	vm8 =	vcmask $0x1318;
	vm9 =	vcmask $0x171C  }
0x6: {  	s4 =	srdreg.scid;
	s2 =	stileid.u32;
	s3 =	simm.s32 $0x0;
	vm10 =	vcmask $0x1B20;
	vm11 =	vcmask $0x1F24;
	vm12 =	vcmask $0x2328  }
0x7: {  	vm13 =	vcmask $0x272C;
	s16 =	simm.s32 $0x4080;
	vm14 =	vcmask $0x2B30;
	s17 =	simm.s32 $0x1;
	s18 =	simm.s32 $0x8080;
	v0 =	vunpack.c.l.s4.s8 v0  }
0x8: {  	vm15 =	vcmask $0x2F34;
	s19 =	simm.s32 $0x2;
	s20 =	simm.s32 $0x3;
	s21 =	simm.s32 $0xC080;
	vm4 =	vcmask $0x3338;
	v1 =	vunpack.c.l.s4.s8 v1  }
0x9: {  	s22 =	simm.s32 $0x0;
	v3 =	vunpack.c.l.s4.s8 v3;
	v4 =	vunpack.c.l.s4.s8 v4;
	s4 =	sand.u32 $0x1, s4;
	s5 =	sshll.u32 s2, $0x1;
	v0 =	vunpack.c.0.s8.s32 v0  }
0xa: {  	v5 =	vunpack.c.l.s2.s4 v5;
	v2 =	vunpack.c.l.s4.s8 v2;
	[smem:$0x7FF] =	sst s3;
	s6 =	ssub.s32 $0x2, s4;
	s13 =	sor.u32 s4, s5;
	v1 =	vunpack.c.0.s8.s32 v1  }
0xb: {  	v6 =	vunpack.c.l.s4.s8 v6;
	_ =	strace $0x80000047;
	v3 =	vunpack.c.0.s8.s32 v3;
	s30 =	sshrl.u32 s6, $0x1;
	s4 =	sshll.u32 s13, $0x9;
	v0 =	vand.u32 $0xF, v0  }
0xc: {  	s31 =	sshll.u32 s13, $0xD;
	s13 =	sshll.u32 s13, $0x8;
	s14 =	ssub.s32 s6, s30;
	v0 =	vcombine.low v1, v0;
	v1 =	vunpack.c.0.s8.s32 v4;
	v4 =	vunpack.c.l.s4.s8 v5  }
.Ltmp0:
0xd: {  	vm5 =	vcmask $0x373C;
	v2 =	vunpack.c.0.s8.s32 v2;
	s5 =	sor.u32 $0x80, s4;
	s6 =	sadd.s32 s11, s31;
	v5 =	vunpack.c.0.s8.s32 v6;
	(pc) =	sbr.rel .LBB2_1-.Ltmp0, $4  }
0xe: {  	s7 =	sor.u32 $0x100, s4;
	s9 =	sor.u32 $0x180, s4;
	s12 =	sadd.s32 s12, s13;
	v3 =	vand.u32 $0xF, v3;
	v6 =	vand.u32 $0xF, v1;
	v4 =	vunpack.c.0.s8.s32 v4  }
0xf: {  	s8 =	sshll.u32 s5, $0x4;
	s10 =	sshll.u32 s7, $0x4;
	s15 =	sshll.u32 s9, $0x4;
	v1 =	vcombine.low v2, v3;
	v2 =	vcombine.low v5, v6;
	v5 =	vunpack.c.0.s8.s32 v7  }
0x10: {  	vm6 =	vmmov $0x7fff;
	s13 =	smax.u32 s14, $0x1;
	s14 =	simm.s32 $0x4;
	s8 =	sadd.s32 s11, s8;
	v3 =	vlaneseq.u32;
	v4 =	vand.u32 $0x3, v4  }
0x11: {  	s10 =	sadd.s32 s11, s10;
	s11 =	sadd.s32 s11, s15;
	s15 =	simm.s32 $0x80;
	v4 =	vsel vm2, v5, v4;
	vm2 =	vmmov $0xff;
	v5 =	vimm.f32 $0.0e+00  }
.LBB2_37:
0x12: {  	s22 =	sadd.s32 $0x1, s22  }
0x13: {  	p0 =	sne.s32 s22, s13  }
.Ltmp1:
0x14: {  	_ = 	snop;
	(pc) =	sbr.rel @!p0 .LBB2_38-.Ltmp1, $4  }
0x15: {  	[hbm4b:s12+s3] =	stream.linear.scatter [tilespmem:s21], [sflag:$0x4], $0x800, $0x38;
	[tilespmem:$0xC880] =	vst v63  }
0x16: {  	_ =	swait.ge [sflag:s14], $0x800  }
0x17: {  	[sflag:s14] =	ssyncset.done $0x0  }
0x18: {  	[sflag:s14] =	ssyncadd.s32 $0xFFFFF800  }
.LBB2_1:
0x19: {  	[tilespmem:s3], [sflag:$0x4] =	stream.linear.gather [hbm4b:s0+s3], $0x80, $0x38;
	[tilespmem:$0xC880] =	vst v63  }
0x1a: {  	_ =	swait.ge [sflag:s14], $0x80  }
0x1b: {  	[sflag:s14] =	ssyncset.done $0x0  }
0x1c: {  	[sflag:s14] =	ssyncadd.s32 $0xFFFFFF80  }
0x1d: {  	[tilespmem:$0xC080] =	vst v5  }
0x1e: {  	[tilespmem:$0xC090] =	vst v5  }
0x1f: {  	[tilespmem:$0xC0A0] =	vst v5  }
0x20: {  	[tilespmem:$0xC0B0] =	vst v5  }
0x21: {  	[tilespmem:$0xC0C0] =	vst v5  }
0x22: {  	[tilespmem:$0xC0D0] =	vst v5  }
0x23: {  	[tilespmem:$0xC0E0] =	vst v5  }
0x24: {  	[tilespmem:$0xC0F0] =	vst v5  }
0x25: {  	[tilespmem:$0xC100] =	vst v5  }
0x26: {  	[tilespmem:$0xC110] =	vst v5  }
0x27: {  	[tilespmem:$0xC120] =	vst v5  }
0x28: {  	[tilespmem:$0xC130] =	vst v5  }
0x29: {  	[tilespmem:$0xC140] =	vst v5  }
0x2a: {  	[tilespmem:$0xC150] =	vst v5  }
0x2b: {  	[tilespmem:$0xC160] =	vst v5  }
0x2c: {  	[tilespmem:$0xC170] =	vst v5  }
0x2d: {  	[tilespmem:$0xC180] =	vst v5  }
0x2e: {  	[tilespmem:$0xC190] =	vst v5  }
0x2f: {  	[tilespmem:$0xC1A0] =	vst v5  }
0x30: {  	[tilespmem:$0xC1B0] =	vst v5  }
0x31: {  	[tilespmem:$0xC1C0] =	vst v5  }
0x32: {  	[tilespmem:$0xC1D0] =	vst v5  }
0x33: {  	[tilespmem:$0xC1E0] =	vst v5  }
0x34: {  	[tilespmem:$0xC1F0] =	vst v5  }
0x35: {  	[tilespmem:$0xC200] =	vst v5  }
0x36: {  	[tilespmem:$0xC210] =	vst v5  }
0x37: {  	[tilespmem:$0xC220] =	vst v5  }
0x38: {  	[tilespmem:$0xC230] =	vst v5  }
0x39: {  	[tilespmem:$0xC240] =	vst v5  }
0x3a: {  	[tilespmem:$0xC250] =	vst v5  }
0x3b: {  	[tilespmem:$0xC260] =	vst v5  }
0x3c: {  	[tilespmem:$0xC270] =	vst v5  }
0x3d: {  	[tilespmem:$0xC280] =	vst v5  }
0x3e: {  	[tilespmem:$0xC290] =	vst v5  }
0x3f: {  	[tilespmem:$0xC2A0] =	vst v5  }
0x40: {  	[tilespmem:$0xC2B0] =	vst v5  }
0x41: {  	[tilespmem:$0xC2C0] =	vst v5  }
0x42: {  	[tilespmem:$0xC2D0] =	vst v5  }
0x43: {  	[tilespmem:$0xC2E0] =	vst v5  }
0x44: {  	[tilespmem:$0xC2F0] =	vst v5  }
0x45: {  	[tilespmem:$0xC300] =	vst v5  }
0x46: {  	[tilespmem:$0xC310] =	vst v5  }
0x47: {  	[tilespmem:$0xC320] =	vst v5  }
0x48: {  	[tilespmem:$0xC330] =	vst v5  }
0x49: {  	[tilespmem:$0xC340] =	vst v5  }
0x4a: {  	[tilespmem:$0xC350] =	vst v5  }
0x4b: {  	[tilespmem:$0xC360] =	vst v5  }
0x4c: {  	[tilespmem:$0xC370] =	vst v5  }
0x4d: {  	[tilespmem:$0xC380] =	vst v5  }
0x4e: {  	[tilespmem:$0xC390] =	vst v5  }
0x4f: {  	[tilespmem:$0xC3A0] =	vst v5  }
0x50: {  	[tilespmem:$0xC3B0] =	vst v5  }
0x51: {  	[tilespmem:$0xC3C0] =	vst v5  }
0x52: {  	[tilespmem:$0xC3D0] =	vst v5  }
0x53: {  	[tilespmem:$0xC3E0] =	vst v5  }
0x54: {  	[tilespmem:$0xC3F0] =	vst v5  }
0x55: {  	[tilespmem:$0xC400] =	vst v5  }
0x56: {  	[tilespmem:$0xC410] =	vst v5  }
0x57: {  	[tilespmem:$0xC420] =	vst v5  }
0x58: {  	[tilespmem:$0xC430] =	vst v5  }
0x59: {  	[tilespmem:$0xC440] =	vst v5  }
0x5a: {  	[tilespmem:$0xC450] =	vst v5  }
0x5b: {  	[tilespmem:$0xC460] =	vst v5  }
0x5c: {  	[tilespmem:$0xC470] =	vst v5  }
0x5d: {  	[tilespmem:$0xC480] =	vst v5  }
0x5e: {  	[tilespmem:$0xC490] =	vst v5  }
0x5f: {  	[tilespmem:$0xC4A0] =	vst v5  }
0x60: {  	[tilespmem:$0xC4B0] =	vst v5  }
0x61: {  	[tilespmem:$0xC4C0] =	vst v5  }
0x62: {  	[tilespmem:$0xC4D0] =	vst v5  }
0x63: {  	[tilespmem:$0xC4E0] =	vst v5  }
0x64: {  	[tilespmem:$0xC4F0] =	vst v5  }
0x65: {  	[tilespmem:$0xC500] =	vst v5  }
0x66: {  	[tilespmem:$0xC510] =	vst v5  }
0x67: {  	[tilespmem:$0xC520] =	vst v5  }
0x68: {  	[tilespmem:$0xC530] =	vst v5  }
0x69: {  	[tilespmem:$0xC540] =	vst v5  }
0x6a: {  	[tilespmem:$0xC550] =	vst v5  }
0x6b: {  	[tilespmem:$0xC560] =	vst v5  }
0x6c: {  	[tilespmem:$0xC570] =	vst v5  }
0x6d: {  	[tilespmem:$0xC580] =	vst v5  }
0x6e: {  	[tilespmem:$0xC590] =	vst v5  }
0x6f: {  	[tilespmem:$0xC5A0] =	vst v5  }
0x70: {  	[tilespmem:$0xC5B0] =	vst v5  }
0x71: {  	[tilespmem:$0xC5C0] =	vst v5  }
0x72: {  	v6 =	vld [tilespmem:$0x0];
	[tilespmem:$0xC5D0] =	vst v5  }
0x73: {  	[tilespmem:$0xC5E0] =	vst v5  }
0x74: {  	[tilespmem:$0xC5F0] =	vst v5  }
0x75: {  	[tilespmem:$0xC600] =	vst v5  }
0x76: {  	[tilespmem:$0xC610] =	vst v5  }
0x77: {  	[tilespmem:$0xC620] =	vst v5;
	v7 =	vperm.xlane v6, v0  }
0x78: {  	vm7 =	veq.s32 v3, $0x0;
	[tilespmem:$0xC630] =	vst v5  }
0x79: {  	[tilespmem:$0xC640] =	vst v5;
	v7 =	vsel vm7, $0x0, v7  }
0x7a: {  	[tilespmem:$0xC650] =	vst v5;
	v7 =	vadd.s32 v6, v7  }
0x7b: {  	[tilespmem:$0xC660] =	vst v5;
	v8 =	vperm.xlane v7, v1  }
0x7c: {  	[tilespmem:$0xC670] =	vst v5  }
0x7d: {  	[tilespmem:$0xC680] =	vst v5;
	v8 =	vsel vm0, $0x0, v8  }
0x7e: {  	[tilespmem:$0xC690] =	vst v5;
	v7 =	vadd.s32 v8, v7  }
0x7f: {  	[tilespmem:$0xC6A0] =	vst v5;
	v8 =	vperm.xlane v7, v2  }
0x80: {  	[tilespmem:$0xC6B0] =	vst v5  }
0x81: {  	[tilespmem:$0xC6C0] =	vst v5;
	v8 =	vsel vm1, $0x0, v8  }
0x82: {  	[tilespmem:$0xC6D0] =	vst v5;
	v7 =	vadd.s32 v8, v7  }
0x83: {  	[tilespmem:$0xC6E0] =	vst v5;
	v8 =	vperm.xlane v7, v4  }
0x84: {  	[tilespmem:$0xC6F0] =	vst v5  }
0x85: {  	[tilespmem:$0xC700] =	vst v5;
	v8 =	vsel vm2, $0x0, v8  }
0x86: {  	[tilespmem:$0xC710] =	vst v5;
	v7 =	vadd.s32 v8, v7  }
0x87: {  	[tilespmem:$0xC720] =	vst v5;
	v6 =	vsub.s32 v7, v6  }
0x88: {  	[tilespmem:$0xC730] =	vst v5;
	vm7 =	vcmask $0x308;
	v40 =	vnsel vm3, $0x0, v6  }
0x89: {  	[tilespmem:$0xC740] =	vst v5;
	v41 =	vsel vm7, $0x0, v6;
	vm7 =	vcmask $0x70C;
	(xrf0) =	vadd.scan.msk.s32 $0xffff, v40  }
0x8a: {  	[tilespmem:$0xC750] =	vst v5;
	v42 =	vsel vm7, $0x0, v6;
	vm7 =	vcmask $0xB10;
	(xrf0) =	vadd.scan.msk.s32 $0xffff, v41  }
0x8b: {  	[tilespmem:$0xC760] =	vst v5;
	v43 =	vsel vm7, $0x0, v6;
	vm7 =	vcmask $0xF14;
	(xrf0) =	vadd.scan.msk.s32 $0xffff, v42  }
0x8c: {  	[tilespmem:$0xC770] =	vst v5;
	v44 =	vsel vm7, $0x0, v6;
	(xrf0) =	vadd.scan.msk.s32 $0xffff, v43  }
0x8d: {  	[tilespmem:$0xC780] =	vst v5;
	v45 =	vsel vm8, $0x0, v6;
	(xrf0) =	vadd.scan.msk.s32 $0xffff, v44  }
0x8e: {  	[tilespmem:$0xC790] =	vst v5;
	v46 =	vsel vm9, $0x0, v6;
	(xrf0) =	vadd.scan.msk.s32 $0xffff, v45  }
0x8f: {  	[tilespmem:$0xC7A0] =	vst v5;
	v47 =	vsel vm10, $0x0, v6;
	v9, _, _ =	vpop (xrf0);
	(xrf0) =	vadd.scan.msk.s32 $0xffff, v46  }
0x90: {  	[tilespmem:$0xC7B0] =	vst v5;
	v49 =	vsel vm11, $0x0, v6;
	v48, _, _ =	vpop (xrf0);
	(xrf0) =	vadd.scan.msk.s32 $0xffff, v47  }
0x91: {  	[tilespmem:$0xC7C0] =	vst v5;
	v51 =	vsel vm12, $0x0, v6;
	(v2sf) =	vpush v9, $0xF;
	v50, _, _ =	vpop (xrf0);
	(xrf0) =	vadd.scan.msk.s32 $0xffff, v49  }
0x92: {  	[tilespmem:$0xC7D0] =	vst v5;
	v53 =	vsel vm13, $0x0, v6;
	(v2sf) =	vpush v48, $0xF;
	v52, _, _ =	vpop (xrf0);
	(xrf0) =	vadd.scan.msk.s32 $0xffff, v51  }
0x93: {  	[tilespmem:$0xC7E0] =	vst v5;
	v55 =	vsel vm14, $0x0, v6;
	(v2sf) =	vpush v50, $0xF;
	v54, _, _ =	vpop (xrf0);
	(xrf0) =	vadd.scan.msk.s32 $0xffff, v53  }
0x94: {  	[tilespmem:$0xC7F0] =	vst v5;
	v57 =	vsel vm15, $0x0, v6;
	(v2sf) =	vpush v52, $0xF;
	v56, _, _ =	vpop (xrf0);
	(xrf0) =	vadd.scan.msk.s32 $0xffff, v55  }
0x95: {  	[tilespmem:$0xC800] =	vst v5;
	v59 =	vsel vm4, $0x0, v6;
	(v2sf) =	vpush v54, $0xF;
	v58, _, _ =	vpop (xrf0);
	(xrf0) =	vadd.scan.msk.s32 $0xffff, v57  }
0x96: {  	[tilespmem:$0xC810] =	vst v5;
	v61 =	vsel vm5, $0x0, v6;
	(v2sf) =	vpush v56, $0xF;
	v60, _, _ =	vpop (xrf0);
	(xrf0) =	vadd.scan.msk.s32 $0xffff, v59  }
0x97: {  	[tilespmem:$0xC820] =	vst v5;
	v6 =	vsel vm6, $0x0, v6;
	(v2sf) =	vpush v58, $0xF;
	v62, _, _ =	vpop (xrf0);
	(xrf0) =	vadd.scan.msk.s32 $0xffff, v61  }
0x98: {  	[tilespmem:$0xC830] =	vst v5;
	(v2sf) =	vpush v60, $0xF;
	v63, _, _ =	vpop (xrf0);
	(xrf0) =	vadd.scan.msk.s32 $0xffff, v6;
	v6 =	vsel vm6, $0x0, v7  }
0x99: {  	[tilespmem:$0xC840] =	vst v5;
	(v2sf) =	vpush v62, $0xF  }
0x9a: {  	[tilespmem:$0xC850] =	vst v5;
	(v2sf) =	vpush v63, $0xF;
	v7, _, _ =	vpop (xrf0);
	(xrf0) =	vadd.scan.msk.s32 $0xffff, v6  }
0x9b: {  	[tilespmem:$0xC860] =	vst v5;
	(v2sf) =	vpush v7, $0xF;
	v6, _, _ =	vpop (xrf0)  }
0x9c: {  	[tilespmem:$0xC870] =	vst v5;
	v7, _, _ =	vpop (xrf0);
	(v2sf) =	vpush v6, $0xF  }
0x9d: {  	[tilespmem:s15], [sflag:$0x1] =	stream.linear.gather [hbm4b:s6+s3], $0x4000, $0x38;
	v6, _, _ =	vpop (xrf0);
	(v2sf) =	vpush v7, $0xF;
	[tilespmem:$0xC880] =	vst v63  }
0x9e: {  	v7, _, _ =	vpop (xrf0);
	(v2sf) =	vpush v6, $0xF  }
0x9f: {  	[tilespmem:s16], [sflag:$0x2] =	stream.linear.gather [hbm4b:s8+s3], $0x4000, $0x38;
	v6, _, _ =	vpop (xrf0);
	(v2sf) =	vpush v7, $0xF;
	[tilespmem:$0xC880] =	vst v63  }
0xa0: {  	s23 =	spop (v2sf);
	(v2sf) =	vpush v6, $0xF;
	v6, _, _ =	vpop (xrf0)  }
0xa1: {  	[smem:$0x0] =	sst s23;
	s30 =	spop (v2sf);
	(v2sf) =	vpush v6, $0xF  }
0xa2: {  	[smem:$0x1] =	sst s30;
	s31 =	spop (v2sf)  }
0xa3: {  	[smem:$0x2] =	sst s31;
	s24 =	spop (v2sf)  }
0xa4: {  	[smem:$0x3] =	sst s24;
	s25 =	spop (v2sf)  }
0xa5: {  	[smem:$0x4] =	sst s25;
	s26 =	spop (v2sf)  }
0xa6: {  	[smem:$0x5] =	sst s26;
	s28 =	spop (v2sf)  }
0xa7: {  	[smem:$0x6] =	sst s28;
	s29 =	spop (v2sf)  }
0xa8: {  	[smem:$0x7] =	sst s29;
	s30 =	spop (v2sf)  }
0xa9: {  	[smem:$0x8] =	sst s30;
	s31 =	spop (v2sf)  }
0xaa: {  	[smem:$0x9] =	sst s31;
	s24 =	spop (v2sf)  }
0xab: {  	[smem:$0xA] =	sst s24;
	s25 =	spop (v2sf)  }
0xac: {  	[smem:$0xB] =	sst s25;
	s26 =	spop (v2sf)  }
0xad: {  	[smem:$0xC] =	sst s26;
	s28 =	spop (v2sf)  }
0xae: {  	[smem:$0xD] =	sst s28;
	s29 =	spop (v2sf)  }
0xaf: {  	[smem:$0xE] =	sst s29;
	s30 =	spop (v2sf)  }
0xb0: {  	[smem:$0xF] =	sst s30;
	s31 =	spop (v2sf)  }
.Ltmp2:
0xb1: {  	[smem:$0x10] =	sst s31;
	(pc) =	sbr.rel .LBB2_2-.Ltmp2, $4  }
0xb2: {  	_ =	swait.ge [sflag:s17], $0x4000  }
0xb3: {  	[sflag:s17] =	ssyncset.done $0x0  }
0xb4: {  	s23 =	simm.s32 $0x0;
	[sflag:s17] =	ssyncadd.s32 $0xFFFFC000  }
0xb5: {  	[tilespmem:s18], [sflag:$0x3] =	stream.linear.gather [hbm4b:s10+s3], $0x4000, $0x38;
	[tilespmem:$0xC880] =	vst v63  }
.LBB2_8:
0xb6: {  	s24 =	sshll.u32 s23, $0x7  }
0xb7: {  	s24 =	sand.u32 $0x3FFFFF80, s24  }
0xb8: {  	v14 =	vld [tilespmem:s24+$0xC080]  }
0xb9: {  	v15 =	vld [tilespmem:s24+$0xC090]  }
0xba: {  	v16 =	vld [tilespmem:s24+$0xC0A0]  }
0xbb: {  	v17 =	vld [tilespmem:s24+$0xC0B0]  }
0xbc: {  	v18 =	vld [tilespmem:s24+$0xC0C0]  }
0xbd: {  	v61 =	vld [tilespmem:s24+$0xC0D0];
	v6 =	vadd.f32 v14, v6  }
0xbe: {  	v62 =	vld [tilespmem:s24+$0xC0E0];
	v7 =	vadd.f32 v15, v7  }
0xbf: {  	v63 =	vld [tilespmem:s24+$0xC0F0];
	[tilespmem:s24+$0xC080] =	vst v6;
	v6 =	vadd.f32 v16, v13  }
0xc0: {  	[tilespmem:s24+$0xC090] =	vst v7;
	v7 =	vadd.f32 v17, v11  }
0xc1: {  	[tilespmem:s24+$0xC0A0] =	vst v6;
	v6 =	vadd.f32 v18, v8  }
0xc2: {  	[tilespmem:s24+$0xC0B0] =	vst v7;
	v7 =	vadd.f32 v61, v9  }
0xc3: {  	[tilespmem:s24+$0xC0C0] =	vst v6;
	v6 =	vadd.f32 v62, v10  }
0xc4: {  	[tilespmem:s24+$0xC0D0] =	vst v7;
	v7 =	vadd.f32 v63, v12  }
0xc5: {  	[tilespmem:s24+$0xC0E0] =	vst v6  }
0xc6: {  	[tilespmem:s24+$0xC0F0] =	vst v7  }
.LBB2_9:
0xc7: {  	s23 =	sadd.s32 $0x1, s23  }
0xc8: {  	p0 =	sne.s32 s23, $0x10  }
.Ltmp3:
0xc9: {  	_ = 	snop;
	(pc) =	sbr.rel @!p0 .LBB2_10-.Ltmp3, $1  }
0xca: {  	_ =	sdelay $0x3  }
.LBB2_2:
0xcb: {  	s24 =	sld [smem:s23+$0x1]  }
0xcc: {  	s25 =	sld [smem:s23+$0x0];
	_ =	sdelay $0x1  }
0xcd: {  	s24 =	ssub.s32 s24, s4  }
0xce: {  	s26 =	ssub.s32 s25, s4;
	p0 =	sgt.s32 s24, $0x0  }
0xcf: {  	p1 =	sgt.s32 s26, $0x0;
	s24 =	simm.s32 @!p0 $0x0  }
0xd0: {  	s26 =	simm.s32 @!p1 $0x0;
	s24 =	smin.u32 s24, $0x80  }
0xd1: {  	p0 =	sle.u32 s24, s26  }
.Ltmp4:
0xd2: {  	_ = 	snop;
	(pc) =	sbr.rel @p0 .LBB2_9-.Ltmp4, $1  }
0xd3: {  	_ =	sdelay $0x3  }
0xd4: {  	s28 =	ssub.s32 s24, s26  }
0xd5: {  	s25 =	sand.u32 $0xFE, s28  }
0xd6: {  	p0 =	seq.s32 s25, $0x0  }
.Ltmp5:
0xd7: {  	_ = 	snop;
	(pc) =	sbr.rel @p0 .LBB2_4-.Ltmp5, $2  }
0xd8: {  	_ =	sdelay $0x2  }
0xd9: {  	s25 =	sadd.s32 s26, s25  }
0xda: {  	s29 =	sshll.u32 s26, $0x9  }
0xdb: {  	s29 =	sshra.s32 s29, $0x2  }
0xdc: {  	s30 =	sadd.s32 $0x100, s29  }
0xdd: {  	v6 =	vld [tilespmem:s30+$0x0]  }
0xde: {  	v7 =	vld [tilespmem:s30+$0x10]  }
0xdf: {  	v11 =	vld [tilespmem:s30+$0x20]  }
0xe0: {  	v12 =	vld [tilespmem:s30+$0x30]  }
0xe1: {  	v8 =	vld [tilespmem:s30+$0x40]  }
0xe2: {  	v13 =	vld [tilespmem:s30+$0xFFFFFF80]  }
0xe3: {  	v14 =	vld [tilespmem:s30+$0xFFFFFF90]  }
0xe4: {  	v15 =	vld [tilespmem:s30+$0xFFFFFFA0]  }
0xe5: {  	v16 =	vld [tilespmem:s30+$0xFFFFFFB0]  }
0xe6: {  	s29 =	sadd.s32 $0x2, s26;
	v10 =	vld [tilespmem:s30+$0x50]  }
0xe7: {  	v17 =	vld [tilespmem:s30+$0xFFFFFFC0];
	p0 =	slt.u32 s29, s25  }
.Ltmp6:
0xe8: {  	v9 =	vimm.f32 $0.0e+00;
	v19 =	vld [tilespmem:s30+$0xFFFFFFD0];
	(pc) =	sbr.rel @!p0 .LBB2_41-.Ltmp6, $4  }
0xe9: {  	v18 =	vld [tilespmem:s30+$0xFFFFFFE0];
	v22 =	vadd.f32 v13, v9  }
0xea: {  	v21 =	vld [tilespmem:s30+$0xFFFFFFF0];
	v14 =	vadd.f32 v14, v9;
	v13 =	vadd.f32 v15, v9  }
0xeb: {  	v20 =	vld [tilespmem:s30+$0x60];
	v23 =	vadd.f32 v16, v9;
	v15 =	vimm.f32 $0.0e+00;
	v16 =	vimm.f32 $0.0e+00  }
0xec: {  	v6 =	vadd.f32 v6, v22;
	v7 =	vadd.f32 v7, v14;
	v22 =	vld [tilespmem:s30+$0x70];
	s30 =	sadd.s32 $0x100, s30;
	v14 =	vimm.f32 $0.0e+00  }
.LBB2_40:
0xed: {  	v24 =	vld [tilespmem:s30+$0x0];
	v13 =	vadd.f32 v11, v13;
	v23 =	vadd.f32 v12, v23  }
0xee: {  	v9 =	vadd.f32 v17, v9;
	v14 =	vadd.f32 v19, v14;
	v25 =	vld [tilespmem:s30+$0x10]  }
0xef: {  	v15 =	vadd.f32 v18, v15;
	v11 =	vld [tilespmem:s30+$0x20];
	v16 =	vadd.f32 v21, v16  }
0xf0: {  	v9 =	vadd.f32 v8, v9;
	v14 =	vadd.f32 v10, v14;
	v12 =	vld [tilespmem:s30+$0x30]  }
0xf1: {  	v15 =	vadd.f32 v20, v15;
	v8 =	vld [tilespmem:s30+$0x40];
	v16 =	vadd.f32 v22, v16  }
0xf2: {  	v10 =	vld [tilespmem:s30+$0x50]  }
0xf3: {  	v20 =	vld [tilespmem:s30+$0xFFFFFF80]  }
0xf4: {  	v21 =	vld [tilespmem:s30+$0xFFFFFF90]  }
0xf5: {  	v22 =	vld [tilespmem:s30+$0xFFFFFFA0]  }
0xf6: {  	s29 =	sadd.s32 $0x2, s29;
	v26 =	vld [tilespmem:s30+$0xFFFFFFB0]  }
0xf7: {  	p0 =	slt.u32 s29, s25;
	v17 =	vld [tilespmem:s30+$0xFFFFFFC0]  }
.Ltmp7:
0xf8: {  	v19 =	vld [tilespmem:s30+$0xFFFFFFD0];
	(pc) =	sbr.rel @p0 .LBB2_40-.Ltmp7, $4  }
0xf9: {  	v18 =	vld [tilespmem:s30+$0xFFFFFFE0]  }
0xfa: {  	v6 =	vadd.f32 v20, v6;
	v7 =	vadd.f32 v21, v7;
	v21 =	vld [tilespmem:s30+$0xFFFFFFF0]  }
0xfb: {  	v13 =	vadd.f32 v22, v13;
	v23 =	vadd.f32 v26, v23;
	v20 =	vld [tilespmem:s30+$0x60]  }
0xfc: {  	v6 =	vadd.f32 v24, v6;
	v7 =	vadd.f32 v25, v7;
	v22 =	vld [tilespmem:s30+$0x70];
	s30 =	sadd.s32 $0x100, s30  }
.LBB2_41:
.Ltmp8:
0xfd: {  	v13 =	vadd.f32 v11, v13;
	v11 =	vadd.f32 v12, v23;
	(pc) =	sbr.rel .LBB2_5-.Ltmp8, $4  }
0xfe: {  	v9 =	vadd.f32 v17, v9;
	v12 =	vadd.f32 v19, v14  }
0xff: {  	v14 =	vadd.f32 v18, v15;
	v15 =	vadd.f32 v21, v16  }
0x100: {  	v8 =	vadd.f32 v8, v9;
	v9 =	vadd.f32 v10, v12  }
0x101: {  	v10 =	vadd.f32 v20, v14;
	v12 =	vadd.f32 v22, v15  }
.LBB2_4:
0x102: {  	v6 =	vimm.f32 $0.0e+00;
	v7 =	vimm.f32 $0.0e+00  }
0x103: {  	v13 =	vimm.f32 $0.0e+00;
	v11 =	vimm.f32 $0.0e+00;
	v8 =	vimm.f32 $0.0e+00  }
0x104: {  	v9 =	vimm.f32 $0.0e+00;
	v10 =	vimm.f32 $0.0e+00;
	v12 =	vimm.f32 $0.0e+00  }
.LBB2_5:
0x105: {  	p0 =	sge.u32 s25, s24  }
.Ltmp9:
0x106: {  	_ = 	snop;
	(pc) =	sbr.rel @p0 .LBB2_8-.Ltmp9, $1  }
0x107: {  	_ =	sdelay $0x3  }
0x108: {  	s28 =	sshll.u32 s28, $0x9  }
0x109: {  	s26 =	sshll.u32 s26, $0x9;
	s28 =	sand.u32 $0x1FC00, s28  }
0x10a: {  	s26 =	sadd.s32 s26, s28  }
0x10b: {  	s26 =	sshra.s32 s26, $0x2  }
0x10c: {  	s26 =	sadd.s32 $0xC0, s26  }
.LBB2_7:
0x10d: {  	v14 =	vld [tilespmem:s26+$0xFFFFFFC0]  }
0x10e: {  	v15 =	vld [tilespmem:s26+$0xFFFFFFD0]  }
0x10f: {  	v16 =	vld [tilespmem:s26+$0xFFFFFFE0]  }
0x110: {  	v17 =	vld [tilespmem:s26+$0xFFFFFFF0]  }
0x111: {  	v18 =	vld [tilespmem:s26+$0x0]  }
0x112: {  	v19 =	vld [tilespmem:s26+$0x10]  }
0x113: {  	v20 =	vld [tilespmem:s26+$0x20];
	s25 =	sadd.s32 $0x1, s25  }
0x114: {  	v21 =	vld [tilespmem:s26+$0x30];
	p0 =	slt.u32 s25, s24  }
.Ltmp10:
0x115: {  	_ = 	snop;
	(pc) =	sbr.rel @p0 .LBB2_7-.Ltmp10, $4  }
0x116: {  	v6 =	vadd.f32 v14, v6;
	v7 =	vadd.f32 v15, v7  }
0x117: {  	v13 =	vadd.f32 v16, v13;
	v11 =	vadd.f32 v17, v11  }
0x118: {  	v8 =	vadd.f32 v18, v8;
	v9 =	vadd.f32 v19, v9  }
0x119: {  	s26 =	sadd.s32 $0x80, s26;
	v10 =	vadd.f32 v20, v10;
	v12 =	vadd.f32 v21, v12  }
.Ltmp11:
0x11a: {  	_ = 	snop;
	(pc) =	sbr.rel .LBB2_8-.Ltmp11, $1  }
0x11b: {  	_ =	sdelay $0x3  }
.LBB2_10:
.Ltmp12:
0x11c: {  	(pc) =	sbr.rel .LBB2_11-.Ltmp12, $4  }
0x11d: {  	_ =	swait.ge [sflag:s19], $0x4000  }
0x11e: {  	[sflag:s19] =	ssyncset.done $0x0  }
0x11f: {  	s23 =	simm.s32 $0x0;
	[sflag:s19] =	ssyncadd.s32 $0xFFFFC000  }
0x120: {  	[tilespmem:s15], [sflag:$0x1] =	stream.linear.gather [hbm4b:s11+s23], $0x4000, $0x38;
	[tilespmem:$0xC880] =	vst v63  }
.LBB2_17:
0x121: {  	s24 =	sshll.u32 s23, $0x7  }
0x122: {  	s24 =	sand.u32 $0x3FFFFF80, s24  }
0x123: {  	v14 =	vld [tilespmem:s24+$0xC080]  }
0x124: {  	v15 =	vld [tilespmem:s24+$0xC090]  }
0x125: {  	v16 =	vld [tilespmem:s24+$0xC0A0]  }
0x126: {  	v17 =	vld [tilespmem:s24+$0xC0B0]  }
0x127: {  	v18 =	vld [tilespmem:s24+$0xC0C0]  }
0x128: {  	v61 =	vld [tilespmem:s24+$0xC0D0];
	v6 =	vadd.f32 v14, v6  }
0x129: {  	v62 =	vld [tilespmem:s24+$0xC0E0];
	v7 =	vadd.f32 v15, v7  }
0x12a: {  	v63 =	vld [tilespmem:s24+$0xC0F0];
	[tilespmem:s24+$0xC080] =	vst v6;
	v6 =	vadd.f32 v16, v13  }
0x12b: {  	[tilespmem:s24+$0xC090] =	vst v7;
	v7 =	vadd.f32 v17, v11  }
0x12c: {  	[tilespmem:s24+$0xC0A0] =	vst v6;
	v6 =	vadd.f32 v18, v8  }
0x12d: {  	[tilespmem:s24+$0xC0B0] =	vst v7;
	v7 =	vadd.f32 v61, v9  }
0x12e: {  	[tilespmem:s24+$0xC0C0] =	vst v6;
	v6 =	vadd.f32 v62, v10  }
0x12f: {  	[tilespmem:s24+$0xC0D0] =	vst v7;
	v7 =	vadd.f32 v63, v12  }
0x130: {  	[tilespmem:s24+$0xC0E0] =	vst v6  }
0x131: {  	[tilespmem:s24+$0xC0F0] =	vst v7  }
.LBB2_18:
0x132: {  	s23 =	sadd.s32 $0x1, s23  }
0x133: {  	p0 =	sne.s32 s23, $0x10  }
.Ltmp13:
0x134: {  	_ = 	snop;
	(pc) =	sbr.rel @!p0 .LBB2_19-.Ltmp13, $1  }
0x135: {  	_ =	sdelay $0x3  }
.LBB2_11:
0x136: {  	s24 =	sld [smem:s23+$0x1]  }
0x137: {  	s25 =	sld [smem:s23+$0x0];
	_ =	sdelay $0x1  }
0x138: {  	s24 =	ssub.s32 s24, s5  }
0x139: {  	s26 =	ssub.s32 s25, s5;
	p0 =	sgt.s32 s24, $0x0  }
0x13a: {  	p1 =	sgt.s32 s26, $0x0;
	s24 =	simm.s32 @!p0 $0x0  }
0x13b: {  	s26 =	simm.s32 @!p1 $0x0;
	s24 =	smin.u32 s24, $0x80  }
0x13c: {  	p0 =	sle.u32 s24, s26  }
.Ltmp14:
0x13d: {  	_ = 	snop;
	(pc) =	sbr.rel @p0 .LBB2_18-.Ltmp14, $1  }
0x13e: {  	_ =	sdelay $0x3  }
0x13f: {  	s28 =	ssub.s32 s24, s26  }
0x140: {  	s25 =	sand.u32 $0xFE, s28  }
0x141: {  	p0 =	seq.s32 s25, $0x0  }
.Ltmp15:
0x142: {  	_ = 	snop;
	(pc) =	sbr.rel @p0 .LBB2_13-.Ltmp15, $2  }
0x143: {  	_ =	sdelay $0x2  }
0x144: {  	s25 =	sadd.s32 s26, s25  }
0x145: {  	s29 =	sshll.u32 s26, $0x9  }
0x146: {  	s29 =	sshra.s32 s29, $0x2  }
0x147: {  	s30 =	sadd.s32 $0x4100, s29  }
0x148: {  	v6 =	vld [tilespmem:s30+$0x0]  }
0x149: {  	v7 =	vld [tilespmem:s30+$0x10]  }
0x14a: {  	v11 =	vld [tilespmem:s30+$0x20]  }
0x14b: {  	v12 =	vld [tilespmem:s30+$0x30]  }
0x14c: {  	v8 =	vld [tilespmem:s30+$0x40]  }
0x14d: {  	v13 =	vld [tilespmem:s30+$0xFFFFFF80]  }
0x14e: {  	v14 =	vld [tilespmem:s30+$0xFFFFFF90]  }
0x14f: {  	v15 =	vld [tilespmem:s30+$0xFFFFFFA0]  }
0x150: {  	v16 =	vld [tilespmem:s30+$0xFFFFFFB0]  }
0x151: {  	s29 =	sadd.s32 $0x2, s26;
	v10 =	vld [tilespmem:s30+$0x50]  }
0x152: {  	v17 =	vld [tilespmem:s30+$0xFFFFFFC0];
	p0 =	slt.u32 s29, s25  }
.Ltmp16:
0x153: {  	v9 =	vimm.f32 $0.0e+00;
	v19 =	vld [tilespmem:s30+$0xFFFFFFD0];
	(pc) =	sbr.rel @!p0 .LBB2_44-.Ltmp16, $4  }
0x154: {  	v18 =	vld [tilespmem:s30+$0xFFFFFFE0];
	v22 =	vadd.f32 v13, v9  }
0x155: {  	v21 =	vld [tilespmem:s30+$0xFFFFFFF0];
	v14 =	vadd.f32 v14, v9;
	v13 =	vadd.f32 v15, v9  }
0x156: {  	v20 =	vld [tilespmem:s30+$0x60];
	v23 =	vadd.f32 v16, v9;
	v15 =	vimm.f32 $0.0e+00;
	v16 =	vimm.f32 $0.0e+00  }
0x157: {  	v6 =	vadd.f32 v6, v22;
	v7 =	vadd.f32 v7, v14;
	v22 =	vld [tilespmem:s30+$0x70];
	s30 =	sadd.s32 $0x100, s30;
	v14 =	vimm.f32 $0.0e+00  }
.LBB2_43:
0x158: {  	v24 =	vld [tilespmem:s30+$0x0];
	v13 =	vadd.f32 v11, v13;
	v23 =	vadd.f32 v12, v23  }
0x159: {  	v9 =	vadd.f32 v17, v9;
	v14 =	vadd.f32 v19, v14;
	v25 =	vld [tilespmem:s30+$0x10]  }
0x15a: {  	v15 =	vadd.f32 v18, v15;
	v11 =	vld [tilespmem:s30+$0x20];
	v16 =	vadd.f32 v21, v16  }
0x15b: {  	v9 =	vadd.f32 v8, v9;
	v14 =	vadd.f32 v10, v14;
	v12 =	vld [tilespmem:s30+$0x30]  }
0x15c: {  	v15 =	vadd.f32 v20, v15;
	v8 =	vld [tilespmem:s30+$0x40];
	v16 =	vadd.f32 v22, v16  }
0x15d: {  	v10 =	vld [tilespmem:s30+$0x50]  }
0x15e: {  	v20 =	vld [tilespmem:s30+$0xFFFFFF80]  }
0x15f: {  	v21 =	vld [tilespmem:s30+$0xFFFFFF90]  }
0x160: {  	v22 =	vld [tilespmem:s30+$0xFFFFFFA0]  }
0x161: {  	s29 =	sadd.s32 $0x2, s29;
	v26 =	vld [tilespmem:s30+$0xFFFFFFB0]  }
0x162: {  	p0 =	slt.u32 s29, s25;
	v17 =	vld [tilespmem:s30+$0xFFFFFFC0]  }
.Ltmp17:
0x163: {  	v19 =	vld [tilespmem:s30+$0xFFFFFFD0];
	(pc) =	sbr.rel @p0 .LBB2_43-.Ltmp17, $4  }
0x164: {  	v18 =	vld [tilespmem:s30+$0xFFFFFFE0]  }
0x165: {  	v6 =	vadd.f32 v20, v6;
	v7 =	vadd.f32 v21, v7;
	v21 =	vld [tilespmem:s30+$0xFFFFFFF0]  }
0x166: {  	v13 =	vadd.f32 v22, v13;
	v23 =	vadd.f32 v26, v23;
	v20 =	vld [tilespmem:s30+$0x60]  }
0x167: {  	v6 =	vadd.f32 v24, v6;
	v7 =	vadd.f32 v25, v7;
	v22 =	vld [tilespmem:s30+$0x70];
	s30 =	sadd.s32 $0x100, s30  }
.LBB2_44:
.Ltmp18:
0x168: {  	v13 =	vadd.f32 v11, v13;
	v11 =	vadd.f32 v12, v23;
	(pc) =	sbr.rel .LBB2_14-.Ltmp18, $4  }
0x169: {  	v9 =	vadd.f32 v17, v9;
	v12 =	vadd.f32 v19, v14  }
0x16a: {  	v14 =	vadd.f32 v18, v15;
	v15 =	vadd.f32 v21, v16  }
0x16b: {  	v8 =	vadd.f32 v8, v9;
	v9 =	vadd.f32 v10, v12  }
0x16c: {  	v10 =	vadd.f32 v20, v14;
	v12 =	vadd.f32 v22, v15  }
.LBB2_13:
0x16d: {  	v6 =	vimm.f32 $0.0e+00;
	v7 =	vimm.f32 $0.0e+00  }
0x16e: {  	v13 =	vimm.f32 $0.0e+00;
	v11 =	vimm.f32 $0.0e+00;
	v8 =	vimm.f32 $0.0e+00  }
0x16f: {  	v9 =	vimm.f32 $0.0e+00;
	v10 =	vimm.f32 $0.0e+00;
	v12 =	vimm.f32 $0.0e+00  }
.LBB2_14:
0x170: {  	p0 =	sge.u32 s25, s24  }
.Ltmp19:
0x171: {  	_ = 	snop;
	(pc) =	sbr.rel @p0 .LBB2_17-.Ltmp19, $1  }
0x172: {  	_ =	sdelay $0x3  }
0x173: {  	s28 =	sshll.u32 s28, $0x9  }
0x174: {  	s26 =	sshll.u32 s26, $0x9;
	s28 =	sand.u32 $0x1FC00, s28  }
0x175: {  	s26 =	sadd.s32 s26, s28  }
0x176: {  	s26 =	sshra.s32 s26, $0x2  }
0x177: {  	s26 =	sadd.s32 $0x40C0, s26  }
.LBB2_16:
0x178: {  	v14 =	vld [tilespmem:s26+$0xFFFFFFC0]  }
0x179: {  	v15 =	vld [tilespmem:s26+$0xFFFFFFD0]  }
0x17a: {  	v16 =	vld [tilespmem:s26+$0xFFFFFFE0]  }
0x17b: {  	v17 =	vld [tilespmem:s26+$0xFFFFFFF0]  }
0x17c: {  	v18 =	vld [tilespmem:s26+$0x0]  }
0x17d: {  	v19 =	vld [tilespmem:s26+$0x10]  }
0x17e: {  	v20 =	vld [tilespmem:s26+$0x20];
	s25 =	sadd.s32 $0x1, s25  }
0x17f: {  	v21 =	vld [tilespmem:s26+$0x30];
	p0 =	slt.u32 s25, s24  }
.Ltmp20:
0x180: {  	_ = 	snop;
	(pc) =	sbr.rel @p0 .LBB2_16-.Ltmp20, $4  }
0x181: {  	v6 =	vadd.f32 v14, v6;
	v7 =	vadd.f32 v15, v7  }
0x182: {  	v13 =	vadd.f32 v16, v13;
	v11 =	vadd.f32 v17, v11  }
0x183: {  	v8 =	vadd.f32 v18, v8;
	v9 =	vadd.f32 v19, v9  }
0x184: {  	s26 =	sadd.s32 $0x80, s26;
	v10 =	vadd.f32 v20, v10;
	v12 =	vadd.f32 v21, v12  }
.Ltmp21:
0x185: {  	_ = 	snop;
	(pc) =	sbr.rel .LBB2_17-.Ltmp21, $1  }
0x186: {  	_ =	sdelay $0x3  }
.LBB2_19:
.Ltmp22:
0x187: {  	(pc) =	sbr.rel .LBB2_20-.Ltmp22, $4  }
0x188: {  	_ = 	snop  }
0x189: {  	_ =	swait.ge [sflag:s20], $0x4000  }
0x18a: {  	[sflag:s20] =	ssyncset.done $0x0  }
0x18b: {  	s23 =	simm.s32 $0x0;
	[sflag:s20] =	ssyncadd.s32 $0xFFFFC000  }
.LBB2_26:
0x18c: {  	s24 =	sshll.u32 s23, $0x7  }
0x18d: {  	s24 =	sand.u32 $0x3FFFFF80, s24  }
0x18e: {  	v14 =	vld [tilespmem:s24+$0xC080]  }
0x18f: {  	v15 =	vld [tilespmem:s24+$0xC090]  }
0x190: {  	v16 =	vld [tilespmem:s24+$0xC0A0]  }
0x191: {  	v17 =	vld [tilespmem:s24+$0xC0B0]  }
0x192: {  	v18 =	vld [tilespmem:s24+$0xC0C0]  }
0x193: {  	v61 =	vld [tilespmem:s24+$0xC0D0];
	v6 =	vadd.f32 v14, v6  }
0x194: {  	v62 =	vld [tilespmem:s24+$0xC0E0];
	v7 =	vadd.f32 v15, v7  }
0x195: {  	v63 =	vld [tilespmem:s24+$0xC0F0];
	[tilespmem:s24+$0xC080] =	vst v6;
	v6 =	vadd.f32 v16, v13  }
0x196: {  	[tilespmem:s24+$0xC090] =	vst v7;
	v7 =	vadd.f32 v17, v11  }
0x197: {  	[tilespmem:s24+$0xC0A0] =	vst v6;
	v6 =	vadd.f32 v18, v8  }
0x198: {  	[tilespmem:s24+$0xC0B0] =	vst v7;
	v7 =	vadd.f32 v61, v9  }
0x199: {  	[tilespmem:s24+$0xC0C0] =	vst v6;
	v6 =	vadd.f32 v62, v10  }
0x19a: {  	[tilespmem:s24+$0xC0D0] =	vst v7;
	v7 =	vadd.f32 v63, v12  }
0x19b: {  	[tilespmem:s24+$0xC0E0] =	vst v6  }
0x19c: {  	[tilespmem:s24+$0xC0F0] =	vst v7  }
.LBB2_27:
0x19d: {  	s23 =	sadd.s32 $0x1, s23  }
0x19e: {  	p0 =	sne.s32 s23, $0x10  }
.Ltmp23:
0x19f: {  	_ = 	snop;
	(pc) =	sbr.rel @!p0 .LBB2_28-.Ltmp23, $1  }
0x1a0: {  	_ =	sdelay $0x3  }
.LBB2_20:
0x1a1: {  	s24 =	sld [smem:s23+$0x1]  }
0x1a2: {  	s25 =	sld [smem:s23+$0x0];
	_ =	sdelay $0x1  }
0x1a3: {  	s24 =	ssub.s32 s24, s7  }
0x1a4: {  	s26 =	ssub.s32 s25, s7;
	p0 =	sgt.s32 s24, $0x0  }
0x1a5: {  	p1 =	sgt.s32 s26, $0x0;
	s24 =	simm.s32 @!p0 $0x0  }
0x1a6: {  	s26 =	simm.s32 @!p1 $0x0;
	s24 =	smin.u32 s24, $0x80  }
0x1a7: {  	p0 =	sle.u32 s24, s26  }
.Ltmp24:
0x1a8: {  	_ = 	snop;
	(pc) =	sbr.rel @p0 .LBB2_27-.Ltmp24, $1  }
0x1a9: {  	_ =	sdelay $0x3  }
0x1aa: {  	s28 =	ssub.s32 s24, s26  }
0x1ab: {  	s25 =	sand.u32 $0xFE, s28  }
0x1ac: {  	p0 =	seq.s32 s25, $0x0  }
.Ltmp25:
0x1ad: {  	_ = 	snop;
	(pc) =	sbr.rel @p0 .LBB2_22-.Ltmp25, $2  }
0x1ae: {  	_ =	sdelay $0x2  }
0x1af: {  	s25 =	sadd.s32 s26, s25  }
0x1b0: {  	s29 =	sshll.u32 s26, $0x9  }
0x1b1: {  	s29 =	sshra.s32 s29, $0x2  }
0x1b2: {  	s30 =	sadd.s32 $0x8100, s29  }
0x1b3: {  	v6 =	vld [tilespmem:s30+$0x0]  }
0x1b4: {  	v7 =	vld [tilespmem:s30+$0x10]  }
0x1b5: {  	v11 =	vld [tilespmem:s30+$0x20]  }
0x1b6: {  	v12 =	vld [tilespmem:s30+$0x30]  }
0x1b7: {  	v8 =	vld [tilespmem:s30+$0x40]  }
0x1b8: {  	v13 =	vld [tilespmem:s30+$0xFFFFFF80]  }
0x1b9: {  	v14 =	vld [tilespmem:s30+$0xFFFFFF90]  }
0x1ba: {  	v15 =	vld [tilespmem:s30+$0xFFFFFFA0]  }
0x1bb: {  	v16 =	vld [tilespmem:s30+$0xFFFFFFB0]  }
0x1bc: {  	s29 =	sadd.s32 $0x2, s26;
	v10 =	vld [tilespmem:s30+$0x50]  }
0x1bd: {  	v17 =	vld [tilespmem:s30+$0xFFFFFFC0];
	p0 =	slt.u32 s29, s25  }
.Ltmp26:
0x1be: {  	v9 =	vimm.f32 $0.0e+00;
	v19 =	vld [tilespmem:s30+$0xFFFFFFD0];
	(pc) =	sbr.rel @!p0 .LBB2_47-.Ltmp26, $4  }
0x1bf: {  	v18 =	vld [tilespmem:s30+$0xFFFFFFE0];
	v22 =	vadd.f32 v13, v9  }
0x1c0: {  	v21 =	vld [tilespmem:s30+$0xFFFFFFF0];
	v14 =	vadd.f32 v14, v9;
	v13 =	vadd.f32 v15, v9  }
0x1c1: {  	v20 =	vld [tilespmem:s30+$0x60];
	v23 =	vadd.f32 v16, v9;
	v15 =	vimm.f32 $0.0e+00;
	v16 =	vimm.f32 $0.0e+00  }
0x1c2: {  	v6 =	vadd.f32 v6, v22;
	v7 =	vadd.f32 v7, v14;
	v22 =	vld [tilespmem:s30+$0x70];
	s30 =	sadd.s32 $0x100, s30;
	v14 =	vimm.f32 $0.0e+00  }
.LBB2_46:
0x1c3: {  	v24 =	vld [tilespmem:s30+$0x0];
	v13 =	vadd.f32 v11, v13;
	v23 =	vadd.f32 v12, v23  }
0x1c4: {  	v9 =	vadd.f32 v17, v9;
	v14 =	vadd.f32 v19, v14;
	v25 =	vld [tilespmem:s30+$0x10]  }
0x1c5: {  	v15 =	vadd.f32 v18, v15;
	v11 =	vld [tilespmem:s30+$0x20];
	v16 =	vadd.f32 v21, v16  }
0x1c6: {  	v9 =	vadd.f32 v8, v9;
	v14 =	vadd.f32 v10, v14;
	v12 =	vld [tilespmem:s30+$0x30]  }
0x1c7: {  	v15 =	vadd.f32 v20, v15;
	v8 =	vld [tilespmem:s30+$0x40];
	v16 =	vadd.f32 v22, v16  }
0x1c8: {  	v10 =	vld [tilespmem:s30+$0x50]  }
0x1c9: {  	v20 =	vld [tilespmem:s30+$0xFFFFFF80]  }
0x1ca: {  	v21 =	vld [tilespmem:s30+$0xFFFFFF90]  }
0x1cb: {  	v22 =	vld [tilespmem:s30+$0xFFFFFFA0]  }
0x1cc: {  	s29 =	sadd.s32 $0x2, s29;
	v26 =	vld [tilespmem:s30+$0xFFFFFFB0]  }
0x1cd: {  	p0 =	slt.u32 s29, s25;
	v17 =	vld [tilespmem:s30+$0xFFFFFFC0]  }
.Ltmp27:
0x1ce: {  	v19 =	vld [tilespmem:s30+$0xFFFFFFD0];
	(pc) =	sbr.rel @p0 .LBB2_46-.Ltmp27, $4  }
0x1cf: {  	v18 =	vld [tilespmem:s30+$0xFFFFFFE0]  }
0x1d0: {  	v6 =	vadd.f32 v20, v6;
	v7 =	vadd.f32 v21, v7;
	v21 =	vld [tilespmem:s30+$0xFFFFFFF0]  }
0x1d1: {  	v13 =	vadd.f32 v22, v13;
	v23 =	vadd.f32 v26, v23;
	v20 =	vld [tilespmem:s30+$0x60]  }
0x1d2: {  	v6 =	vadd.f32 v24, v6;
	v7 =	vadd.f32 v25, v7;
	v22 =	vld [tilespmem:s30+$0x70];
	s30 =	sadd.s32 $0x100, s30  }
.LBB2_47:
.Ltmp28:
0x1d3: {  	v13 =	vadd.f32 v11, v13;
	v11 =	vadd.f32 v12, v23;
	(pc) =	sbr.rel .LBB2_23-.Ltmp28, $4  }
0x1d4: {  	v9 =	vadd.f32 v17, v9;
	v12 =	vadd.f32 v19, v14  }
0x1d5: {  	v14 =	vadd.f32 v18, v15;
	v15 =	vadd.f32 v21, v16  }
0x1d6: {  	v8 =	vadd.f32 v8, v9;
	v9 =	vadd.f32 v10, v12  }
0x1d7: {  	v10 =	vadd.f32 v20, v14;
	v12 =	vadd.f32 v22, v15  }
.LBB2_22:
0x1d8: {  	v6 =	vimm.f32 $0.0e+00;
	v7 =	vimm.f32 $0.0e+00  }
0x1d9: {  	v13 =	vimm.f32 $0.0e+00;
	v11 =	vimm.f32 $0.0e+00;
	v8 =	vimm.f32 $0.0e+00  }
0x1da: {  	v9 =	vimm.f32 $0.0e+00;
	v10 =	vimm.f32 $0.0e+00;
	v12 =	vimm.f32 $0.0e+00  }
.LBB2_23:
0x1db: {  	p0 =	sge.u32 s25, s24  }
.Ltmp29:
0x1dc: {  	_ = 	snop;
	(pc) =	sbr.rel @p0 .LBB2_26-.Ltmp29, $1  }
0x1dd: {  	_ =	sdelay $0x3  }
0x1de: {  	s28 =	sshll.u32 s28, $0x9  }
0x1df: {  	s26 =	sshll.u32 s26, $0x9;
	s28 =	sand.u32 $0x1FC00, s28  }
0x1e0: {  	s26 =	sadd.s32 s26, s28  }
0x1e1: {  	s26 =	sshra.s32 s26, $0x2  }
0x1e2: {  	s26 =	sadd.s32 $0x80C0, s26  }
.LBB2_25:
0x1e3: {  	v14 =	vld [tilespmem:s26+$0xFFFFFFC0]  }
0x1e4: {  	v15 =	vld [tilespmem:s26+$0xFFFFFFD0]  }
0x1e5: {  	v16 =	vld [tilespmem:s26+$0xFFFFFFE0]  }
0x1e6: {  	v17 =	vld [tilespmem:s26+$0xFFFFFFF0]  }
0x1e7: {  	v18 =	vld [tilespmem:s26+$0x0]  }
0x1e8: {  	v19 =	vld [tilespmem:s26+$0x10]  }
0x1e9: {  	v20 =	vld [tilespmem:s26+$0x20];
	s25 =	sadd.s32 $0x1, s25  }
0x1ea: {  	v21 =	vld [tilespmem:s26+$0x30];
	p0 =	slt.u32 s25, s24  }
.Ltmp30:
0x1eb: {  	_ = 	snop;
	(pc) =	sbr.rel @p0 .LBB2_25-.Ltmp30, $4  }
0x1ec: {  	v6 =	vadd.f32 v14, v6;
	v7 =	vadd.f32 v15, v7  }
0x1ed: {  	v13 =	vadd.f32 v16, v13;
	v11 =	vadd.f32 v17, v11  }
0x1ee: {  	v8 =	vadd.f32 v18, v8;
	v9 =	vadd.f32 v19, v9  }
0x1ef: {  	s26 =	sadd.s32 $0x80, s26;
	v10 =	vadd.f32 v20, v10;
	v12 =	vadd.f32 v21, v12  }
.Ltmp31:
0x1f0: {  	_ = 	snop;
	(pc) =	sbr.rel .LBB2_26-.Ltmp31, $1  }
0x1f1: {  	_ =	sdelay $0x3  }
.LBB2_28:
.Ltmp32:
0x1f2: {  	(pc) =	sbr.rel .LBB2_29-.Ltmp32, $4  }
0x1f3: {  	_ = 	snop  }
0x1f4: {  	_ =	swait.ge [sflag:s17], $0x4000  }
0x1f5: {  	[sflag:s17] =	ssyncset.done $0x0  }
0x1f6: {  	s23 =	simm.s32 $0x0;
	[sflag:s17] =	ssyncadd.s32 $0xFFFFC000  }
.LBB2_35:
0x1f7: {  	s24 =	sshll.u32 s23, $0x7  }
0x1f8: {  	s24 =	sand.u32 $0x3FFFFF80, s24  }
0x1f9: {  	v14 =	vld [tilespmem:s24+$0xC080]  }
0x1fa: {  	v15 =	vld [tilespmem:s24+$0xC090]  }
0x1fb: {  	v16 =	vld [tilespmem:s24+$0xC0A0]  }
0x1fc: {  	v17 =	vld [tilespmem:s24+$0xC0B0]  }
0x1fd: {  	v18 =	vld [tilespmem:s24+$0xC0C0]  }
0x1fe: {  	v61 =	vld [tilespmem:s24+$0xC0D0];
	v6 =	vadd.f32 v14, v6  }
0x1ff: {  	v62 =	vld [tilespmem:s24+$0xC0E0];
	v7 =	vadd.f32 v15, v7  }
0x200: {  	v63 =	vld [tilespmem:s24+$0xC0F0];
	[tilespmem:s24+$0xC080] =	vst v6;
	v6 =	vadd.f32 v16, v13  }
0x201: {  	[tilespmem:s24+$0xC090] =	vst v7;
	v7 =	vadd.f32 v17, v11  }
0x202: {  	[tilespmem:s24+$0xC0A0] =	vst v6;
	v6 =	vadd.f32 v18, v8  }
0x203: {  	[tilespmem:s24+$0xC0B0] =	vst v7;
	v7 =	vadd.f32 v61, v9  }
0x204: {  	[tilespmem:s24+$0xC0C0] =	vst v6;
	v6 =	vadd.f32 v62, v10  }
0x205: {  	[tilespmem:s24+$0xC0D0] =	vst v7;
	v7 =	vadd.f32 v63, v12  }
0x206: {  	[tilespmem:s24+$0xC0E0] =	vst v6  }
0x207: {  	[tilespmem:s24+$0xC0F0] =	vst v7  }
.LBB2_36:
0x208: {  	s23 =	sadd.s32 $0x1, s23  }
0x209: {  	p0 =	sne.s32 s23, $0x10  }
.Ltmp33:
0x20a: {  	_ = 	snop;
	(pc) =	sbr.rel @!p0 .LBB2_37-.Ltmp33, $1  }
0x20b: {  	_ =	sdelay $0x3  }
.LBB2_29:
0x20c: {  	s24 =	sld [smem:s23+$0x1]  }
0x20d: {  	s25 =	sld [smem:s23+$0x0];
	_ =	sdelay $0x1  }
0x20e: {  	s24 =	ssub.s32 s24, s9  }
0x20f: {  	s26 =	ssub.s32 s25, s9;
	p0 =	sgt.s32 s24, $0x0  }
0x210: {  	p1 =	sgt.s32 s26, $0x0;
	s24 =	simm.s32 @!p0 $0x0  }
0x211: {  	s26 =	simm.s32 @!p1 $0x0;
	s24 =	smin.u32 s24, $0x80  }
0x212: {  	p0 =	sle.u32 s24, s26  }
.Ltmp34:
0x213: {  	_ = 	snop;
	(pc) =	sbr.rel @p0 .LBB2_36-.Ltmp34, $1  }
0x214: {  	_ =	sdelay $0x3  }
0x215: {  	s28 =	ssub.s32 s24, s26  }
0x216: {  	s25 =	sand.u32 $0xFE, s28  }
0x217: {  	p0 =	seq.s32 s25, $0x0  }
.Ltmp35:
0x218: {  	_ = 	snop;
	(pc) =	sbr.rel @p0 .LBB2_31-.Ltmp35, $2  }
0x219: {  	_ =	sdelay $0x2  }
0x21a: {  	s25 =	sadd.s32 s26, s25  }
0x21b: {  	s29 =	sshll.u32 s26, $0x9  }
0x21c: {  	s29 =	sshra.s32 s29, $0x2  }
0x21d: {  	s30 =	sadd.s32 $0x100, s29  }
0x21e: {  	v6 =	vld [tilespmem:s30+$0x0]  }
0x21f: {  	v7 =	vld [tilespmem:s30+$0x10]  }
0x220: {  	v11 =	vld [tilespmem:s30+$0x20]  }
0x221: {  	v12 =	vld [tilespmem:s30+$0x30]  }
0x222: {  	v8 =	vld [tilespmem:s30+$0x40]  }
0x223: {  	v13 =	vld [tilespmem:s30+$0xFFFFFF80]  }
0x224: {  	v14 =	vld [tilespmem:s30+$0xFFFFFF90]  }
0x225: {  	v15 =	vld [tilespmem:s30+$0xFFFFFFA0]  }
0x226: {  	v16 =	vld [tilespmem:s30+$0xFFFFFFB0]  }
0x227: {  	s29 =	sadd.s32 $0x2, s26;
	v10 =	vld [tilespmem:s30+$0x50]  }
0x228: {  	v17 =	vld [tilespmem:s30+$0xFFFFFFC0];
	p0 =	slt.u32 s29, s25  }
.Ltmp36:
0x229: {  	v9 =	vimm.f32 $0.0e+00;
	v19 =	vld [tilespmem:s30+$0xFFFFFFD0];
	(pc) =	sbr.rel @!p0 .LBB2_50-.Ltmp36, $4  }
0x22a: {  	v18 =	vld [tilespmem:s30+$0xFFFFFFE0];
	v22 =	vadd.f32 v13, v9  }
0x22b: {  	v21 =	vld [tilespmem:s30+$0xFFFFFFF0];
	v14 =	vadd.f32 v14, v9;
	v13 =	vadd.f32 v15, v9  }
0x22c: {  	v20 =	vld [tilespmem:s30+$0x60];
	v23 =	vadd.f32 v16, v9;
	v15 =	vimm.f32 $0.0e+00;
	v16 =	vimm.f32 $0.0e+00  }
0x22d: {  	v6 =	vadd.f32 v6, v22;
	v7 =	vadd.f32 v7, v14;
	v22 =	vld [tilespmem:s30+$0x70];
	s30 =	sadd.s32 $0x100, s30;
	v14 =	vimm.f32 $0.0e+00  }
.LBB2_49:
0x22e: {  	v24 =	vld [tilespmem:s30+$0x0];
	v13 =	vadd.f32 v11, v13;
	v23 =	vadd.f32 v12, v23  }
0x22f: {  	v9 =	vadd.f32 v17, v9;
	v14 =	vadd.f32 v19, v14;
	v25 =	vld [tilespmem:s30+$0x10]  }
0x230: {  	v15 =	vadd.f32 v18, v15;
	v11 =	vld [tilespmem:s30+$0x20];
	v16 =	vadd.f32 v21, v16  }
0x231: {  	v9 =	vadd.f32 v8, v9;
	v14 =	vadd.f32 v10, v14;
	v12 =	vld [tilespmem:s30+$0x30]  }
0x232: {  	v15 =	vadd.f32 v20, v15;
	v8 =	vld [tilespmem:s30+$0x40];
	v16 =	vadd.f32 v22, v16  }
0x233: {  	v10 =	vld [tilespmem:s30+$0x50]  }
0x234: {  	v20 =	vld [tilespmem:s30+$0xFFFFFF80]  }
0x235: {  	v21 =	vld [tilespmem:s30+$0xFFFFFF90]  }
0x236: {  	v22 =	vld [tilespmem:s30+$0xFFFFFFA0]  }
0x237: {  	s29 =	sadd.s32 $0x2, s29;
	v26 =	vld [tilespmem:s30+$0xFFFFFFB0]  }
0x238: {  	p0 =	slt.u32 s29, s25;
	v17 =	vld [tilespmem:s30+$0xFFFFFFC0]  }
.Ltmp37:
0x239: {  	v19 =	vld [tilespmem:s30+$0xFFFFFFD0];
	(pc) =	sbr.rel @p0 .LBB2_49-.Ltmp37, $4  }
0x23a: {  	v18 =	vld [tilespmem:s30+$0xFFFFFFE0]  }
0x23b: {  	v6 =	vadd.f32 v20, v6;
	v7 =	vadd.f32 v21, v7;
	v21 =	vld [tilespmem:s30+$0xFFFFFFF0]  }
0x23c: {  	v13 =	vadd.f32 v22, v13;
	v23 =	vadd.f32 v26, v23;
	v20 =	vld [tilespmem:s30+$0x60]  }
0x23d: {  	v6 =	vadd.f32 v24, v6;
	v7 =	vadd.f32 v25, v7;
	v22 =	vld [tilespmem:s30+$0x70];
	s30 =	sadd.s32 $0x100, s30  }
.LBB2_50:
.Ltmp38:
0x23e: {  	v13 =	vadd.f32 v11, v13;
	v11 =	vadd.f32 v12, v23;
	(pc) =	sbr.rel .LBB2_32-.Ltmp38, $4  }
0x23f: {  	v9 =	vadd.f32 v17, v9;
	v12 =	vadd.f32 v19, v14  }
0x240: {  	v14 =	vadd.f32 v18, v15;
	v15 =	vadd.f32 v21, v16  }
0x241: {  	v8 =	vadd.f32 v8, v9;
	v9 =	vadd.f32 v10, v12  }
0x242: {  	v10 =	vadd.f32 v20, v14;
	v12 =	vadd.f32 v22, v15  }
.LBB2_31:
0x243: {  	v6 =	vimm.f32 $0.0e+00;
	v7 =	vimm.f32 $0.0e+00  }
0x244: {  	v13 =	vimm.f32 $0.0e+00;
	v11 =	vimm.f32 $0.0e+00;
	v8 =	vimm.f32 $0.0e+00  }
0x245: {  	v9 =	vimm.f32 $0.0e+00;
	v10 =	vimm.f32 $0.0e+00;
	v12 =	vimm.f32 $0.0e+00  }
.LBB2_32:
0x246: {  	p0 =	sge.u32 s25, s24  }
.Ltmp39:
0x247: {  	_ = 	snop;
	(pc) =	sbr.rel @p0 .LBB2_35-.Ltmp39, $1  }
0x248: {  	_ =	sdelay $0x3  }
0x249: {  	s28 =	sshll.u32 s28, $0x9  }
0x24a: {  	s26 =	sshll.u32 s26, $0x9;
	s28 =	sand.u32 $0x1FC00, s28  }
0x24b: {  	s26 =	sadd.s32 s26, s28  }
0x24c: {  	s26 =	sshra.s32 s26, $0x2  }
0x24d: {  	s26 =	sadd.s32 $0xC0, s26  }
.LBB2_34:
0x24e: {  	v14 =	vld [tilespmem:s26+$0xFFFFFFC0]  }
0x24f: {  	v15 =	vld [tilespmem:s26+$0xFFFFFFD0]  }
0x250: {  	v16 =	vld [tilespmem:s26+$0xFFFFFFE0]  }
0x251: {  	v17 =	vld [tilespmem:s26+$0xFFFFFFF0]  }
0x252: {  	v18 =	vld [tilespmem:s26+$0x0]  }
0x253: {  	v19 =	vld [tilespmem:s26+$0x10]  }
0x254: {  	v20 =	vld [tilespmem:s26+$0x20];
	s25 =	sadd.s32 $0x1, s25  }
0x255: {  	v21 =	vld [tilespmem:s26+$0x30];
	p0 =	slt.u32 s25, s24  }
.Ltmp40:
0x256: {  	_ = 	snop;
	(pc) =	sbr.rel @p0 .LBB2_34-.Ltmp40, $4  }
0x257: {  	v6 =	vadd.f32 v14, v6;
	v7 =	vadd.f32 v15, v7  }
0x258: {  	v13 =	vadd.f32 v16, v13;
	v11 =	vadd.f32 v17, v11  }
0x259: {  	v8 =	vadd.f32 v18, v8;
	v9 =	vadd.f32 v19, v9  }
0x25a: {  	s26 =	sadd.s32 $0x80, s26;
	v10 =	vadd.f32 v20, v10;
	v12 =	vadd.f32 v21, v12  }
.Ltmp41:
0x25b: {  	_ = 	snop;
	(pc) =	sbr.rel .LBB2_35-.Ltmp41, $1  }
0x25c: {  	_ =	sdelay $0x3  }
.LBB2_38:
0x25d: {  	_ =	sfence.sel $0x180000  }
0x25e: {  	[bflag:$0x0] =	sbarrier.arrive $0xFFFF  }
0x25f: {  	p0 =	sne.s32 s2, $0x0;
	_ =	strace $0x90000047  }
0x260: {  	s0 =	sadd.s32 @!p0 $0x100000, s1;
	[bflag:$0x2] =	sbarrier.arrive $0xFFFF  }
0x261: {  	[sflag:s0] =	ssyncadd.tile.s32 @!p0 $0x1;
	_ =	shalt  }
.Lfunc_end2:
_tile_overlayer_lowered:
.L_overlay_start_2:
0x262: {  	(tag) =	ssettag $0x2  }
0x263: {  	s0 =	rddreg [dreg:$0x0];
	s2 =	stileid.u32  }
0x264: {  	s1 =	rddreg [dreg:$0x1];
	p0 =	sne.s32 s2, $0x0  }
0x265: {  	s3 =	rddreg [dreg:$0x2];
	[bflag:$0x3] =	sbarrier.arrive $0xFFFF;
	s2 =	simm.s32 @!p0 $0x1C04  }
0x266: {  	[timem:s3], [sflag:s2] =	dma.local @!p0 [hbm:s0], s1  }
0x267: {  	s0 =	simm.s32 @!p0 $0x4  }
0x268: {  	_ =	swait.ge @!p0 [sflag:s0], s1  }
0x269: {  	s1 =	ssub.s32 @!p0 $0x0, s1;
	[sflag:s0] =	ssyncset.done @!p0 $0x0  }
0x26a: {  	[sflag:s0] =	ssyncadd.s32 @!p0 s1  }
0x26b: {  	[bflag:$0x3] =	sbarrier.arrive $0xFFFF  }
0x26c: {  	_ =	shalt  }

</sc_bundles>
